<compile_context>
chip_gen: v7x
topology: tpu7x:2x2x1
jax: 0.10.2.dev20260603
libtpu: 0.0.44.dev20260713+nightly
codegen_flags: <defaults>
</compile_context>

<pallas_src>
import functools
import jax
import jax.numpy as jnp
from jax import lax
from jax.experimental import pallas as pl
from jax.experimental.pallas import tpu as pltpu
from jax.experimental.pallas import tpu_sc as plsc

N_NODES = 10000
N_EDGES = 320000
D_FEAT = 128
D_HALF = D_FEAT // 2

NUM_TILES = 16
CHUNK = 80
EDGES_PER_TILE = N_EDGES // NUM_TILES
NCH = EDGES_PER_TILE // CHUNK
NB = 5
NT = NCH // NB
N_PAD = 10240
ROWS_PER_TILE = N_PAD // NUM_TILES
LAST_ROWS = N_NODES - 15 * ROWS_PER_TILE
ZROWS = 80


def _drain(tbl_hbm, rows_b, sem):
    pltpu.make_async_copy(tbl_hbm.at[pl.ds(0, CHUNK)], rows_b, sem).wait()


@functools.partial(
    pl.kernel,
    out_type=jax.ShapeDtypeStruct((N_NODES, D_FEAT), jnp.float32),
    mesh=plsc.VectorSubcoreMesh(core_axis_name="c", subcore_axis_name="s"),
    compiler_params=pltpu.CompilerParams(use_tc_tiling_on_sc=False),
    scratch_types=(
        [pltpu.VMEM((EDGES_PER_TILE,), jnp.int32)] * 2 +
        [pltpu.VMEM((CHUNK, D_HALF), jnp.float32)] * NB +
        [pltpu.VMEM((ZROWS, D_HALF), jnp.float32),
         pltpu.VMEM_SHARED((N_PAD, D_HALF), jnp.float32)] +
        [pltpu.SemaphoreType.DMA] * (2 * NB)
    ),
)
def _mp_kernel(e1d_hbm, x2_hbm, out_hbm, *refs):
    c = lax.axis_index("c")
    s = lax.axis_index("s")
    idx_s, idx_d = refs[0], refs[1]
    rows = refs[2:2 + NB]
    zbuf, acc = refs[2 + NB], refs[3 + NB]
    gs = refs[4 + NB:4 + 2 * NB]
    ss = refs[4 + 2 * NB:4 + 3 * NB]

    def _xform(j):
        for q in range(CHUNK // 16):
            v = idx_s[pl.ds(j * CHUNK + q * 16, 16)]
            idx_s[pl.ds(j * CHUNK + q * 16, 16)] = v + v + c

    pltpu.sync_copy(e1d_hbm.at[pl.ds(s * EDGES_PER_TILE, EDGES_PER_TILE)],
                    idx_s)
    for k in range(NB - 1):
        _xform(k)
        pltpu.async_copy(x2_hbm.at[idx_s.at[pl.ds(k * CHUNK, CHUNK)]],
                         rows[k], gs[k])
    pltpu.sync_copy(
        e1d_hbm.at[pl.ds(N_EDGES + s * EDGES_PER_TILE, EDGES_PER_TILE)], idx_d)

    zeros16 = jnp.zeros((16,), jnp.float32)
    def _zstore(i, _):
        zbuf[i // (D_HALF // 16), pl.ds((i % (D_HALF // 16)) * 16, 16)] = zeros16
        return 0
    lax.fori_loop(0, ZROWS * (D_HALF // 16), _zstore, 0)
    base = s * ROWS_PER_TILE
    for k in range(ROWS_PER_TILE // ZROWS):
        pltpu.sync_copy(zbuf, acc.at[pl.ds(base + k * ZROWS, ZROWS)])
    plsc.subcore_barrier()

    def _slot(j, k, start_g, wait_s):
        _drain(x2_hbm, rows[k], gs[k])
        pltpu.async_copy(rows[k], acc.at[idx_d.at[pl.ds(j * CHUNK, CHUNK)]],
                         ss[k], add=True)
        if start_g:
            bn = (k + NB - 1) % NB
            if wait_s:
                _drain(x2_hbm, rows[bn], ss[bn])
            _xform(j + NB - 1)
            pltpu.async_copy(
                x2_hbm.at[idx_s.at[pl.ds((j + NB - 1) * CHUNK, CHUNK)]],
                rows[bn], gs[bn])

    for k in range(NB):
        _slot(k, k, start_g=True, wait_s=(k >= 1))

    def _turn(t, _):
        for k in range(NB):
            _slot(t * NB + k, k, start_g=True, wait_s=True)
        return 0
    lax.fori_loop(1, NT - 1, _turn, 0)

    for k in range(NB):
        _slot((NT - 1) * NB + k, k, start_g=(k == 0), wait_s=True)
    for k in range(NB):
        _drain(x2_hbm, rows[k], ss[k])

    plsc.subcore_barrier()
    col = c * D_HALF

    @pl.when(s < NUM_TILES - 1)
    def _():
        pltpu.sync_copy(acc.at[pl.ds(base, ROWS_PER_TILE)],
                        out_hbm.at[pl.ds(base, ROWS_PER_TILE),
                                   pl.ds(col, D_HALF)])

    @pl.when(s == NUM_TILES - 1)
    def _():
        pltpu.sync_copy(acc.at[pl.ds(base, LAST_ROWS)],
                        out_hbm.at[pl.ds(base, LAST_ROWS),
                                   pl.ds(col, D_HALF)])


def kernel(edge_index, x):
    e1d = edge_index.reshape(2 * N_EDGES)
    x2 = x.reshape(2 * N_NODES, D_HALF)
    return _mp_kernel(e1d, x2)

# --- scband reference (transcript-rebuilt; emitter-appended) ---
"""Pipeline reference for scband-message-passing-30812095381894 (READ-ONLY COPY).

The authoritative reference and input builder live on the scoring server;
editing this copy changes nothing except your own understanding.
"""

import jax, jax.numpy as jnp
import numpy as np

N_NODES = 10000
N_EDGES = 320000
D_FEAT = 128

def setup_inputs(seed: int = 0) -> dict:
    key = jax.random.key(seed)
    k1, k2 = jax.random.split(key)
    x = jax.random.normal(k1, (N_NODES, D_FEAT), dtype=jnp.float32)
    edge_index = jax.random.randint(k2, (2, N_EDGES), 0, N_NODES, dtype=jnp.int32)
    return {"edge_index": edge_index, "x": x}

def reference(edge_index, x):
    # MessagePassing.propagate with aggr='add':
    #   size = edge_index.max() + 1
    #   message: x_j = x gathered at source nodes (edge_index[0])
    #   aggregate: scatter-add messages to destination nodes (edge_index[1])
    #   update: identity
    num_segments = x.shape[0]
    src = edge_index[0]
    dst = edge_index[1]
    msg = jnp.take(x, src, axis=0)
    out = jax.ops.segment_sum(msg, dst, num_segments=num_segments)
    return out

if __name__ == "__main__":
    import jax
    _d = setup_inputs()
    print(jax.jit(kernel)(*tuple(_d.values())))

</pallas_src>

<mosaic_0001>
#map = affine_map<(d0, d1) -> (0)>
#map1 = affine_map<(d0, d1) -> (0, 0)>
module attributes {stable_mosaic.version = 14 : i64} {
  func.func @_mp_kernel(%arg0: i32, %arg1: i32, %arg2: memref<640000xi32, #tpu.memory_space<hbm>>, %arg3: memref<20000x64xf32, #tpu.memory_space<hbm>>, %arg4: memref<10000x128xf32, #tpu.memory_space<hbm>>, %arg5: memref<20000xi32, #tpu.memory_space<vmem>>, %arg6: memref<20000xi32, #tpu.memory_space<vmem>>, %arg7: memref<80x64xf32, #tpu.memory_space<vmem>>, %arg8: memref<80x64xf32, #tpu.memory_space<vmem>>, %arg9: memref<80x64xf32, #tpu.memory_space<vmem>>, %arg10: memref<80x64xf32, #tpu.memory_space<vmem>>, %arg11: memref<80x64xf32, #tpu.memory_space<vmem>>, %arg12: memref<80x64xf32, #tpu.memory_space<vmem>>, %arg13: memref<10240x64xf32, #tpu.memory_space<vmem_shared>>, %arg14: memref<!tpu.dma_semaphore, #tpu.memory_space<semaphore_mem>>, %arg15: memref<!tpu.dma_semaphore, #tpu.memory_space<semaphore_mem>>, %arg16: memref<!tpu.dma_semaphore, #tpu.memory_space<semaphore_mem>>, %arg17: memref<!tpu.dma_semaphore, #tpu.memory_space<semaphore_mem>>, %arg18: memref<!tpu.dma_semaphore, #tpu.memory_space<semaphore_mem>>, %arg19: memref<!tpu.dma_semaphore, #tpu.memory_space<semaphore_mem>>, %arg20: memref<!tpu.dma_semaphore, #tpu.memory_space<semaphore_mem>>, %arg21: memref<!tpu.dma_semaphore, #tpu.memory_space<semaphore_mem>>, %arg22: memref<!tpu.dma_semaphore, #tpu.memory_space<semaphore_mem>>, %arg23: memref<!tpu.dma_semaphore, #tpu.memory_space<semaphore_mem>>) attributes {dimension_semantics = [#tpu.dimension_semantics<core_parallel>, #tpu.dimension_semantics<subcore_parallel>], iteration_bounds = array<i64: 2, 16>, scalar_prefetch = 0 : i64, scratch_operands = 19 : i64, tpu.core_type = #tpu.core_type<sc_vector_subcore>, window_params = [{transform_indices = #map}, {transform_indices = #map1}, {transform_indices = #map1}]} {
    %mul3A = arith.constant 20000 : i32
    %mul3A_0 = arith.muli %arg1, %mul3A : i32
    "tpu.region"() ({
      %run_scoped3A = tpu.sem_alloc : memref<!tpu.dma_semaphore, #tpu.memory_space<semaphore_mem>>
      %dma_start3A_761 = tpu.memref_slice %arg2[%mul3A_0] : memref<640000xi32, #tpu.memory_space<hbm>> -> memref<20000xi32, #tpu.memory_space<hbm>>
      %dma_start3A_762 = tpu.memref_slice %arg2[%mul3A_0] : memref<640000xi32, #tpu.memory_space<hbm>> -> memref<20000xi32, #tpu.memory_space<hbm>>
      tpu.enqueue_dma source(%dma_start3A_762 : memref<20000xi32, #tpu.memory_space<hbm>>) target(%arg5 : memref<20000xi32, #tpu.memory_space<vmem>>) target_semaphore(%run_scoped3A : memref<!tpu.dma_semaphore, #tpu.memory_space<semaphore_mem>>)
      %dma_wait3A_763 = tpu.memref_slice %arg2[%mul3A_0] : memref<640000xi32, #tpu.memory_space<hbm>> -> memref<20000xi32, #tpu.memory_space<hbm>>
      %dma_wait3A_764 = tpu.memref_slice %arg2[%mul3A_0] : memref<640000xi32, #tpu.memory_space<hbm>> -> memref<20000xi32, #tpu.memory_space<hbm>>
      tpu.wait_dma2 semaphore(%run_scoped3A : memref<!tpu.dma_semaphore, #tpu.memory_space<semaphore_mem>>) src(%dma_wait3A_764 : memref<20000xi32, #tpu.memory_space<hbm>>) dst(%arg5 : memref<20000xi32, #tpu.memory_space<vmem>>)
      tpu.yield
    }) : () -> ()
    %get3A = arith.constant 0 : index
    %get3A_1 = tpu.vector_load %arg5[%get3A] {strides = array<i32>} : memref<20000xi32, #tpu.memory_space<vmem>>, vector<16xi32>,
    %get3A_2 = vector.shape_cast %get3A_1 : vector<16xi32> to vector<16xi32>
    %add3A = arith.addi %get3A_2, %get3A_2 : vector<16xi32>
    %add3A_3 = vector.broadcast %arg0 : i32 to vector<16xi32>
    %add3A_4 = arith.addi %add3A, %add3A_3 : vector<16xi32>
    %swap3A = arith.constant 0 : index
    %swap3A_5 = tpu.vector_load %arg5[%swap3A] {strides = array<i32>} : memref<20000xi32, #tpu.memory_space<vmem>>, vector<16xi32>,
    %swap3A_6 = vector.shape_cast %swap3A_5 : vector<16xi32> to vector<16xi32>
    %swap3A_7 = vector.shape_cast %add3A_4 : vector<16xi32> to vector<16xi32>
    tpu.vector_store %arg5[%swap3A], %swap3A_7 {strides = array<i32>} : memref<20000xi32, #tpu.memory_space<vmem>>, vector<16xi32>,
    %get3A_8 = arith.constant 16 : index
    %get3A_9 = tpu.vector_load %arg5[%get3A_8] {strides = array<i32>} : memref<20000xi32, #tpu.memory_space<vmem>>, vector<16xi32>,
    %get3A_10 = vector.shape_cast %get3A_9 : vector<16xi32> to vector<16xi32>
    %add3A_11 = arith.addi %get3A_10, %get3A_10 : vector<16xi32>
    %add3A_12 = vector.broadcast %arg0 : i32 to vector<16xi32>
    %add3A_13 = arith.addi %add3A_11, %add3A_12 : vector<16xi32>
    %swap3A_14 = arith.constant 16 : index
    %swap3A_15 = tpu.vector_load %arg5[%swap3A_14] {strides = array<i32>} : memref<20000xi32, #tpu.memory_space<vmem>>, vector<16xi32>,
    %swap3A_16 = vector.shape_cast %swap3A_15 : vector<16xi32> to vector<16xi32>
    %swap3A_17 = vector.shape_cast %add3A_13 : vector<16xi32> to vector<16xi32>
    tpu.vector_store %arg5[%swap3A_14], %swap3A_17 {strides = array<i32>} : memref<20000xi32, #tpu.memory_space<vmem>>, vector<16xi32>,
    %get3A_18 = arith.constant 32 : index
    %get3A_19 = tpu.vector_load %arg5[%get3A_18] {strides = array<i32>} : memref<20000xi32, #tpu.memory_space<vmem>>, vector<16xi32>,
    %get3A_20 = vector.shape_cast %get3A_19 : vector<16xi32> to vector<16xi32>
    %add3A_21 = arith.addi %get3A_20, %get3A_20 : vector<16xi32>
    %add3A_22 = vector.broadcast %arg0 : i32 to vector<16xi32>
    %add3A_23 = arith.addi %add3A_21, %add3A_22 : vector<16xi32>
    %swap3A_24 = arith.constant 32 : index
    %swap3A_25 = tpu.vector_load %arg5[%swap3A_24] {strides = array<i32>} : memref<20000xi32, #tpu.memory_space<vmem>>, vector<16xi32>,
    %swap3A_26 = vector.shape_cast %swap3A_25 : vector<16xi32> to vector<16xi32>
    %swap3A_27 = vector.shape_cast %add3A_23 : vector<16xi32> to vector<16xi32>
    tpu.vector_store %arg5[%swap3A_24], %swap3A_27 {strides = array<i32>} : memref<20000xi32, #tpu.memory_space<vmem>>, vector<16xi32>,
    %get3A_28 = arith.constant 48 : index
    %get3A_29 = tpu.vector_load %arg5[%get3A_28] {strides = array<i32>} : memref<20000xi32, #tpu.memory_space<vmem>>, vector<16xi32>,
    %get3A_30 = vector.shape_cast %get3A_29 : vector<16xi32> to vector<16xi32>
    %add3A_31 = arith.addi %get3A_30, %get3A_30 : vector<16xi32>
    %add3A_32 = vector.broadcast %arg0 : i32 to vector<16xi32>
    %add3A_33 = arith.addi %add3A_31, %add3A_32 : vector<16xi32>
    %swap3A_34 = arith.constant 48 : index
    %swap3A_35 = tpu.vector_load %arg5[%swap3A_34] {strides = array<i32>} : memref<20000xi32, #tpu.memory_space<vmem>>, vector<16xi32>,
    %swap3A_36 = vector.shape_cast %swap3A_35 : vector<16xi32> to vector<16xi32>
    %swap3A_37 = vector.shape_cast %add3A_33 : vector<16xi32> to vector<16xi32>
    tpu.vector_store %arg5[%swap3A_34], %swap3A_37 {strides = array<i32>} : memref<20000xi32, #tpu.memory_space<vmem>>, vector<16xi32>,
    %get3A_38 = arith.constant 64 : index
    %get3A_39 = tpu.vector_load %arg5[%get3A_38] {strides = array<i32>} : memref<20000xi32, #tpu.memory_space<vmem>>, vector<16xi32>,
    %get3A_40 = vector.shape_cast %get3A_39 : vector<16xi32> to vector<16xi32>
    %add3A_41 = arith.addi %get3A_40, %get3A_40 : vector<16xi32>
    %add3A_42 = vector.broadcast %arg0 : i32 to vector<16xi32>
    %add3A_43 = arith.addi %add3A_41, %add3A_42 : vector<16xi32>
    %swap3A_44 = arith.constant 64 : index
    %swap3A_45 = tpu.vector_load %arg5[%swap3A_44] {strides = array<i32>} : memref<20000xi32, #tpu.memory_space<vmem>>, vector<16xi32>,
    %swap3A_46 = vector.shape_cast %swap3A_45 : vector<16xi32> to vector<16xi32>
    %swap3A_47 = vector.shape_cast %add3A_43 : vector<16xi32> to vector<16xi32>
    tpu.vector_store %arg5[%swap3A_44], %swap3A_47 {strides = array<i32>} : memref<20000xi32, #tpu.memory_space<vmem>>, vector<16xi32>,
    %dma_start3A = arith.constant 0 : i32
    %dma_start3A_48 = tpu.memref_slice %arg5[%dma_start3A] : memref<20000xi32, #tpu.memory_space<vmem>> -> memref<80xi32, #tpu.memory_space<vmem>>
    %dma_start3A_49 = arith.constant 0 : i32
    %dma_start3A_50 = arith.constant 0 : i32
    %dma_start3A_51 = tpu.memref_slice %arg3[%dma_start3A_49, %dma_start3A_50] : memref<20000x64xf32, #tpu.memory_space<hbm>> -> memref<20000x64xf32, #tpu.memory_space<hbm>>
    tpu.enqueue_indirect_dma source(%dma_start3A_51 : memref<20000x64xf32, #tpu.memory_space<hbm>>) target(%arg7 : memref<80x64xf32, #tpu.memory_space<vmem>>) offsets(%dma_start3A_48 : memref<80xi32, #tpu.memory_space<vmem>>) semaphore(%arg14 : memref<!tpu.dma_semaphore, #tpu.memory_space<semaphore_mem>>)
    %get3A_52 = arith.constant 80 : index
    %get3A_53 = tpu.vector_load %arg5[%get3A_52] {strides = array<i32>} : memref<20000xi32, #tpu.memory_space<vmem>>, vector<16xi32>,
    %get3A_54 = vector.shape_cast %get3A_53 : vector<16xi32> to vector<16xi32>
    %add3A_55 = arith.addi %get3A_54, %get3A_54 : vector<16xi32>
    %add3A_56 = vector.broadcast %arg0 : i32 to vector<16xi32>
    %add3A_57 = arith.addi %add3A_55, %add3A_56 : vector<16xi32>
    %swap3A_58 = arith.constant 80 : index
    %swap3A_59 = tpu.vector_load %arg5[%swap3A_58] {strides = array<i32>} : memref<20000xi32, #tpu.memory_space<vmem>>, vector<16xi32>,
    %swap3A_60 = vector.shape_cast %swap3A_59 : vector<16xi32> to vector<16xi32>
    %swap3A_61 = vector.shape_cast %add3A_57 : vector<16xi32> to vector<16xi32>
    tpu.vector_store %arg5[%swap3A_58], %swap3A_61 {strides = array<i32>} : memref<20000xi32, #tpu.memory_space<vmem>>, vector<16xi32>,
    %get3A_62 = arith.constant 96 : index
    %get3A_63 = tpu.vector_load %arg5[%get3A_62] {strides = array<i32>} : memref<20000xi32, #tpu.memory_space<vmem>>, vector<16xi32>,
    %get3A_64 = vector.shape_cast %get3A_63 : vector<16xi32> to vector<16xi32>
    %add3A_65 = arith.addi %get3A_64, %get3A_64 : vector<16xi32>
    %add3A_66 = vector.broadcast %arg0 : i32 to vector<16xi32>
    %add3A_67 = arith.addi %add3A_65, %add3A_66 : vector<16xi32>
    %swap3A_68 = arith.constant 96 : index
    %swap3A_69 = tpu.vector_load %arg5[%swap3A_68] {strides = array<i32>} : memref<20000xi32, #tpu.memory_space<vmem>>, vector<16xi32>,
    %swap3A_70 = vector.shape_cast %swap3A_69 : vector<16xi32> to vector<16xi32>
    %swap3A_71 = vector.shape_cast %add3A_67 : vector<16xi32> to vector<16xi32>
    tpu.vector_store %arg5[%swap3A_68], %swap3A_71 {strides = array<i32>} : memref<20000xi32, #tpu.memory_space<vmem>>, vector<16xi32>,
    %get3A_72 = arith.constant 112 : index
    %get3A_73 = tpu.vector_load %arg5[%get3A_72] {strides = array<i32>} : memref<20000xi32, #tpu.memory_space<vmem>>, vector<16xi32>,
    %get3A_74 = vector.shape_cast %get3A_73 : vector<16xi32> to vector<16xi32>
    %add3A_75 = arith.addi %get3A_74, %get3A_74 : vector<16xi32>
    %add3A_76 = vector.broadcast %arg0 : i32 to vector<16xi32>
    %add3A_77 = arith.addi %add3A_75, %add3A_76 : vector<16xi32>
    %swap3A_78 = arith.constant 112 : index
    %swap3A_79 = tpu.vector_load %arg5[%swap3A_78] {strides = array<i32>} : memref<20000xi32, #tpu.memory_space<vmem>>, vector<16xi32>,
    %swap3A_80 = vector.shape_cast %swap3A_79 : vector<16xi32> to vector<16xi32>
    %swap3A_81 = vector.shape_cast %add3A_77 : vector<16xi32> to vector<16xi32>
    tpu.vector_store %arg5[%swap3A_78], %swap3A_81 {strides = array<i32>} : memref<20000xi32, #tpu.memory_space<vmem>>, vector<16xi32>,
    %get3A_82 = arith.constant 128 : index
    %get3A_83 = tpu.vector_load %arg5[%get3A_82] {strides = array<i32>} : memref<20000xi32, #tpu.memory_space<vmem>>, vector<16xi32>,
    %get3A_84 = vector.shape_cast %get3A_83 : vector<16xi32> to vector<16xi32>
    %add3A_85 = arith.addi %get3A_84, %get3A_84 : vector<16xi32>
    %add3A_86 = vector.broadcast %arg0 : i32 to vector<16xi32>
    %add3A_87 = arith.addi %add3A_85, %add3A_86 : vector<16xi32>
    %swap3A_88 = arith.constant 128 : index
    %swap3A_89 = tpu.vector_load %arg5[%swap3A_88] {strides = array<i32>} : memref<20000xi32, #tpu.memory_space<vmem>>, vector<16xi32>,
    %swap3A_90 = vector.shape_cast %swap3A_89 : vector<16xi32> to vector<16xi32>
    %swap3A_91 = vector.shape_cast %add3A_87 : vector<16xi32> to vector<16xi32>
    tpu.vector_store %arg5[%swap3A_88], %swap3A_91 {strides = array<i32>} : memref<20000xi32, #tpu.memory_space<vmem>>, vector<16xi32>,
    %get3A_92 = arith.constant 144 : index
    %get3A_93 = tpu.vector_load %arg5[%get3A_92] {strides = array<i32>} : memref<20000xi32, #tpu.memory_space<vmem>>, vector<16xi32>,
    %get3A_94 = vector.shape_cast %get3A_93 : vector<16xi32> to vector<16xi32>
    %add3A_95 = arith.addi %get3A_94, %get3A_94 : vector<16xi32>
    %add3A_96 = vector.broadcast %arg0 : i32 to vector<16xi32>
    %add3A_97 = arith.addi %add3A_95, %add3A_96 : vector<16xi32>
    %swap3A_98 = arith.constant 144 : index
    %swap3A_99 = tpu.vector_load %arg5[%swap3A_98] {strides = array<i32>} : memref<20000xi32, #tpu.memory_space<vmem>>, vector<16xi32>,
    %swap3A_100 = vector.shape_cast %swap3A_99 : vector<16xi32> to vector<16xi32>
    %swap3A_101 = vector.shape_cast %add3A_97 : vector<16xi32> to vector<16xi32>
    tpu.vector_store %arg5[%swap3A_98], %swap3A_101 {strides = array<i32>} : memref<20000xi32, #tpu.memory_space<vmem>>, vector<16xi32>,
    %dma_start3A_102 = arith.constant 80 : i32
    %dma_start3A_103 = tpu.memref_slice %arg5[%dma_start3A_102] : memref<20000xi32, #tpu.memory_space<vmem>> -> memref<80xi32, #tpu.memory_space<vmem>>
    %dma_start3A_104 = arith.constant 0 : i32
    %dma_start3A_105 = arith.constant 0 : i32
    %dma_start3A_106 = tpu.memref_slice %arg3[%dma_start3A_104, %dma_start3A_105] : memref<20000x64xf32, #tpu.memory_space<hbm>> -> memref<20000x64xf32, #tpu.memory_space<hbm>>
    tpu.enqueue_indirect_dma source(%dma_start3A_106 : memref<20000x64xf32, #tpu.memory_space<hbm>>) target(%arg8 : memref<80x64xf32, #tpu.memory_space<vmem>>) offsets(%dma_start3A_103 : memref<80xi32, #tpu.memory_space<vmem>>) semaphore(%arg15 : memref<!tpu.dma_semaphore, #tpu.memory_space<semaphore_mem>>)
    %get3A_107 = arith.constant 160 : index
    %get3A_108 = tpu.vector_load %arg5[%get3A_107] {strides = array<i32>} : memref<20000xi32, #tpu.memory_space<vmem>>, vector<16xi32>,
    %get3A_109 = vector.shape_cast %get3A_108 : vector<16xi32> to vector<16xi32>
    %add3A_110 = arith.addi %get3A_109, %get3A_109 : vector<16xi32>
    %add3A_111 = vector.broadcast %arg0 : i32 to vector<16xi32>
    %add3A_112 = arith.addi %add3A_110, %add3A_111 : vector<16xi32>
    %swap3A_113 = arith.constant 160 : index
    %swap3A_114 = tpu.vector_load %arg5[%swap3A_113] {strides = array<i32>} : memref<20000xi32, #tpu.memory_space<vmem>>, vector<16xi32>,
    %swap3A_115 = vector.shape_cast %swap3A_114 : vector<16xi32> to vector<16xi32>
    %swap3A_116 = vector.shape_cast %add3A_112 : vector<16xi32> to vector<16xi32>
    tpu.vector_store %arg5[%swap3A_113], %swap3A_116 {strides = array<i32>} : memref<20000xi32, #tpu.memory_space<vmem>>, vector<16xi32>,
    %get3A_117 = arith.constant 176 : index
    %get3A_118 = tpu.vector_load %arg5[%get3A_117] {strides = array<i32>} : memref<20000xi32, #tpu.memory_space<vmem>>, vector<16xi32>,
    %get3A_119 = vector.shape_cast %get3A_118 : vector<16xi32> to vector<16xi32>
    %add3A_120 = arith.addi %get3A_119, %get3A_119 : vector<16xi32>
    %add3A_121 = vector.broadcast %arg0 : i32 to vector<16xi32>
    %add3A_122 = arith.addi %add3A_120, %add3A_121 : vector<16xi32>
    %swap3A_123 = arith.constant 176 : index
    %swap3A_124 = tpu.vector_load %arg5[%swap3A_123] {strides = array<i32>} : memref<20000xi32, #tpu.memory_space<vmem>>, vector<16xi32>,
    %swap3A_125 = vector.shape_cast %swap3A_124 : vector<16xi32> to vector<16xi32>
    %swap3A_126 = vector.shape_cast %add3A_122 : vector<16xi32> to vector<16xi32>
    tpu.vector_store %arg5[%swap3A_123], %swap3A_126 {strides = array<i32>} : memref<20000xi32, #tpu.memory_space<vmem>>, vector<16xi32>,
    %get3A_127 = arith.constant 192 : index
    %get3A_128 = tpu.vector_load %arg5[%get3A_127] {strides = array<i32>} : memref<20000xi32, #tpu.memory_space<vmem>>, vector<16xi32>,
    %get3A_129 = vector.shape_cast %get3A_128 : vector<16xi32> to vector<16xi32>
    %add3A_130 = arith.addi %get3A_129, %get3A_129 : vector<16xi32>
    %add3A_131 = vector.broadcast %arg0 : i32 to vector<16xi32>
    %add3A_132 = arith.addi %add3A_130, %add3A_131 : vector<16xi32>
    %swap3A_133 = arith.constant 192 : index
    %swap3A_134 = tpu.vector_load %arg5[%swap3A_133] {strides = array<i32>} : memref<20000xi32, #tpu.memory_space<vmem>>, vector<16xi32>,
    %swap3A_135 = vector.shape_cast %swap3A_134 : vector<16xi32> to vector<16xi32>
    %swap3A_136 = vector.shape_cast %add3A_132 : vector<16xi32> to vector<16xi32>
    tpu.vector_store %arg5[%swap3A_133], %swap3A_136 {strides = array<i32>} : memref<20000xi32, #tpu.memory_space<vmem>>, vector<16xi32>,
    %get3A_137 = arith.constant 208 : index
    %get3A_138 = tpu.vector_load %arg5[%get3A_137] {strides = array<i32>} : memref<20000xi32, #tpu.memory_space<vmem>>, vector<16xi32>,
    %get3A_139 = vector.shape_cast %get3A_138 : vector<16xi32> to vector<16xi32>
    %add3A_140 = arith.addi %get3A_139, %get3A_139 : vector<16xi32>
    %add3A_141 = vector.broadcast %arg0 : i32 to vector<16xi32>
    %add3A_142 = arith.addi %add3A_140, %add3A_141 : vector<16xi32>
    %swap3A_143 = arith.constant 208 : index
    %swap3A_144 = tpu.vector_load %arg5[%swap3A_143] {strides = array<i32>} : memref<20000xi32, #tpu.memory_space<vmem>>, vector<16xi32>,
    %swap3A_145 = vector.shape_cast %swap3A_144 : vector<16xi32> to vector<16xi32>
    %swap3A_146 = vector.shape_cast %add3A_142 : vector<16xi32> to vector<16xi32>
    tpu.vector_store %arg5[%swap3A_143], %swap3A_146 {strides = array<i32>} : memref<20000xi32, #tpu.memory_space<vmem>>, vector<16xi32>,
    %get3A_147 = arith.constant 224 : index
    %get3A_148 = tpu.vector_load %arg5[%get3A_147] {strides = array<i32>} : memref<20000xi32, #tpu.memory_space<vmem>>, vector<16xi32>,
    %get3A_149 = vector.shape_cast %get3A_148 : vector<16xi32> to vector<16xi32>
    %add3A_150 = arith.addi %get3A_149, %get3A_149 : vector<16xi32>
    %add3A_151 = vector.broadcast %arg0 : i32 to vector<16xi32>
    %add3A_152 = arith.addi %add3A_150, %add3A_151 : vector<16xi32>
    %swap3A_153 = arith.constant 224 : index
    %swap3A_154 = tpu.vector_load %arg5[%swap3A_153] {strides = array<i32>} : memref<20000xi32, #tpu.memory_space<vmem>>, vector<16xi32>,
    %swap3A_155 = vector.shape_cast %swap3A_154 : vector<16xi32> to vector<16xi32>
    %swap3A_156 = vector.shape_cast %add3A_152 : vector<16xi32> to vector<16xi32>
    tpu.vector_store %arg5[%swap3A_153], %swap3A_156 {strides = array<i32>} : memref<20000xi32, #tpu.memory_space<vmem>>, vector<16xi32>,
    %dma_start3A_157 = arith.constant 160 : i32
    %dma_start3A_158 = tpu.memref_slice %arg5[%dma_start3A_157] : memref<20000xi32, #tpu.memory_space<vmem>> -> memref<80xi32, #tpu.memory_space<vmem>>
    %dma_start3A_159 = arith.constant 0 : i32
    %dma_start3A_160 = arith.constant 0 : i32
    %dma_start3A_161 = tpu.memref_slice %arg3[%dma_start3A_159, %dma_start3A_160] : memref<20000x64xf32, #tpu.memory_space<hbm>> -> memref<20000x64xf32, #tpu.memory_space<hbm>>
    tpu.enqueue_indirect_dma source(%dma_start3A_161 : memref<20000x64xf32, #tpu.memory_space<hbm>>) target(%arg9 : memref<80x64xf32, #tpu.memory_space<vmem>>) offsets(%dma_start3A_158 : memref<80xi32, #tpu.memory_space<vmem>>) semaphore(%arg16 : memref<!tpu.dma_semaphore, #tpu.memory_space<semaphore_mem>>)
    %get3A_162 = arith.constant 240 : index
    %get3A_163 = tpu.vector_load %arg5[%get3A_162] {strides = array<i32>} : memref<20000xi32, #tpu.memory_space<vmem>>, vector<16xi32>,
    %get3A_164 = vector.shape_cast %get3A_163 : vector<16xi32> to vector<16xi32>
    %add3A_165 = arith.addi %get3A_164, %get3A_164 : vector<16xi32>
    %add3A_166 = vector.broadcast %arg0 : i32 to vector<16xi32>
    %add3A_167 = arith.addi %add3A_165, %add3A_166 : vector<16xi32>
    %swap3A_168 = arith.constant 240 : index
    %swap3A_169 = tpu.vector_load %arg5[%swap3A_168] {strides = array<i32>} : memref<20000xi32, #tpu.memory_space<vmem>>, vector<16xi32>,
    %swap3A_170 = vector.shape_cast %swap3A_169 : vector<16xi32> to vector<16xi32>
    %swap3A_171 = vector.shape_cast %add3A_167 : vector<16xi32> to vector<16xi32>
    tpu.vector_store %arg5[%swap3A_168], %swap3A_171 {strides = array<i32>} : memref<20000xi32, #tpu.memory_space<vmem>>, vector<16xi32>,
    %get3A_172 = arith.constant 256 : index
    %get3A_173 = tpu.vector_load %arg5[%get3A_172] {strides = array<i32>} : memref<20000xi32, #tpu.memory_space<vmem>>, vector<16xi32>,
    %get3A_174 = vector.shape_cast %get3A_173 : vector<16xi32> to vector<16xi32>
    %add3A_175 = arith.addi %get3A_174, %get3A_174 : vector<16xi32>
    %add3A_176 = vector.broadcast %arg0 : i32 to vector<16xi32>
    %add3A_177 = arith.addi %add3A_175, %add3A_176 : vector<16xi32>
    %swap3A_178 = arith.constant 256 : index
    %swap3A_179 = tpu.vector_load %arg5[%swap3A_178] {strides = array<i32>} : memref<20000xi32, #tpu.memory_space<vmem>>, vector<16xi32>,
    %swap3A_180 = vector.shape_cast %swap3A_179 : vector<16xi32> to vector<16xi32>
    %swap3A_181 = vector.shape_cast %add3A_177 : vector<16xi32> to vector<16xi32>
    tpu.vector_store %arg5[%swap3A_178], %swap3A_181 {strides = array<i32>} : memref<20000xi32, #tpu.memory_space<vmem>>, vector<16xi32>,
    %get3A_182 = arith.constant 272 : index
    %get3A_183 = tpu.vector_load %arg5[%get3A_182] {strides = array<i32>} : memref<20000xi32, #tpu.memory_space<vmem>>, vector<16xi32>,
    %get3A_184 = vector.shape_cast %get3A_183 : vector<16xi32> to vector<16xi32>
    %add3A_185 = arith.addi %get3A_184, %get3A_184 : vector<16xi32>
    %add3A_186 = vector.broadcast %arg0 : i32 to vector<16xi32>
    %add3A_187 = arith.addi %add3A_185, %add3A_186 : vector<16xi32>
    %swap3A_188 = arith.constant 272 : index
    %swap3A_189 = tpu.vector_load %arg5[%swap3A_188] {strides = array<i32>} : memref<20000xi32, #tpu.memory_space<vmem>>, vector<16xi32>,
    %swap3A_190 = vector.shape_cast %swap3A_189 : vector<16xi32> to vector<16xi32>
    %swap3A_191 = vector.shape_cast %add3A_187 : vector<16xi32> to vector<16xi32>
    tpu.vector_store %arg5[%swap3A_188], %swap3A_191 {strides = array<i32>} : memref<20000xi32, #tpu.memory_space<vmem>>, vector<16xi32>,
    %get3A_192 = arith.constant 288 : index
    %get3A_193 = tpu.vector_load %arg5[%get3A_192] {strides = array<i32>} : memref<20000xi32, #tpu.memory_space<vmem>>, vector<16xi32>,
    %get3A_194 = vector.shape_cast %get3A_193 : vector<16xi32> to vector<16xi32>
    %add3A_195 = arith.addi %get3A_194, %get3A_194 : vector<16xi32>
    %add3A_196 = vector.broadcast %arg0 : i32 to vector<16xi32>
    %add3A_197 = arith.addi %add3A_195, %add3A_196 : vector<16xi32>
    %swap3A_198 = arith.constant 288 : index
    %swap3A_199 = tpu.vector_load %arg5[%swap3A_198] {strides = array<i32>} : memref<20000xi32, #tpu.memory_space<vmem>>, vector<16xi32>,
    %swap3A_200 = vector.shape_cast %swap3A_199 : vector<16xi32> to vector<16xi32>
    %swap3A_201 = vector.shape_cast %add3A_197 : vector<16xi32> to vector<16xi32>
    tpu.vector_store %arg5[%swap3A_198], %swap3A_201 {strides = array<i32>} : memref<20000xi32, #tpu.memory_space<vmem>>, vector<16xi32>,
    %get3A_202 = arith.constant 304 : index
    %get3A_203 = tpu.vector_load %arg5[%get3A_202] {strides = array<i32>} : memref<20000xi32, #tpu.memory_space<vmem>>, vector<16xi32>,
    %get3A_204 = vector.shape_cast %get3A_203 : vector<16xi32> to vector<16xi32>
    %add3A_205 = arith.addi %get3A_204, %get3A_204 : vector<16xi32>
    %add3A_206 = vector.broadcast %arg0 : i32 to vector<16xi32>
    %add3A_207 = arith.addi %add3A_205, %add3A_206 : vector<16xi32>
    %swap3A_208 = arith.constant 304 : index
    %swap3A_209 = tpu.vector_load %arg5[%swap3A_208] {strides = array<i32>} : memref<20000xi32, #tpu.memory_space<vmem>>, vector<16xi32>,
    %swap3A_210 = vector.shape_cast %swap3A_209 : vector<16xi32> to vector<16xi32>
    %swap3A_211 = vector.shape_cast %add3A_207 : vector<16xi32> to vector<16xi32>
    tpu.vector_store %arg5[%swap3A_208], %swap3A_211 {strides = array<i32>} : memref<20000xi32, #tpu.memory_space<vmem>>, vector<16xi32>,
    %dma_start3A_212 = arith.constant 240 : i32
    %dma_start3A_213 = tpu.memref_slice %arg5[%dma_start3A_212] : memref<20000xi32, #tpu.memory_space<vmem>> -> memref<80xi32, #tpu.memory_space<vmem>>
    %dma_start3A_214 = arith.constant 0 : i32
    %dma_start3A_215 = arith.constant 0 : i32
    %dma_start3A_216 = tpu.memref_slice %arg3[%dma_start3A_214, %dma_start3A_215] : memref<20000x64xf32, #tpu.memory_space<hbm>> -> memref<20000x64xf32, #tpu.memory_space<hbm>>
    tpu.enqueue_indirect_dma source(%dma_start3A_216 : memref<20000x64xf32, #tpu.memory_space<hbm>>) target(%arg10 : memref<80x64xf32, #tpu.memory_space<vmem>>) offsets(%dma_start3A_213 : memref<80xi32, #tpu.memory_space<vmem>>) semaphore(%arg17 : memref<!tpu.dma_semaphore, #tpu.memory_space<semaphore_mem>>)
    %mul3A_217 = arith.constant 20000 : i32
    %mul3A_218 = arith.muli %arg1, %mul3A_217 : i32
    %add3A_219 = arith.constant 320000 : i32
    %add3A_220 = arith.addi %add3A_219, %mul3A_218 : i32
    "tpu.region"() ({
      %run_scoped3A = tpu.sem_alloc : memref<!tpu.dma_semaphore, #tpu.memory_space<semaphore_mem>>
      %dma_start3A_761 = tpu.memref_slice %arg2[%add3A_220] : memref<640000xi32, #tpu.memory_space<hbm>> -> memref<20000xi32, #tpu.memory_space<hbm>>
      %dma_start3A_762 = tpu.memref_slice %arg2[%add3A_220] : memref<640000xi32, #tpu.memory_space<hbm>> -> memref<20000xi32, #tpu.memory_space<hbm>>
      tpu.enqueue_dma source(%dma_start3A_762 : memref<20000xi32, #tpu.memory_space<hbm>>) target(%arg6 : memref<20000xi32, #tpu.memory_space<vmem>>) target_semaphore(%run_scoped3A : memref<!tpu.dma_semaphore, #tpu.memory_space<semaphore_mem>>)
      %dma_wait3A_763 = tpu.memref_slice %arg2[%add3A_220] : memref<640000xi32, #tpu.memory_space<hbm>> -> memref<20000xi32, #tpu.memory_space<hbm>>
      %dma_wait3A_764 = tpu.memref_slice %arg2[%add3A_220] : memref<640000xi32, #tpu.memory_space<hbm>> -> memref<20000xi32, #tpu.memory_space<hbm>>
      tpu.wait_dma2 semaphore(%run_scoped3A : memref<!tpu.dma_semaphore, #tpu.memory_space<semaphore_mem>>) src(%dma_wait3A_764 : memref<20000xi32, #tpu.memory_space<hbm>>) dst(%arg6 : memref<20000xi32, #tpu.memory_space<vmem>>)
      tpu.yield
    }) : () -> ()
    %broadcast_in_dim3A = arith.constant 0.000000e+00 : f32
    %broadcast_in_dim3A_221 = vector.broadcast %broadcast_in_dim3A : f32 to vector<16xf32>
    %scan3A = arith.constant 0 : i32
    %scan3A_222 = arith.constant 0 : i32
    %scan3A_223 = arith.constant 320 : i32
    %scan3A_224 = arith.addi %scan3A_222, %scan3A_223 : i32
    %scan3A_225 = arith.constant 1 : i32
    %scan3A_226 = scf.for %scan3A_761 = %scan3A_222 to %scan3A_224 step %scan3A_225 iter_args(%scan3A_762 = %scan3A) -> (i32)  : i32 {
      %jit3A = arith.constant 4 : i32
      %div3A = arith.divsi %scan3A_761, %jit3A : i32
      %sign3A = arith.constant 0 : i32
      %sign3A_763 = arith.cmpi sgt, %scan3A_761, %sign3A : i32
      %sign3A_764 = arith.extui %sign3A_763 : i1 to i32
      %sign3A_765 = arith.constant 0 : i32
      %sign3A_766 = arith.cmpi slt, %scan3A_761, %sign3A_765 : i32
      %sign3A_767 = arith.extui %sign3A_766 : i1 to i32
      %sign3A_768 = arith.subi %sign3A_764, %sign3A_767 : i32
      %sign3A_769 = arith.constant 0 : i32
      %sign3A_770 = arith.cmpi sgt, %jit3A, %sign3A_769 : i32
      %sign3A_771 = arith.extui %sign3A_770 : i1 to i32
      %sign3A_772 = arith.constant 0 : i32
      %sign3A_773 = arith.cmpi slt, %jit3A, %sign3A_772 : i32
      %sign3A_774 = arith.extui %sign3A_773 : i1 to i32
      %sign3A_775 = arith.subi %sign3A_771, %sign3A_774 : i32
      %ne3A = arith.cmpi ne, %sign3A_768, %sign3A_775 : i32
      %rem3A = arith.remsi %scan3A_761, %jit3A : i32
      %ne3A_776 = arith.constant 0 : i32
      %ne3A_777 = arith.cmpi ne, %rem3A, %ne3A_776 : i32
      %and3A = arith.andi %ne3A, %ne3A_777 : i1
      %sub3A = arith.constant 1 : i32
      %sub3A_778 = arith.subi %div3A, %sub3A : i32
      %select_n3A = arith.select %and3A, %sub3A_778, %div3A : i32
      %jit3A_779 = arith.constant 4 : i32
      %eq3A_780 = arith.constant 0 : i32
      %eq3A_781 = arith.cmpi eq, %jit3A_779, %eq3A_780 : i32
      %jit3A_782 = arith.constant 1 : i32
      %select_n3A_783 = arith.select %eq3A_781, %jit3A_782, %jit3A_779 : i32
      %rem3A_784 = arith.remsi %scan3A_761, %select_n3A_783 : i32
      %ne3A_785 = arith.constant 0 : i32
      %ne3A_786 = arith.cmpi ne, %rem3A_784, %ne3A_785 : i32
      %lt3A_787 = arith.constant 0 : i32
      %lt3A_788 = arith.cmpi slt, %rem3A_784, %lt3A_787 : i32
      %lt3A_789 = arith.constant 0 : i32
      %lt3A_790 = arith.cmpi slt, %select_n3A_783, %lt3A_789 : i32
      %ne3A_791 = arith.xori %lt3A_788, %lt3A_790 : i1
      %and3A_792 = arith.andi %ne3A_791, %ne3A_786 : i1
      %add3A_793 = arith.addi %rem3A_784, %select_n3A_783 : i32
      %select_n3A_794 = arith.select %and3A_792, %add3A_793, %rem3A_784 : i32
      %mul3A_795 = arith.constant 16 : i32
      %mul3A_796 = arith.muli %select_n3A_794, %mul3A_795 : i32
      %swap3A_797 = arith.index_cast %select_n3A : i32 to index
      %swap3A_798 = arith.index_cast %mul3A_796 : i32 to index
      %swap3A_799 = tpu.vector_load %arg12[%swap3A_797, %swap3A_798] {strides = array<i32>} : memref<80x64xf32, #tpu.memory_space<vmem>>, vector<1x16xf32>,
      %swap3A_800 = vector.shape_cast %swap3A_799 : vector<1x16xf32> to vector<16xf32>
      %swap3A_801 = vector.shape_cast %broadcast_in_dim3A_221 : vector<16xf32> to vector<1x16xf32>
      tpu.vector_store %arg12[%swap3A_797, %swap3A_798], %swap3A_801 {strides = array<i32>} : memref<80x64xf32, #tpu.memory_space<vmem>>, vector<1x16xf32>,
      %scan3A_802 = arith.constant 0 : i32
      scf.yield %scan3A_802 : i32
    }
    %scan3A_227 = arith.constant 320 : i32
    %mul3A_228 = arith.constant 640 : i32
    %mul3A_229 = arith.muli %arg1, %mul3A_228 : i32
    %add3A_230 = arith.constant 0 : i32
    %add3A_231 = arith.addi %mul3A_229, %add3A_230 : i32
    "tpu.region"() ({
      %run_scoped3A = tpu.sem_alloc : memref<!tpu.dma_semaphore, #tpu.memory_space<semaphore_mem>>
      %dma_start3A_761 = arith.constant 0 : i32
      %dma_start3A_762 = tpu.memref_slice %arg13[%add3A_231, %dma_start3A_761] : memref<10240x64xf32, #tpu.memory_space<vmem_shared>> -> memref<80x64xf32, #tpu.memory_space<vmem_shared>>
      %dma_start3A_763 = arith.constant 0 : i32
      %dma_start3A_764 = tpu.memref_slice %arg13[%add3A_231, %dma_start3A_763] : memref<10240x64xf32, #tpu.memory_space<vmem_shared>> -> memref<80x64xf32, #tpu.memory_space<vmem_shared>>
      tpu.enqueue_dma source(%arg12 : memref<80x64xf32, #tpu.memory_space<vmem>>) target(%dma_start3A_764 : memref<80x64xf32, #tpu.memory_space<vmem_shared>>) target_semaphore(%run_scoped3A : memref<!tpu.dma_semaphore, #tpu.memory_space<semaphore_mem>>)
      %dma_wait3A_765 = arith.constant 0 : i32
      %dma_wait3A_766 = tpu.memref_slice %arg13[%add3A_231, %dma_wait3A_765] : memref<10240x64xf32, #tpu.memory_space<vmem_shared>> -> memref<80x64xf32, #tpu.memory_space<vmem_shared>>
      %dma_wait3A_767 = arith.constant 0 : i32
      %dma_wait3A_768 = tpu.memref_slice %arg13[%add3A_231, %dma_wait3A_767] : memref<10240x64xf32, #tpu.memory_space<vmem_shared>> -> memref<80x64xf32, #tpu.memory_space<vmem_shared>>
      tpu.wait_dma2 semaphore(%run_scoped3A : memref<!tpu.dma_semaphore, #tpu.memory_space<semaphore_mem>>) src(%arg12 : memref<80x64xf32, #tpu.memory_space<vmem>>) dst(%dma_wait3A_768 : memref<80x64xf32, #tpu.memory_space<vmem_shared>>)
      tpu.yield
    }) : () -> ()
    %add3A_232 = arith.constant 80 : i32
    %add3A_233 = arith.addi %mul3A_229, %add3A_232 : i32
    "tpu.region"() ({
      %run_scoped3A = tpu.sem_alloc : memref<!tpu.dma_semaphore, #tpu.memory_space<semaphore_mem>>
      %dma_start3A_761 = arith.constant 0 : i32
      %dma_start3A_762 = tpu.memref_slice %arg13[%add3A_233, %dma_start3A_761] : memref<10240x64xf32, #tpu.memory_space<vmem_shared>> -> memref<80x64xf32, #tpu.memory_space<vmem_shared>>
      %dma_start3A_763 = arith.constant 0 : i32
      %dma_start3A_764 = tpu.memref_slice %arg13[%add3A_233, %dma_start3A_763] : memref<10240x64xf32, #tpu.memory_space<vmem_shared>> -> memref<80x64xf32, #tpu.memory_space<vmem_shared>>
      tpu.enqueue_dma source(%arg12 : memref<80x64xf32, #tpu.memory_space<vmem>>) target(%dma_start3A_764 : memref<80x64xf32, #tpu.memory_space<vmem_shared>>) target_semaphore(%run_scoped3A : memref<!tpu.dma_semaphore, #tpu.memory_space<semaphore_mem>>)
      %dma_wait3A_765 = arith.constant 0 : i32
      %dma_wait3A_766 = tpu.memref_slice %arg13[%add3A_233, %dma_wait3A_765] : memref<10240x64xf32, #tpu.memory_space<vmem_shared>> -> memref<80x64xf32, #tpu.memory_space<vmem_shared>>
      %dma_wait3A_767 = arith.constant 0 : i32
      %dma_wait3A_768 = tpu.memref_slice %arg13[%add3A_233, %dma_wait3A_767] : memref<10240x64xf32, #tpu.memory_space<vmem_shared>> -> memref<80x64xf32, #tpu.memory_space<vmem_shared>>
      tpu.wait_dma2 semaphore(%run_scoped3A : memref<!tpu.dma_semaphore, #tpu.memory_space<semaphore_mem>>) src(%arg12 : memref<80x64xf32, #tpu.memory_space<vmem>>) dst(%dma_wait3A_768 : memref<80x64xf32, #tpu.memory_space<vmem_shared>>)
      tpu.yield
    }) : () -> ()
    %add3A_234 = arith.constant 160 : i32
    %add3A_235 = arith.addi %mul3A_229, %add3A_234 : i32
    "tpu.region"() ({
      %run_scoped3A = tpu.sem_alloc : memref<!tpu.dma_semaphore, #tpu.memory_space<semaphore_mem>>
      %dma_start3A_761 = arith.constant 0 : i32
      %dma_start3A_762 = tpu.memref_slice %arg13[%add3A_235, %dma_start3A_761] : memref<10240x64xf32, #tpu.memory_space<vmem_shared>> -> memref<80x64xf32, #tpu.memory_space<vmem_shared>>
      %dma_start3A_763 = arith.constant 0 : i32
      %dma_start3A_764 = tpu.memref_slice %arg13[%add3A_235, %dma_start3A_763] : memref<10240x64xf32, #tpu.memory_space<vmem_shared>> -> memref<80x64xf32, #tpu.memory_space<vmem_shared>>
      tpu.enqueue_dma source(%arg12 : memref<80x64xf32, #tpu.memory_space<vmem>>) target(%dma_start3A_764 : memref<80x64xf32, #tpu.memory_space<vmem_shared>>) target_semaphore(%run_scoped3A : memref<!tpu.dma_semaphore, #tpu.memory_space<semaphore_mem>>)
      %dma_wait3A_765 = arith.constant 0 : i32
      %dma_wait3A_766 = tpu.memref_slice %arg13[%add3A_235, %dma_wait3A_765] : memref<10240x64xf32, #tpu.memory_space<vmem_shared>> -> memref<80x64xf32, #tpu.memory_space<vmem_shared>>
      %dma_wait3A_767 = arith.constant 0 : i32
      %dma_wait3A_768 = tpu.memref_slice %arg13[%add3A_235, %dma_wait3A_767] : memref<10240x64xf32, #tpu.memory_space<vmem_shared>> -> memref<80x64xf32, #tpu.memory_space<vmem_shared>>
      tpu.wait_dma2 semaphore(%run_scoped3A : memref<!tpu.dma_semaphore, #tpu.memory_space<semaphore_mem>>) src(%arg12 : memref<80x64xf32, #tpu.memory_space<vmem>>) dst(%dma_wait3A_768 : memref<80x64xf32, #tpu.memory_space<vmem_shared>>)
      tpu.yield
    }) : () -> ()
    %add3A_236 = arith.constant 240 : i32
    %add3A_237 = arith.addi %mul3A_229, %add3A_236 : i32
    "tpu.region"() ({
      %run_scoped3A = tpu.sem_alloc : memref<!tpu.dma_semaphore, #tpu.memory_space<semaphore_mem>>
      %dma_start3A_761 = arith.constant 0 : i32
      %dma_start3A_762 = tpu.memref_slice %arg13[%add3A_237, %dma_start3A_761] : memref<10240x64xf32, #tpu.memory_space<vmem_shared>> -> memref<80x64xf32, #tpu.memory_space<vmem_shared>>
      %dma_start3A_763 = arith.constant 0 : i32
      %dma_start3A_764 = tpu.memref_slice %arg13[%add3A_237, %dma_start3A_763] : memref<10240x64xf32, #tpu.memory_space<vmem_shared>> -> memref<80x64xf32, #tpu.memory_space<vmem_shared>>
      tpu.enqueue_dma source(%arg12 : memref<80x64xf32, #tpu.memory_space<vmem>>) target(%dma_start3A_764 : memref<80x64xf32, #tpu.memory_space<vmem_shared>>) target_semaphore(%run_scoped3A : memref<!tpu.dma_semaphore, #tpu.memory_space<semaphore_mem>>)
      %dma_wait3A_765 = arith.constant 0 : i32
      %dma_wait3A_766 = tpu.memref_slice %arg13[%add3A_237, %dma_wait3A_765] : memref<10240x64xf32, #tpu.memory_space<vmem_shared>> -> memref<80x64xf32, #tpu.memory_space<vmem_shared>>
      %dma_wait3A_767 = arith.constant 0 : i32
      %dma_wait3A_768 = tpu.memref_slice %arg13[%add3A_237, %dma_wait3A_767] : memref<10240x64xf32, #tpu.memory_space<vmem_shared>> -> memref<80x64xf32, #tpu.memory_space<vmem_shared>>
      tpu.wait_dma2 semaphore(%run_scoped3A : memref<!tpu.dma_semaphore, #tpu.memory_space<semaphore_mem>>) src(%arg12 : memref<80x64xf32, #tpu.memory_space<vmem>>) dst(%dma_wait3A_768 : memref<80x64xf32, #tpu.memory_space<vmem_shared>>)
      tpu.yield
    }) : () -> ()
    %add3A_238 = arith.constant 320 : i32
    %add3A_239 = arith.addi %mul3A_229, %add3A_238 : i32
    "tpu.region"() ({
      %run_scoped3A = tpu.sem_alloc : memref<!tpu.dma_semaphore, #tpu.memory_space<semaphore_mem>>
      %dma_start3A_761 = arith.constant 0 : i32
      %dma_start3A_762 = tpu.memref_slice %arg13[%add3A_239, %dma_start3A_761] : memref<10240x64xf32, #tpu.memory_space<vmem_shared>> -> memref<80x64xf32, #tpu.memory_space<vmem_shared>>
      %dma_start3A_763 = arith.constant 0 : i32
      %dma_start3A_764 = tpu.memref_slice %arg13[%add3A_239, %dma_start3A_763] : memref<10240x64xf32, #tpu.memory_space<vmem_shared>> -> memref<80x64xf32, #tpu.memory_space<vmem_shared>>
      tpu.enqueue_dma source(%arg12 : memref<80x64xf32, #tpu.memory_space<vmem>>) target(%dma_start3A_764 : memref<80x64xf32, #tpu.memory_space<vmem_shared>>) target_semaphore(%run_scoped3A : memref<!tpu.dma_semaphore, #tpu.memory_space<semaphore_mem>>)
      %dma_wait3A_765 = arith.constant 0 : i32
      %dma_wait3A_766 = tpu.memref_slice %arg13[%add3A_239, %dma_wait3A_765] : memref<10240x64xf32, #tpu.memory_space<vmem_shared>> -> memref<80x64xf32, #tpu.memory_space<vmem_shared>>
      %dma_wait3A_767 = arith.constant 0 : i32
      %dma_wait3A_768 = tpu.memref_slice %arg13[%add3A_239, %dma_wait3A_767] : memref<10240x64xf32, #tpu.memory_space<vmem_shared>> -> memref<80x64xf32, #tpu.memory_space<vmem_shared>>
      tpu.wait_dma2 semaphore(%run_scoped3A : memref<!tpu.dma_semaphore, #tpu.memory_space<semaphore_mem>>) src(%arg12 : memref<80x64xf32, #tpu.memory_space<vmem>>) dst(%dma_wait3A_768 : memref<80x64xf32, #tpu.memory_space<vmem_shared>>)
      tpu.yield
    }) : () -> ()
    %add3A_240 = arith.constant 400 : i32
    %add3A_241 = arith.addi %mul3A_229, %add3A_240 : i32
    "tpu.region"() ({
      %run_scoped3A = tpu.sem_alloc : memref<!tpu.dma_semaphore, #tpu.memory_space<semaphore_mem>>
      %dma_start3A_761 = arith.constant 0 : i32
      %dma_start3A_762 = tpu.memref_slice %arg13[%add3A_241, %dma_start3A_761] : memref<10240x64xf32, #tpu.memory_space<vmem_shared>> -> memref<80x64xf32, #tpu.memory_space<vmem_shared>>
      %dma_start3A_763 = arith.constant 0 : i32
      %dma_start3A_764 = tpu.memref_slice %arg13[%add3A_241, %dma_start3A_763] : memref<10240x64xf32, #tpu.memory_space<vmem_shared>> -> memref<80x64xf32, #tpu.memory_space<vmem_shared>>
      tpu.enqueue_dma source(%arg12 : memref<80x64xf32, #tpu.memory_space<vmem>>) target(%dma_start3A_764 : memref<80x64xf32, #tpu.memory_space<vmem_shared>>) target_semaphore(%run_scoped3A : memref<!tpu.dma_semaphore, #tpu.memory_space<semaphore_mem>>)
      %dma_wait3A_765 = arith.constant 0 : i32
      %dma_wait3A_766 = tpu.memref_slice %arg13[%add3A_241, %dma_wait3A_765] : memref<10240x64xf32, #tpu.memory_space<vmem_shared>> -> memref<80x64xf32, #tpu.memory_space<vmem_shared>>
      %dma_wait3A_767 = arith.constant 0 : i32
      %dma_wait3A_768 = tpu.memref_slice %arg13[%add3A_241, %dma_wait3A_767] : memref<10240x64xf32, #tpu.memory_space<vmem_shared>> -> memref<80x64xf32, #tpu.memory_space<vmem_shared>>
      tpu.wait_dma2 semaphore(%run_scoped3A : memref<!tpu.dma_semaphore, #tpu.memory_space<semaphore_mem>>) src(%arg12 : memref<80x64xf32, #tpu.memory_space<vmem>>) dst(%dma_wait3A_768 : memref<80x64xf32, #tpu.memory_space<vmem_shared>>)
      tpu.yield
    }) : () -> ()
    %add3A_242 = arith.constant 480 : i32
    %add3A_243 = arith.addi %mul3A_229, %add3A_242 : i32
    "tpu.region"() ({
      %run_scoped3A = tpu.sem_alloc : memref<!tpu.dma_semaphore, #tpu.memory_space<semaphore_mem>>
      %dma_start3A_761 = arith.constant 0 : i32
      %dma_start3A_762 = tpu.memref_slice %arg13[%add3A_243, %dma_start3A_761] : memref<10240x64xf32, #tpu.memory_space<vmem_shared>> -> memref<80x64xf32, #tpu.memory_space<vmem_shared>>
      %dma_start3A_763 = arith.constant 0 : i32
      %dma_start3A_764 = tpu.memref_slice %arg13[%add3A_243, %dma_start3A_763] : memref<10240x64xf32, #tpu.memory_space<vmem_shared>> -> memref<80x64xf32, #tpu.memory_space<vmem_shared>>
      tpu.enqueue_dma source(%arg12 : memref<80x64xf32, #tpu.memory_space<vmem>>) target(%dma_start3A_764 : memref<80x64xf32, #tpu.memory_space<vmem_shared>>) target_semaphore(%run_scoped3A : memref<!tpu.dma_semaphore, #tpu.memory_space<semaphore_mem>>)
      %dma_wait3A_765 = arith.constant 0 : i32
      %dma_wait3A_766 = tpu.memref_slice %arg13[%add3A_243, %dma_wait3A_765] : memref<10240x64xf32, #tpu.memory_space<vmem_shared>> -> memref<80x64xf32, #tpu.memory_space<vmem_shared>>
      %dma_wait3A_767 = arith.constant 0 : i32
      %dma_wait3A_768 = tpu.memref_slice %arg13[%add3A_243, %dma_wait3A_767] : memref<10240x64xf32, #tpu.memory_space<vmem_shared>> -> memref<80x64xf32, #tpu.memory_space<vmem_shared>>
      tpu.wait_dma2 semaphore(%run_scoped3A : memref<!tpu.dma_semaphore, #tpu.memory_space<semaphore_mem>>) src(%arg12 : memref<80x64xf32, #tpu.memory_space<vmem>>) dst(%dma_wait3A_768 : memref<80x64xf32, #tpu.memory_space<vmem_shared>>)
      tpu.yield
    }) : () -> ()
    %add3A_244 = arith.constant 560 : i32
    %add3A_245 = arith.addi %mul3A_229, %add3A_244 : i32
    "tpu.region"() ({
      %run_scoped3A = tpu.sem_alloc : memref<!tpu.dma_semaphore, #tpu.memory_space<semaphore_mem>>
      %dma_start3A_761 = arith.constant 0 : i32
      %dma_start3A_762 = tpu.memref_slice %arg13[%add3A_245, %dma_start3A_761] : memref<10240x64xf32, #tpu.memory_space<vmem_shared>> -> memref<80x64xf32, #tpu.memory_space<vmem_shared>>
      %dma_start3A_763 = arith.constant 0 : i32
      %dma_start3A_764 = tpu.memref_slice %arg13[%add3A_245, %dma_start3A_763] : memref<10240x64xf32, #tpu.memory_space<vmem_shared>> -> memref<80x64xf32, #tpu.memory_space<vmem_shared>>
      tpu.enqueue_dma source(%arg12 : memref<80x64xf32, #tpu.memory_space<vmem>>) target(%dma_start3A_764 : memref<80x64xf32, #tpu.memory_space<vmem_shared>>) target_semaphore(%run_scoped3A : memref<!tpu.dma_semaphore, #tpu.memory_space<semaphore_mem>>)
      %dma_wait3A_765 = arith.constant 0 : i32
      %dma_wait3A_766 = tpu.memref_slice %arg13[%add3A_245, %dma_wait3A_765] : memref<10240x64xf32, #tpu.memory_space<vmem_shared>> -> memref<80x64xf32, #tpu.memory_space<vmem_shared>>
      %dma_wait3A_767 = arith.constant 0 : i32
      %dma_wait3A_768 = tpu.memref_slice %arg13[%add3A_245, %dma_wait3A_767] : memref<10240x64xf32, #tpu.memory_space<vmem_shared>> -> memref<80x64xf32, #tpu.memory_space<vmem_shared>>
      tpu.wait_dma2 semaphore(%run_scoped3A : memref<!tpu.dma_semaphore, #tpu.memory_space<semaphore_mem>>) src(%arg12 : memref<80x64xf32, #tpu.memory_space<vmem>>) dst(%dma_wait3A_768 : memref<80x64xf32, #tpu.memory_space<vmem_shared>>)
      tpu.yield
    }) : () -> ()
    %barrier3A = arith.constant 0 : index
    tpu.barrier barrier_id(%barrier3A)
    %dma_wait3A = arith.constant 0 : i32
    %dma_wait3A_246 = arith.constant 0 : i32
    %dma_wait3A_247 = tpu.memref_slice %arg3[%dma_wait3A, %dma_wait3A_246] : memref<20000x64xf32, #tpu.memory_space<hbm>> -> memref<80x64xf32, #tpu.memory_space<hbm>>
    %dma_wait3A_248 = arith.constant 0 : i32
    %dma_wait3A_249 = arith.constant 0 : i32
    %dma_wait3A_250 = tpu.memref_slice %arg3[%dma_wait3A_248, %dma_wait3A_249] : memref<20000x64xf32, #tpu.memory_space<hbm>> -> memref<80x64xf32, #tpu.memory_space<hbm>>
    tpu.wait_dma2 semaphore(%arg14 : memref<!tpu.dma_semaphore, #tpu.memory_space<semaphore_mem>>) src(%dma_wait3A_250 : memref<80x64xf32, #tpu.memory_space<hbm>>) dst(%arg7 : memref<80x64xf32, #tpu.memory_space<vmem>>)
    %dma_start3A_251 = arith.constant 0 : i32
    %dma_start3A_252 = tpu.memref_slice %arg6[%dma_start3A_251] : memref<20000xi32, #tpu.memory_space<vmem>> -> memref<80xi32, #tpu.memory_space<vmem>>
    %dma_start3A_253 = arith.constant 0 : i32
    %dma_start3A_254 = arith.constant 0 : i32
    %dma_start3A_255 = tpu.memref_slice %arg13[%dma_start3A_253, %dma_start3A_254] : memref<10240x64xf32, #tpu.memory_space<vmem_shared>> -> memref<10240x64xf32, #tpu.memory_space<vmem_shared>>
    tpu.enqueue_indirect_dma source(%arg7 : memref<80x64xf32, #tpu.memory_space<vmem>>) target(%dma_start3A_255 : memref<10240x64xf32, #tpu.memory_space<vmem_shared>>) offsets(%dma_start3A_252 : memref<80xi32, #tpu.memory_space<vmem>>) semaphore(%arg19 : memref<!tpu.dma_semaphore, #tpu.memory_space<semaphore_mem>>) {add = true}
    %get3A_256 = arith.constant 320 : index
    %get3A_257 = tpu.vector_load %arg5[%get3A_256] {strides = array<i32>} : memref<20000xi32, #tpu.memory_space<vmem>>, vector<16xi32>,
    %get3A_258 = vector.shape_cast %get3A_257 : vector<16xi32> to vector<16xi32>
    %add3A_259 = arith.addi %get3A_258, %get3A_258 : vector<16xi32>
    %add3A_260 = vector.broadcast %arg0 : i32 to vector<16xi32>
    %add3A_261 = arith.addi %add3A_259, %add3A_260 : vector<16xi32>
    %swap3A_262 = arith.constant 320 : index
    %swap3A_263 = tpu.vector_load %arg5[%swap3A_262] {strides = array<i32>} : memref<20000xi32, #tpu.memory_space<vmem>>, vector<16xi32>,
    %swap3A_264 = vector.shape_cast %swap3A_263 : vector<16xi32> to vector<16xi32>
    %swap3A_265 = vector.shape_cast %add3A_261 : vector<16xi32> to vector<16xi32>
    tpu.vector_store %arg5[%swap3A_262], %swap3A_265 {strides = array<i32>} : memref<20000xi32, #tpu.memory_space<vmem>>, vector<16xi32>,
    %get3A_266 = arith.constant 336 : index
    %get3A_267 = tpu.vector_load %arg5[%get3A_266] {strides = array<i32>} : memref<20000xi32, #tpu.memory_space<vmem>>, vector<16xi32>,
    %get3A_268 = vector.shape_cast %get3A_267 : vector<16xi32> to vector<16xi32>
    %add3A_269 = arith.addi %get3A_268, %get3A_268 : vector<16xi32>
    %add3A_270 = vector.broadcast %arg0 : i32 to vector<16xi32>
    %add3A_271 = arith.addi %add3A_269, %add3A_270 : vector<16xi32>
    %swap3A_272 = arith.constant 336 : index
    %swap3A_273 = tpu.vector_load %arg5[%swap3A_272] {strides = array<i32>} : memref<20000xi32, #tpu.memory_space<vmem>>, vector<16xi32>,
    %swap3A_274 = vector.shape_cast %swap3A_273 : vector<16xi32> to vector<16xi32>
    %swap3A_275 = vector.shape_cast %add3A_271 : vector<16xi32> to vector<16xi32>
    tpu.vector_store %arg5[%swap3A_272], %swap3A_275 {strides = array<i32>} : memref<20000xi32, #tpu.memory_space<vmem>>, vector<16xi32>,
    %get3A_276 = arith.constant 352 : index
    %get3A_277 = tpu.vector_load %arg5[%get3A_276] {strides = array<i32>} : memref<20000xi32, #tpu.memory_space<vmem>>, vector<16xi32>,
    %get3A_278 = vector.shape_cast %get3A_277 : vector<16xi32> to vector<16xi32>
    %add3A_279 = arith.addi %get3A_278, %get3A_278 : vector<16xi32>
    %add3A_280 = vector.broadcast %arg0 : i32 to vector<16xi32>
    %add3A_281 = arith.addi %add3A_279, %add3A_280 : vector<16xi32>
    %swap3A_282 = arith.constant 352 : index
    %swap3A_283 = tpu.vector_load %arg5[%swap3A_282] {strides = array<i32>} : memref<20000xi32, #tpu.memory_space<vmem>>, vector<16xi32>,
    %swap3A_284 = vector.shape_cast %swap3A_283 : vector<16xi32> to vector<16xi32>
    %swap3A_285 = vector.shape_cast %add3A_281 : vector<16xi32> to vector<16xi32>
    tpu.vector_store %arg5[%swap3A_282], %swap3A_285 {strides = array<i32>} : memref<20000xi32, #tpu.memory_space<vmem>>, vector<16xi32>,
    %get3A_286 = arith.constant 368 : index
    %get3A_287 = tpu.vector_load %arg5[%get3A_286] {strides = array<i32>} : memref<20000xi32, #tpu.memory_space<vmem>>, vector<16xi32>,
    %get3A_288 = vector.shape_cast %get3A_287 : vector<16xi32> to vector<16xi32>
    %add3A_289 = arith.addi %get3A_288, %get3A_288 : vector<16xi32>
    %add3A_290 = vector.broadcast %arg0 : i32 to vector<16xi32>
    %add3A_291 = arith.addi %add3A_289, %add3A_290 : vector<16xi32>
    %swap3A_292 = arith.constant 368 : index
    %swap3A_293 = tpu.vector_load %arg5[%swap3A_292] {strides = array<i32>} : memref<20000xi32, #tpu.memory_space<vmem>>, vector<16xi32>,
    %swap3A_294 = vector.shape_cast %swap3A_293 : vector<16xi32> to vector<16xi32>
    %swap3A_295 = vector.shape_cast %add3A_291 : vector<16xi32> to vector<16xi32>
    tpu.vector_store %arg5[%swap3A_292], %swap3A_295 {strides = array<i32>} : memref<20000xi32, #tpu.memory_space<vmem>>, vector<16xi32>,
    %get3A_296 = arith.constant 384 : index
    %get3A_297 = tpu.vector_load %arg5[%get3A_296] {strides = array<i32>} : memref<20000xi32, #tpu.memory_space<vmem>>, vector<16xi32>,
    %get3A_298 = vector.shape_cast %get3A_297 : vector<16xi32> to vector<16xi32>
    %add3A_299 = arith.addi %get3A_298, %get3A_298 : vector<16xi32>
    %add3A_300 = vector.broadcast %arg0 : i32 to vector<16xi32>
    %add3A_301 = arith.addi %add3A_299, %add3A_300 : vector<16xi32>
    %swap3A_302 = arith.constant 384 : index
    %swap3A_303 = tpu.vector_load %arg5[%swap3A_302] {strides = array<i32>} : memref<20000xi32, #tpu.memory_space<vmem>>, vector<16xi32>,
    %swap3A_304 = vector.shape_cast %swap3A_303 : vector<16xi32> to vector<16xi32>
    %swap3A_305 = vector.shape_cast %add3A_301 : vector<16xi32> to vector<16xi32>
    tpu.vector_store %arg5[%swap3A_302], %swap3A_305 {strides = array<i32>} : memref<20000xi32, #tpu.memory_space<vmem>>, vector<16xi32>,
    %dma_start3A_306 = arith.constant 320 : i32
    %dma_start3A_307 = tpu.memref_slice %arg5[%dma_start3A_306] : memref<20000xi32, #tpu.memory_space<vmem>> -> memref<80xi32, #tpu.memory_space<vmem>>
    %dma_start3A_308 = arith.constant 0 : i32
    %dma_start3A_309 = arith.constant 0 : i32
    %dma_start3A_310 = tpu.memref_slice %arg3[%dma_start3A_308, %dma_start3A_309] : memref<20000x64xf32, #tpu.memory_space<hbm>> -> memref<20000x64xf32, #tpu.memory_space<hbm>>
    tpu.enqueue_indirect_dma source(%dma_start3A_310 : memref<20000x64xf32, #tpu.memory_space<hbm>>) target(%arg11 : memref<80x64xf32, #tpu.memory_space<vmem>>) offsets(%dma_start3A_307 : memref<80xi32, #tpu.memory_space<vmem>>) semaphore(%arg18 : memref<!tpu.dma_semaphore, #tpu.memory_space<semaphore_mem>>)
    %dma_wait3A_311 = arith.constant 0 : i32
    %dma_wait3A_312 = arith.constant 0 : i32
    %dma_wait3A_313 = tpu.memref_slice %arg3[%dma_wait3A_311, %dma_wait3A_312] : memref<20000x64xf32, #tpu.memory_space<hbm>> -> memref<80x64xf32, #tpu.memory_space<hbm>>
    %dma_wait3A_314 = arith.constant 0 : i32
    %dma_wait3A_315 = arith.constant 0 : i32
    %dma_wait3A_316 = tpu.memref_slice %arg3[%dma_wait3A_314, %dma_wait3A_315] : memref<20000x64xf32, #tpu.memory_space<hbm>> -> memref<80x64xf32, #tpu.memory_space<hbm>>
    tpu.wait_dma2 semaphore(%arg15 : memref<!tpu.dma_semaphore, #tpu.memory_space<semaphore_mem>>) src(%dma_wait3A_316 : memref<80x64xf32, #tpu.memory_space<hbm>>) dst(%arg8 : memref<80x64xf32, #tpu.memory_space<vmem>>)
    %dma_start3A_317 = arith.constant 80 : i32
    %dma_start3A_318 = tpu.memref_slice %arg6[%dma_start3A_317] : memref<20000xi32, #tpu.memory_space<vmem>> -> memref<80xi32, #tpu.memory_space<vmem>>
    %dma_start3A_319 = arith.constant 0 : i32
    %dma_start3A_320 = arith.constant 0 : i32
    %dma_start3A_321 = tpu.memref_slice %arg13[%dma_start3A_319, %dma_start3A_320] : memref<10240x64xf32, #tpu.memory_space<vmem_shared>> -> memref<10240x64xf32, #tpu.memory_space<vmem_shared>>
    tpu.enqueue_indirect_dma source(%arg8 : memref<80x64xf32, #tpu.memory_space<vmem>>) target(%dma_start3A_321 : memref<10240x64xf32, #tpu.memory_space<vmem_shared>>) offsets(%dma_start3A_318 : memref<80xi32, #tpu.memory_space<vmem>>) semaphore(%arg20 : memref<!tpu.dma_semaphore, #tpu.memory_space<semaphore_mem>>) {add = true}
    %dma_wait3A_322 = arith.constant 0 : i32
    %dma_wait3A_323 = arith.constant 0 : i32
    %dma_wait3A_324 = tpu.memref_slice %arg3[%dma_wait3A_322, %dma_wait3A_323] : memref<20000x64xf32, #tpu.memory_space<hbm>> -> memref<80x64xf32, #tpu.memory_space<hbm>>
    %dma_wait3A_325 = arith.constant 0 : i32
    %dma_wait3A_326 = arith.constant 0 : i32
    %dma_wait3A_327 = tpu.memref_slice %arg3[%dma_wait3A_325, %dma_wait3A_326] : memref<20000x64xf32, #tpu.memory_space<hbm>> -> memref<80x64xf32, #tpu.memory_space<hbm>>
    tpu.wait_dma2 semaphore(%arg19 : memref<!tpu.dma_semaphore, #tpu.memory_space<semaphore_mem>>) src(%dma_wait3A_327 : memref<80x64xf32, #tpu.memory_space<hbm>>) dst(%arg7 : memref<80x64xf32, #tpu.memory_space<vmem>>)
    %get3A_328 = arith.constant 400 : index
    %get3A_329 = tpu.vector_load %arg5[%get3A_328] {strides = array<i32>} : memref<20000xi32, #tpu.memory_space<vmem>>, vector<16xi32>,
    %get3A_330 = vector.shape_cast %get3A_329 : vector<16xi32> to vector<16xi32>
    %add3A_331 = arith.addi %get3A_330, %get3A_330 : vector<16xi32>
    %add3A_332 = vector.broadcast %arg0 : i32 to vector<16xi32>
    %add3A_333 = arith.addi %add3A_331, %add3A_332 : vector<16xi32>
    %swap3A_334 = arith.constant 400 : index
    %swap3A_335 = tpu.vector_load %arg5[%swap3A_334] {strides = array<i32>} : memref<20000xi32, #tpu.memory_space<vmem>>, vector<16xi32>,
    %swap3A_336 = vector.shape_cast %swap3A_335 : vector<16xi32> to vector<16xi32>
    %swap3A_337 = vector.shape_cast %add3A_333 : vector<16xi32> to vector<16xi32>
    tpu.vector_store %arg5[%swap3A_334], %swap3A_337 {strides = array<i32>} : memref<20000xi32, #tpu.memory_space<vmem>>, vector<16xi32>,
    %get3A_338 = arith.constant 416 : index
    %get3A_339 = tpu.vector_load %arg5[%get3A_338] {strides = array<i32>} : memref<20000xi32, #tpu.memory_space<vmem>>, vector<16xi32>,
    %get3A_340 = vector.shape_cast %get3A_339 : vector<16xi32> to vector<16xi32>
    %add3A_341 = arith.addi %get3A_340, %get3A_340 : vector<16xi32>
    %add3A_342 = vector.broadcast %arg0 : i32 to vector<16xi32>
    %add3A_343 = arith.addi %add3A_341, %add3A_342 : vector<16xi32>
    %swap3A_344 = arith.constant 416 : index
    %swap3A_345 = tpu.vector_load %arg5[%swap3A_344] {strides = array<i32>} : memref<20000xi32, #tpu.memory_space<vmem>>, vector<16xi32>,
    %swap3A_346 = vector.shape_cast %swap3A_345 : vector<16xi32> to vector<16xi32>
    %swap3A_347 = vector.shape_cast %add3A_343 : vector<16xi32> to vector<16xi32>
    tpu.vector_store %arg5[%swap3A_344], %swap3A_347 {strides = array<i32>} : memref<20000xi32, #tpu.memory_space<vmem>>, vector<16xi32>,
    %get3A_348 = arith.constant 432 : index
    %get3A_349 = tpu.vector_load %arg5[%get3A_348] {strides = array<i32>} : memref<20000xi32, #tpu.memory_space<vmem>>, vector<16xi32>,
    %get3A_350 = vector.shape_cast %get3A_349 : vector<16xi32> to vector<16xi32>
    %add3A_351 = arith.addi %get3A_350, %get3A_350 : vector<16xi32>
    %add3A_352 = vector.broadcast %arg0 : i32 to vector<16xi32>
    %add3A_353 = arith.addi %add3A_351, %add3A_352 : vector<16xi32>
    %swap3A_354 = arith.constant 432 : index
    %swap3A_355 = tpu.vector_load %arg5[%swap3A_354] {strides = array<i32>} : memref<20000xi32, #tpu.memory_space<vmem>>, vector<16xi32>,
    %swap3A_356 = vector.shape_cast %swap3A_355 : vector<16xi32> to vector<16xi32>
    %swap3A_357 = vector.shape_cast %add3A_353 : vector<16xi32> to vector<16xi32>
    tpu.vector_store %arg5[%swap3A_354], %swap3A_357 {strides = array<i32>} : memref<20000xi32, #tpu.memory_space<vmem>>, vector<16xi32>,
    %get3A_358 = arith.constant 448 : index
    %get3A_359 = tpu.vector_load %arg5[%get3A_358] {strides = array<i32>} : memref<20000xi32, #tpu.memory_space<vmem>>, vector<16xi32>,
    %get3A_360 = vector.shape_cast %get3A_359 : vector<16xi32> to vector<16xi32>
    %add3A_361 = arith.addi %get3A_360, %get3A_360 : vector<16xi32>
    %add3A_362 = vector.broadcast %arg0 : i32 to vector<16xi32>
    %add3A_363 = arith.addi %add3A_361, %add3A_362 : vector<16xi32>
    %swap3A_364 = arith.constant 448 : index
    %swap3A_365 = tpu.vector_load %arg5[%swap3A_364] {strides = array<i32>} : memref<20000xi32, #tpu.memory_space<vmem>>, vector<16xi32>,
    %swap3A_366 = vector.shape_cast %swap3A_365 : vector<16xi32> to vector<16xi32>
    %swap3A_367 = vector.shape_cast %add3A_363 : vector<16xi32> to vector<16xi32>
    tpu.vector_store %arg5[%swap3A_364], %swap3A_367 {strides = array<i32>} : memref<20000xi32, #tpu.memory_space<vmem>>, vector<16xi32>,
    %get3A_368 = arith.constant 464 : index
    %get3A_369 = tpu.vector_load %arg5[%get3A_368] {strides = array<i32>} : memref<20000xi32, #tpu.memory_space<vmem>>, vector<16xi32>,
    %get3A_370 = vector.shape_cast %get3A_369 : vector<16xi32> to vector<16xi32>
    %add3A_371 = arith.addi %get3A_370, %get3A_370 : vector<16xi32>
    %add3A_372 = vector.broadcast %arg0 : i32 to vector<16xi32>
    %add3A_373 = arith.addi %add3A_371, %add3A_372 : vector<16xi32>
    %swap3A_374 = arith.constant 464 : index
    %swap3A_375 = tpu.vector_load %arg5[%swap3A_374] {strides = array<i32>} : memref<20000xi32, #tpu.memory_space<vmem>>, vector<16xi32>,
    %swap3A_376 = vector.shape_cast %swap3A_375 : vector<16xi32> to vector<16xi32>
    %swap3A_377 = vector.shape_cast %add3A_373 : vector<16xi32> to vector<16xi32>
    tpu.vector_store %arg5[%swap3A_374], %swap3A_377 {strides = array<i32>} : memref<20000xi32, #tpu.memory_space<vmem>>, vector<16xi32>,
    %dma_start3A_378 = arith.constant 400 : i32
    %dma_start3A_379 = tpu.memref_slice %arg5[%dma_start3A_378] : memref<20000xi32, #tpu.memory_space<vmem>> -> memref<80xi32, #tpu.memory_space<vmem>>
    %dma_start3A_380 = arith.constant 0 : i32
    %dma_start3A_381 = arith.constant 0 : i32
    %dma_start3A_382 = tpu.memref_slice %arg3[%dma_start3A_380, %dma_start3A_381] : memref<20000x64xf32, #tpu.memory_space<hbm>> -> memref<20000x64xf32, #tpu.memory_space<hbm>>
    tpu.enqueue_indirect_dma source(%dma_start3A_382 : memref<20000x64xf32, #tpu.memory_space<hbm>>) target(%arg7 : memref<80x64xf32, #tpu.memory_space<vmem>>) offsets(%dma_start3A_379 : memref<80xi32, #tpu.memory_space<vmem>>) semaphore(%arg14 : memref<!tpu.dma_semaphore, #tpu.memory_space<semaphore_mem>>)
    %dma_wait3A_383 = arith.constant 0 : i32
    %dma_wait3A_384 = arith.constant 0 : i32
    %dma_wait3A_385 = tpu.memref_slice %arg3[%dma_wait3A_383, %dma_wait3A_384] : memref<20000x64xf32, #tpu.memory_space<hbm>> -> memref<80x64xf32, #tpu.memory_space<hbm>>
    %dma_wait3A_386 = arith.constant 0 : i32
    %dma_wait3A_387 = arith.constant 0 : i32
    %dma_wait3A_388 = tpu.memref_slice %arg3[%dma_wait3A_386, %dma_wait3A_387] : memref<20000x64xf32, #tpu.memory_space<hbm>> -> memref<80x64xf32, #tpu.memory_space<hbm>>
    tpu.wait_dma2 semaphore(%arg16 : memref<!tpu.dma_semaphore, #tpu.memory_space<semaphore_mem>>) src(%dma_wait3A_388 : memref<80x64xf32, #tpu.memory_space<hbm>>) dst(%arg9 : memref<80x64xf32, #tpu.memory_space<vmem>>)
    %dma_start3A_389 = arith.constant 160 : i32
    %dma_start3A_390 = tpu.memref_slice %arg6[%dma_start3A_389] : memref<20000xi32, #tpu.memory_space<vmem>> -> memref<80xi32, #tpu.memory_space<vmem>>
    %dma_start3A_391 = arith.constant 0 : i32
    %dma_start3A_392 = arith.constant 0 : i32
    %dma_start3A_393 = tpu.memref_slice %arg13[%dma_start3A_391, %dma_start3A_392] : memref<10240x64xf32, #tpu.memory_space<vmem_shared>> -> memref<10240x64xf32, #tpu.memory_space<vmem_shared>>
    tpu.enqueue_indirect_dma source(%arg9 : memref<80x64xf32, #tpu.memory_space<vmem>>) target(%dma_start3A_393 : memref<10240x64xf32, #tpu.memory_space<vmem_shared>>) offsets(%dma_start3A_390 : memref<80xi32, #tpu.memory_space<vmem>>) semaphore(%arg21 : memref<!tpu.dma_semaphore, #tpu.memory_space<semaphore_mem>>) {add = true}
    %dma_wait3A_394 = arith.constant 0 : i32
    %dma_wait3A_395 = arith.constant 0 : i32
    %dma_wait3A_396 = tpu.memref_slice %arg3[%dma_wait3A_394, %dma_wait3A_395] : memref<20000x64xf32, #tpu.memory_space<hbm>> -> memref<80x64xf32, #tpu.memory_space<hbm>>
    %dma_wait3A_397 = arith.constant 0 : i32
    %dma_wait3A_398 = arith.constant 0 : i32
    %dma_wait3A_399 = tpu.memref_slice %arg3[%dma_wait3A_397, %dma_wait3A_398] : memref<20000x64xf32, #tpu.memory_space<hbm>> -> memref<80x64xf32, #tpu.memory_space<hbm>>
    tpu.wait_dma2 semaphore(%arg20 : memref<!tpu.dma_semaphore, #tpu.memory_space<semaphore_mem>>) src(%dma_wait3A_399 : memref<80x64xf32, #tpu.memory_space<hbm>>) dst(%arg8 : memref<80x64xf32, #tpu.memory_space<vmem>>)
    %get3A_400 = arith.constant 480 : index
    %get3A_401 = tpu.vector_load %arg5[%get3A_400] {strides = array<i32>} : memref<20000xi32, #tpu.memory_space<vmem>>, vector<16xi32>,
    %get3A_402 = vector.shape_cast %get3A_401 : vector<16xi32> to vector<16xi32>
    %add3A_403 = arith.addi %get3A_402, %get3A_402 : vector<16xi32>
    %add3A_404 = vector.broadcast %arg0 : i32 to vector<16xi32>
    %add3A_405 = arith.addi %add3A_403, %add3A_404 : vector<16xi32>
    %swap3A_406 = arith.constant 480 : index
    %swap3A_407 = tpu.vector_load %arg5[%swap3A_406] {strides = array<i32>} : memref<20000xi32, #tpu.memory_space<vmem>>, vector<16xi32>,
    %swap3A_408 = vector.shape_cast %swap3A_407 : vector<16xi32> to vector<16xi32>
    %swap3A_409 = vector.shape_cast %add3A_405 : vector<16xi32> to vector<16xi32>
    tpu.vector_store %arg5[%swap3A_406], %swap3A_409 {strides = array<i32>} : memref<20000xi32, #tpu.memory_space<vmem>>, vector<16xi32>,
    %get3A_410 = arith.constant 496 : index
    %get3A_411 = tpu.vector_load %arg5[%get3A_410] {strides = array<i32>} : memref<20000xi32, #tpu.memory_space<vmem>>, vector<16xi32>,
    %get3A_412 = vector.shape_cast %get3A_411 : vector<16xi32> to vector<16xi32>
    %add3A_413 = arith.addi %get3A_412, %get3A_412 : vector<16xi32>
    %add3A_414 = vector.broadcast %arg0 : i32 to vector<16xi32>
    %add3A_415 = arith.addi %add3A_413, %add3A_414 : vector<16xi32>
    %swap3A_416 = arith.constant 496 : index
    %swap3A_417 = tpu.vector_load %arg5[%swap3A_416] {strides = array<i32>} : memref<20000xi32, #tpu.memory_space<vmem>>, vector<16xi32>,
    %swap3A_418 = vector.shape_cast %swap3A_417 : vector<16xi32> to vector<16xi32>
    %swap3A_419 = vector.shape_cast %add3A_415 : vector<16xi32> to vector<16xi32>
    tpu.vector_store %arg5[%swap3A_416], %swap3A_419 {strides = array<i32>} : memref<20000xi32, #tpu.memory_space<vmem>>, vector<16xi32>,
    %get3A_420 = arith.constant 512 : index
    %get3A_421 = tpu.vector_load %arg5[%get3A_420] {strides = array<i32>} : memref<20000xi32, #tpu.memory_space<vmem>>, vector<16xi32>,
    %get3A_422 = vector.shape_cast %get3A_421 : vector<16xi32> to vector<16xi32>
    %add3A_423 = arith.addi %get3A_422, %get3A_422 : vector<16xi32>
    %add3A_424 = vector.broadcast %arg0 : i32 to vector<16xi32>
    %add3A_425 = arith.addi %add3A_423, %add3A_424 : vector<16xi32>
    %swap3A_426 = arith.constant 512 : index
    %swap3A_427 = tpu.vector_load %arg5[%swap3A_426] {strides = array<i32>} : memref<20000xi32, #tpu.memory_space<vmem>>, vector<16xi32>,
    %swap3A_428 = vector.shape_cast %swap3A_427 : vector<16xi32> to vector<16xi32>
    %swap3A_429 = vector.shape_cast %add3A_425 : vector<16xi32> to vector<16xi32>
    tpu.vector_store %arg5[%swap3A_426], %swap3A_429 {strides = array<i32>} : memref<20000xi32, #tpu.memory_space<vmem>>, vector<16xi32>,
    %get3A_430 = arith.constant 528 : index
    %get3A_431 = tpu.vector_load %arg5[%get3A_430] {strides = array<i32>} : memref<20000xi32, #tpu.memory_space<vmem>>, vector<16xi32>,
    %get3A_432 = vector.shape_cast %get3A_431 : vector<16xi32> to vector<16xi32>
    %add3A_433 = arith.addi %get3A_432, %get3A_432 : vector<16xi32>
    %add3A_434 = vector.broadcast %arg0 : i32 to vector<16xi32>
    %add3A_435 = arith.addi %add3A_433, %add3A_434 : vector<16xi32>
    %swap3A_436 = arith.constant 528 : index
    %swap3A_437 = tpu.vector_load %arg5[%swap3A_436] {strides = array<i32>} : memref<20000xi32, #tpu.memory_space<vmem>>, vector<16xi32>,
    %swap3A_438 = vector.shape_cast %swap3A_437 : vector<16xi32> to vector<16xi32>
    %swap3A_439 = vector.shape_cast %add3A_435 : vector<16xi32> to vector<16xi32>
    tpu.vector_store %arg5[%swap3A_436], %swap3A_439 {strides = array<i32>} : memref<20000xi32, #tpu.memory_space<vmem>>, vector<16xi32>,
    %get3A_440 = arith.constant 544 : index
    %get3A_441 = tpu.vector_load %arg5[%get3A_440] {strides = array<i32>} : memref<20000xi32, #tpu.memory_space<vmem>>, vector<16xi32>,
    %get3A_442 = vector.shape_cast %get3A_441 : vector<16xi32> to vector<16xi32>
    %add3A_443 = arith.addi %get3A_442, %get3A_442 : vector<16xi32>
    %add3A_444 = vector.broadcast %arg0 : i32 to vector<16xi32>
    %add3A_445 = arith.addi %add3A_443, %add3A_444 : vector<16xi32>
    %swap3A_446 = arith.constant 544 : index
    %swap3A_447 = tpu.vector_load %arg5[%swap3A_446] {strides = array<i32>} : memref<20000xi32, #tpu.memory_space<vmem>>, vector<16xi32>,
    %swap3A_448 = vector.shape_cast %swap3A_447 : vector<16xi32> to vector<16xi32>
    %swap3A_449 = vector.shape_cast %add3A_445 : vector<16xi32> to vector<16xi32>
    tpu.vector_store %arg5[%swap3A_446], %swap3A_449 {strides = array<i32>} : memref<20000xi32, #tpu.memory_space<vmem>>, vector<16xi32>,
    %dma_start3A_450 = arith.constant 480 : i32
    %dma_start3A_451 = tpu.memref_slice %arg5[%dma_start3A_450] : memref<20000xi32, #tpu.memory_space<vmem>> -> memref<80xi32, #tpu.memory_space<vmem>>
    %dma_start3A_452 = arith.constant 0 : i32
    %dma_start3A_453 = arith.constant 0 : i32
    %dma_start3A_454 = tpu.memref_slice %arg3[%dma_start3A_452, %dma_start3A_453] : memref<20000x64xf32, #tpu.memory_space<hbm>> -> memref<20000x64xf32, #tpu.memory_space<hbm>>
    tpu.enqueue_indirect_dma source(%dma_start3A_454 : memref<20000x64xf32, #tpu.memory_space<hbm>>) target(%arg8 : memref<80x64xf32, #tpu.memory_space<vmem>>) offsets(%dma_start3A_451 : memref<80xi32, #tpu.memory_space<vmem>>) semaphore(%arg15 : memref<!tpu.dma_semaphore, #tpu.memory_space<semaphore_mem>>)
    %dma_wait3A_455 = arith.constant 0 : i32
    %dma_wait3A_456 = arith.constant 0 : i32
    %dma_wait3A_457 = tpu.memref_slice %arg3[%dma_wait3A_455, %dma_wait3A_456] : memref<20000x64xf32, #tpu.memory_space<hbm>> -> memref<80x64xf32, #tpu.memory_space<hbm>>
    %dma_wait3A_458 = arith.constant 0 : i32
    %dma_wait3A_459 = arith.constant 0 : i32
    %dma_wait3A_460 = tpu.memref_slice %arg3[%dma_wait3A_458, %dma_wait3A_459] : memref<20000x64xf32, #tpu.memory_space<hbm>> -> memref<80x64xf32, #tpu.memory_space<hbm>>
    tpu.wait_dma2 semaphore(%arg17 : memref<!tpu.dma_semaphore, #tpu.memory_space<semaphore_mem>>) src(%dma_wait3A_460 : memref<80x64xf32, #tpu.memory_space<hbm>>) dst(%arg10 : memref<80x64xf32, #tpu.memory_space<vmem>>)
    %dma_start3A_461 = arith.constant 240 : i32
    %dma_start3A_462 = tpu.memref_slice %arg6[%dma_start3A_461] : memref<20000xi32, #tpu.memory_space<vmem>> -> memref<80xi32, #tpu.memory_space<vmem>>
    %dma_start3A_463 = arith.constant 0 : i32
    %dma_start3A_464 = arith.constant 0 : i32
    %dma_start3A_465 = tpu.memref_slice %arg13[%dma_start3A_463, %dma_start3A_464] : memref<10240x64xf32, #tpu.memory_space<vmem_shared>> -> memref<10240x64xf32, #tpu.memory_space<vmem_shared>>
    tpu.enqueue_indirect_dma source(%arg10 : memref<80x64xf32, #tpu.memory_space<vmem>>) target(%dma_start3A_465 : memref<10240x64xf32, #tpu.memory_space<vmem_shared>>) offsets(%dma_start3A_462 : memref<80xi32, #tpu.memory_space<vmem>>) semaphore(%arg22 : memref<!tpu.dma_semaphore, #tpu.memory_space<semaphore_mem>>) {add = true}
    %dma_wait3A_466 = arith.constant 0 : i32
    %dma_wait3A_467 = arith.constant 0 : i32
    %dma_wait3A_468 = tpu.memref_slice %arg3[%dma_wait3A_466, %dma_wait3A_467] : memref<20000x64xf32, #tpu.memory_space<hbm>> -> memref<80x64xf32, #tpu.memory_space<hbm>>
    %dma_wait3A_469 = arith.constant 0 : i32
    %dma_wait3A_470 = arith.constant 0 : i32
    %dma_wait3A_471 = tpu.memref_slice %arg3[%dma_wait3A_469, %dma_wait3A_470] : memref<20000x64xf32, #tpu.memory_space<hbm>> -> memref<80x64xf32, #tpu.memory_space<hbm>>
    tpu.wait_dma2 semaphore(%arg21 : memref<!tpu.dma_semaphore, #tpu.memory_space<semaphore_mem>>) src(%dma_wait3A_471 : memref<80x64xf32, #tpu.memory_space<hbm>>) dst(%arg9 : memref<80x64xf32, #tpu.memory_space<vmem>>)
    %get3A_472 = arith.constant 560 : index
    %get3A_473 = tpu.vector_load %arg5[%get3A_472] {strides = array<i32>} : memref<20000xi32, #tpu.memory_space<vmem>>, vector<16xi32>,
    %get3A_474 = vector.shape_cast %get3A_473 : vector<16xi32> to vector<16xi32>
    %add3A_475 = arith.addi %get3A_474, %get3A_474 : vector<16xi32>
    %add3A_476 = vector.broadcast %arg0 : i32 to vector<16xi32>
    %add3A_477 = arith.addi %add3A_475, %add3A_476 : vector<16xi32>
    %swap3A_478 = arith.constant 560 : index
    %swap3A_479 = tpu.vector_load %arg5[%swap3A_478] {strides = array<i32>} : memref<20000xi32, #tpu.memory_space<vmem>>, vector<16xi32>,
    %swap3A_480 = vector.shape_cast %swap3A_479 : vector<16xi32> to vector<16xi32>
    %swap3A_481 = vector.shape_cast %add3A_477 : vector<16xi32> to vector<16xi32>
    tpu.vector_store %arg5[%swap3A_478], %swap3A_481 {strides = array<i32>} : memref<20000xi32, #tpu.memory_space<vmem>>, vector<16xi32>,
    %get3A_482 = arith.constant 576 : index
    %get3A_483 = tpu.vector_load %arg5[%get3A_482] {strides = array<i32>} : memref<20000xi32, #tpu.memory_space<vmem>>, vector<16xi32>,
    %get3A_484 = vector.shape_cast %get3A_483 : vector<16xi32> to vector<16xi32>
    %add3A_485 = arith.addi %get3A_484, %get3A_484 : vector<16xi32>
    %add3A_486 = vector.broadcast %arg0 : i32 to vector<16xi32>
    %add3A_487 = arith.addi %add3A_485, %add3A_486 : vector<16xi32>
    %swap3A_488 = arith.constant 576 : index
    %swap3A_489 = tpu.vector_load %arg5[%swap3A_488] {strides = array<i32>} : memref<20000xi32, #tpu.memory_space<vmem>>, vector<16xi32>,
    %swap3A_490 = vector.shape_cast %swap3A_489 : vector<16xi32> to vector<16xi32>
    %swap3A_491 = vector.shape_cast %add3A_487 : vector<16xi32> to vector<16xi32>
    tpu.vector_store %arg5[%swap3A_488], %swap3A_491 {strides = array<i32>} : memref<20000xi32, #tpu.memory_space<vmem>>, vector<16xi32>,
    %get3A_492 = arith.constant 592 : index
    %get3A_493 = tpu.vector_load %arg5[%get3A_492] {strides = array<i32>} : memref<20000xi32, #tpu.memory_space<vmem>>, vector<16xi32>,
    %get3A_494 = vector.shape_cast %get3A_493 : vector<16xi32> to vector<16xi32>
    %add3A_495 = arith.addi %get3A_494, %get3A_494 : vector<16xi32>
    %add3A_496 = vector.broadcast %arg0 : i32 to vector<16xi32>
    %add3A_497 = arith.addi %add3A_495, %add3A_496 : vector<16xi32>
    %swap3A_498 = arith.constant 592 : index
    %swap3A_499 = tpu.vector_load %arg5[%swap3A_498] {strides = array<i32>} : memref<20000xi32, #tpu.memory_space<vmem>>, vector<16xi32>,
    %swap3A_500 = vector.shape_cast %swap3A_499 : vector<16xi32> to vector<16xi32>
    %swap3A_501 = vector.shape_cast %add3A_497 : vector<16xi32> to vector<16xi32>
    tpu.vector_store %arg5[%swap3A_498], %swap3A_501 {strides = array<i32>} : memref<20000xi32, #tpu.memory_space<vmem>>, vector<16xi32>,
    %get3A_502 = arith.constant 608 : index
    %get3A_503 = tpu.vector_load %arg5[%get3A_502] {strides = array<i32>} : memref<20000xi32, #tpu.memory_space<vmem>>, vector<16xi32>,
    %get3A_504 = vector.shape_cast %get3A_503 : vector<16xi32> to vector<16xi32>
    %add3A_505 = arith.addi %get3A_504, %get3A_504 : vector<16xi32>
    %add3A_506 = vector.broadcast %arg0 : i32 to vector<16xi32>
    %add3A_507 = arith.addi %add3A_505, %add3A_506 : vector<16xi32>
    %swap3A_508 = arith.constant 608 : index
    %swap3A_509 = tpu.vector_load %arg5[%swap3A_508] {strides = array<i32>} : memref<20000xi32, #tpu.memory_space<vmem>>, vector<16xi32>,
    %swap3A_510 = vector.shape_cast %swap3A_509 : vector<16xi32> to vector<16xi32>
    %swap3A_511 = vector.shape_cast %add3A_507 : vector<16xi32> to vector<16xi32>
    tpu.vector_store %arg5[%swap3A_508], %swap3A_511 {strides = array<i32>} : memref<20000xi32, #tpu.memory_space<vmem>>, vector<16xi32>,
    %get3A_512 = arith.constant 624 : index
    %get3A_513 = tpu.vector_load %arg5[%get3A_512] {strides = array<i32>} : memref<20000xi32, #tpu.memory_space<vmem>>, vector<16xi32>,
    %get3A_514 = vector.shape_cast %get3A_513 : vector<16xi32> to vector<16xi32>
    %add3A_515 = arith.addi %get3A_514, %get3A_514 : vector<16xi32>
    %add3A_516 = vector.broadcast %arg0 : i32 to vector<16xi32>
    %add3A_517 = arith.addi %add3A_515, %add3A_516 : vector<16xi32>
    %swap3A_518 = arith.constant 624 : index
    %swap3A_519 = tpu.vector_load %arg5[%swap3A_518] {strides = array<i32>} : memref<20000xi32, #tpu.memory_space<vmem>>, vector<16xi32>,
    %swap3A_520 = vector.shape_cast %swap3A_519 : vector<16xi32> to vector<16xi32>
    %swap3A_521 = vector.shape_cast %add3A_517 : vector<16xi32> to vector<16xi32>
    tpu.vector_store %arg5[%swap3A_518], %swap3A_521 {strides = array<i32>} : memref<20000xi32, #tpu.memory_space<vmem>>, vector<16xi32>,
    %dma_start3A_522 = arith.constant 560 : i32
    %dma_start3A_523 = tpu.memref_slice %arg5[%dma_start3A_522] : memref<20000xi32, #tpu.memory_space<vmem>> -> memref<80xi32, #tpu.memory_space<vmem>>
    %dma_start3A_524 = arith.constant 0 : i32
    %dma_start3A_525 = arith.constant 0 : i32
    %dma_start3A_526 = tpu.memref_slice %arg3[%dma_start3A_524, %dma_start3A_525] : memref<20000x64xf32, #tpu.memory_space<hbm>> -> memref<20000x64xf32, #tpu.memory_space<hbm>>
    tpu.enqueue_indirect_dma source(%dma_start3A_526 : memref<20000x64xf32, #tpu.memory_space<hbm>>) target(%arg9 : memref<80x64xf32, #tpu.memory_space<vmem>>) offsets(%dma_start3A_523 : memref<80xi32, #tpu.memory_space<vmem>>) semaphore(%arg16 : memref<!tpu.dma_semaphore, #tpu.memory_space<semaphore_mem>>)
    %dma_wait3A_527 = arith.constant 0 : i32
    %dma_wait3A_528 = arith.constant 0 : i32
    %dma_wait3A_529 = tpu.memref_slice %arg3[%dma_wait3A_527, %dma_wait3A_528] : memref<20000x64xf32, #tpu.memory_space<hbm>> -> memref<80x64xf32, #tpu.memory_space<hbm>>
    %dma_wait3A_530 = arith.constant 0 : i32
    %dma_wait3A_531 = arith.constant 0 : i32
    %dma_wait3A_532 = tpu.memref_slice %arg3[%dma_wait3A_530, %dma_wait3A_531] : memref<20000x64xf32, #tpu.memory_space<hbm>> -> memref<80x64xf32, #tpu.memory_space<hbm>>
    tpu.wait_dma2 semaphore(%arg18 : memref<!tpu.dma_semaphore, #tpu.memory_space<semaphore_mem>>) src(%dma_wait3A_532 : memref<80x64xf32, #tpu.memory_space<hbm>>) dst(%arg11 : memref<80x64xf32, #tpu.memory_space<vmem>>)
    %dma_start3A_533 = arith.constant 320 : i32
    %dma_start3A_534 = tpu.memref_slice %arg6[%dma_start3A_533] : memref<20000xi32, #tpu.memory_space<vmem>> -> memref<80xi32, #tpu.memory_space<vmem>>
    %dma_start3A_535 = arith.constant 0 : i32
    %dma_start3A_536 = arith.constant 0 : i32
    %dma_start3A_537 = tpu.memref_slice %arg13[%dma_start3A_535, %dma_start3A_536] : memref<10240x64xf32, #tpu.memory_space<vmem_shared>> -> memref<10240x64xf32, #tpu.memory_space<vmem_shared>>
    tpu.enqueue_indirect_dma source(%arg11 : memref<80x64xf32, #tpu.memory_space<vmem>>) target(%dma_start3A_537 : memref<10240x64xf32, #tpu.memory_space<vmem_shared>>) offsets(%dma_start3A_534 : memref<80xi32, #tpu.memory_space<vmem>>) semaphore(%arg23 : memref<!tpu.dma_semaphore, #tpu.memory_space<semaphore_mem>>) {add = true}
    %dma_wait3A_538 = arith.constant 0 : i32
    %dma_wait3A_539 = arith.constant 0 : i32
    %dma_wait3A_540 = tpu.memref_slice %arg3[%dma_wait3A_538, %dma_wait3A_539] : memref<20000x64xf32, #tpu.memory_space<hbm>> -> memref<80x64xf32, #tpu.memory_space<hbm>>
    %dma_wait3A_541 = arith.constant 0 : i32
    %dma_wait3A_542 = arith.constant 0 : i32
    %dma_wait3A_543 = tpu.memref_slice %arg3[%dma_wait3A_541, %dma_wait3A_542] : memref<20000x64xf32, #tpu.memory_space<hbm>> -> memref<80x64xf32, #tpu.memory_space<hbm>>
    tpu.wait_dma2 semaphore(%arg22 : memref<!tpu.dma_semaphore, #tpu.memory_space<semaphore_mem>>) src(%dma_wait3A_543 : memref<80x64xf32, #tpu.memory_space<hbm>>) dst(%arg10 : memref<80x64xf32, #tpu.memory_space<vmem>>)
    %get3A_544 = arith.constant 640 : index
    %get3A_545 = tpu.vector_load %arg5[%get3A_544] {strides = array<i32>} : memref<20000xi32, #tpu.memory_space<vmem>>, vector<16xi32>,
    %get3A_546 = vector.shape_cast %get3A_545 : vector<16xi32> to vector<16xi32>
    %add3A_547 = arith.addi %get3A_546, %get3A_546 : vector<16xi32>
    %add3A_548 = vector.broadcast %arg0 : i32 to vector<16xi32>
    %add3A_549 = arith.addi %add3A_547, %add3A_548 : vector<16xi32>
    %swap3A_550 = arith.constant 640 : index
    %swap3A_551 = tpu.vector_load %arg5[%swap3A_550] {strides = array<i32>} : memref<20000xi32, #tpu.memory_space<vmem>>, vector<16xi32>,
    %swap3A_552 = vector.shape_cast %swap3A_551 : vector<16xi32> to vector<16xi32>
    %swap3A_553 = vector.shape_cast %add3A_549 : vector<16xi32> to vector<16xi32>
    tpu.vector_store %arg5[%swap3A_550], %swap3A_553 {strides = array<i32>} : memref<20000xi32, #tpu.memory_space<vmem>>, vector<16xi32>,
    %get3A_554 = arith.constant 656 : index
    %get3A_555 = tpu.vector_load %arg5[%get3A_554] {strides = array<i32>} : memref<20000xi32, #tpu.memory_space<vmem>>, vector<16xi32>,
    %get3A_556 = vector.shape_cast %get3A_555 : vector<16xi32> to vector<16xi32>
    %add3A_557 = arith.addi %get3A_556, %get3A_556 : vector<16xi32>
    %add3A_558 = vector.broadcast %arg0 : i32 to vector<16xi32>
    %add3A_559 = arith.addi %add3A_557, %add3A_558 : vector<16xi32>
    %swap3A_560 = arith.constant 656 : index
    %swap3A_561 = tpu.vector_load %arg5[%swap3A_560] {strides = array<i32>} : memref<20000xi32, #tpu.memory_space<vmem>>, vector<16xi32>,
    %swap3A_562 = vector.shape_cast %swap3A_561 : vector<16xi32> to vector<16xi32>
    %swap3A_563 = vector.shape_cast %add3A_559 : vector<16xi32> to vector<16xi32>
    tpu.vector_store %arg5[%swap3A_560], %swap3A_563 {strides = array<i32>} : memref<20000xi32, #tpu.memory_space<vmem>>, vector<16xi32>,
    %get3A_564 = arith.constant 672 : index
    %get3A_565 = tpu.vector_load %arg5[%get3A_564] {strides = array<i32>} : memref<20000xi32, #tpu.memory_space<vmem>>, vector<16xi32>,
    %get3A_566 = vector.shape_cast %get3A_565 : vector<16xi32> to vector<16xi32>
    %add3A_567 = arith.addi %get3A_566, %get3A_566 : vector<16xi32>
    %add3A_568 = vector.broadcast %arg0 : i32 to vector<16xi32>
    %add3A_569 = arith.addi %add3A_567, %add3A_568 : vector<16xi32>
    %swap3A_570 = arith.constant 672 : index
    %swap3A_571 = tpu.vector_load %arg5[%swap3A_570] {strides = array<i32>} : memref<20000xi32, #tpu.memory_space<vmem>>, vector<16xi32>,
    %swap3A_572 = vector.shape_cast %swap3A_571 : vector<16xi32> to vector<16xi32>
    %swap3A_573 = vector.shape_cast %add3A_569 : vector<16xi32> to vector<16xi32>
    tpu.vector_store %arg5[%swap3A_570], %swap3A_573 {strides = array<i32>} : memref<20000xi32, #tpu.memory_space<vmem>>, vector<16xi32>,
    %get3A_574 = arith.constant 688 : index
    %get3A_575 = tpu.vector_load %arg5[%get3A_574] {strides = array<i32>} : memref<20000xi32, #tpu.memory_space<vmem>>, vector<16xi32>,
    %get3A_576 = vector.shape_cast %get3A_575 : vector<16xi32> to vector<16xi32>
    %add3A_577 = arith.addi %get3A_576, %get3A_576 : vector<16xi32>
    %add3A_578 = vector.broadcast %arg0 : i32 to vector<16xi32>
    %add3A_579 = arith.addi %add3A_577, %add3A_578 : vector<16xi32>
    %swap3A_580 = arith.constant 688 : index
    %swap3A_581 = tpu.vector_load %arg5[%swap3A_580] {strides = array<i32>} : memref<20000xi32, #tpu.memory_space<vmem>>, vector<16xi32>,
    %swap3A_582 = vector.shape_cast %swap3A_581 : vector<16xi32> to vector<16xi32>
    %swap3A_583 = vector.shape_cast %add3A_579 : vector<16xi32> to vector<16xi32>
    tpu.vector_store %arg5[%swap3A_580], %swap3A_583 {strides = array<i32>} : memref<20000xi32, #tpu.memory_space<vmem>>, vector<16xi32>,
    %get3A_584 = arith.constant 704 : index
    %get3A_585 = tpu.vector_load %arg5[%get3A_584] {strides = array<i32>} : memref<20000xi32, #tpu.memory_space<vmem>>, vector<16xi32>,
    %get3A_586 = vector.shape_cast %get3A_585 : vector<16xi32> to vector<16xi32>
    %add3A_587 = arith.addi %get3A_586, %get3A_586 : vector<16xi32>
    %add3A_588 = vector.broadcast %arg0 : i32 to vector<16xi32>
    %add3A_589 = arith.addi %add3A_587, %add3A_588 : vector<16xi32>
    %swap3A_590 = arith.constant 704 : index
    %swap3A_591 = tpu.vector_load %arg5[%swap3A_590] {strides = array<i32>} : memref<20000xi32, #tpu.memory_space<vmem>>, vector<16xi32>,
    %swap3A_592 = vector.shape_cast %swap3A_591 : vector<16xi32> to vector<16xi32>
    %swap3A_593 = vector.shape_cast %add3A_589 : vector<16xi32> to vector<16xi32>
    tpu.vector_store %arg5[%swap3A_590], %swap3A_593 {strides = array<i32>} : memref<20000xi32, #tpu.memory_space<vmem>>, vector<16xi32>,
    %dma_start3A_594 = arith.constant 640 : i32
    %dma_start3A_595 = tpu.memref_slice %arg5[%dma_start3A_594] : memref<20000xi32, #tpu.memory_space<vmem>> -> memref<80xi32, #tpu.memory_space<vmem>>
    %dma_start3A_596 = arith.constant 0 : i32
    %dma_start3A_597 = arith.constant 0 : i32
    %dma_start3A_598 = tpu.memref_slice %arg3[%dma_start3A_596, %dma_start3A_597] : memref<20000x64xf32, #tpu.memory_space<hbm>> -> memref<20000x64xf32, #tpu.memory_space<hbm>>
    tpu.enqueue_indirect_dma source(%dma_start3A_598 : memref<20000x64xf32, #tpu.memory_space<hbm>>) target(%arg10 : memref<80x64xf32, #tpu.memory_space<vmem>>) offsets(%dma_start3A_595 : memref<80xi32, #tpu.memory_space<vmem>>) semaphore(%arg17 : memref<!tpu.dma_semaphore, #tpu.memory_space<semaphore_mem>>)
    %scan3A_599 = arith.constant 0 : i32
    %scan3A_600 = arith.constant 1 : i32
    %scan3A_601 = arith.constant 48 : i32
    %scan3A_602 = arith.addi %scan3A_600, %scan3A_601 : i32
    %scan3A_603 = arith.constant 1 : i32
    %scan3A_604 = scf.for %scan3A_761 = %scan3A_600 to %scan3A_602 step %scan3A_603 iter_args(%scan3A_762 = %scan3A_599) -> (i32)  : i32 {
      %mul3A_763 = arith.constant 5 : i32
      %mul3A_764 = arith.muli %scan3A_761, %mul3A_763 : i32
      %add3A_765 = arith.constant 0 : i32
      %add3A_766 = arith.addi %mul3A_764, %add3A_765 : i32
      %dma_wait3A_767 = arith.constant 0 : i32
      %dma_wait3A_768 = arith.constant 0 : i32
      %dma_wait3A_769 = tpu.memref_slice %arg3[%dma_wait3A_767, %dma_wait3A_768] : memref<20000x64xf32, #tpu.memory_space<hbm>> -> memref<80x64xf32, #tpu.memory_space<hbm>>
      %dma_wait3A_770 = arith.constant 0 : i32
      %dma_wait3A_771 = arith.constant 0 : i32
      %dma_wait3A_772 = tpu.memref_slice %arg3[%dma_wait3A_770, %dma_wait3A_771] : memref<20000x64xf32, #tpu.memory_space<hbm>> -> memref<80x64xf32, #tpu.memory_space<hbm>>
      tpu.wait_dma2 semaphore(%arg14 : memref<!tpu.dma_semaphore, #tpu.memory_space<semaphore_mem>>) src(%dma_wait3A_772 : memref<80x64xf32, #tpu.memory_space<hbm>>) dst(%arg7 : memref<80x64xf32, #tpu.memory_space<vmem>>)
      %mul3A_773 = arith.constant 80 : i32
      %mul3A_774 = arith.muli %add3A_766, %mul3A_773 : i32
      %dma_start3A_775 = tpu.memref_slice %arg6[%mul3A_774] : memref<20000xi32, #tpu.memory_space<vmem>> -> memref<80xi32, #tpu.memory_space<vmem>>
      %dma_start3A_776 = arith.constant 0 : i32
      %dma_start3A_777 = arith.constant 0 : i32
      %dma_start3A_778 = tpu.memref_slice %arg13[%dma_start3A_776, %dma_start3A_777] : memref<10240x64xf32, #tpu.memory_space<vmem_shared>> -> memref<10240x64xf32, #tpu.memory_space<vmem_shared>>
      tpu.enqueue_indirect_dma source(%arg7 : memref<80x64xf32, #tpu.memory_space<vmem>>) target(%dma_start3A_778 : memref<10240x64xf32, #tpu.memory_space<vmem_shared>>) offsets(%dma_start3A_775 : memref<80xi32, #tpu.memory_space<vmem>>) semaphore(%arg19 : memref<!tpu.dma_semaphore, #tpu.memory_space<semaphore_mem>>) {add = true}
      %dma_wait3A_779 = arith.constant 0 : i32
      %dma_wait3A_780 = arith.constant 0 : i32
      %dma_wait3A_781 = tpu.memref_slice %arg3[%dma_wait3A_779, %dma_wait3A_780] : memref<20000x64xf32, #tpu.memory_space<hbm>> -> memref<80x64xf32, #tpu.memory_space<hbm>>
      %dma_wait3A_782 = arith.constant 0 : i32
      %dma_wait3A_783 = arith.constant 0 : i32
      %dma_wait3A_784 = tpu.memref_slice %arg3[%dma_wait3A_782, %dma_wait3A_783] : memref<20000x64xf32, #tpu.memory_space<hbm>> -> memref<80x64xf32, #tpu.memory_space<hbm>>
      tpu.wait_dma2 semaphore(%arg23 : memref<!tpu.dma_semaphore, #tpu.memory_space<semaphore_mem>>) src(%dma_wait3A_784 : memref<80x64xf32, #tpu.memory_space<hbm>>) dst(%arg11 : memref<80x64xf32, #tpu.memory_space<vmem>>)
      %add3A_785 = arith.constant 5 : i32
      %add3A_786 = arith.addi %add3A_766, %add3A_785 : i32
      %sub3A = arith.constant 1 : i32
      %sub3A_787 = arith.subi %add3A_786, %sub3A : i32
      %mul3A_788 = arith.constant 80 : i32
      %mul3A_789 = arith.muli %sub3A_787, %mul3A_788 : i32
      %add3A_790 = arith.constant 0 : i32
      %add3A_791 = arith.addi %mul3A_789, %add3A_790 : i32
      %get3A_792 = arith.index_cast %add3A_791 : i32 to index
      %get3A_793 = tpu.vector_load %arg5[%get3A_792] {strides = array<i32>} : memref<20000xi32, #tpu.memory_space<vmem>>, vector<16xi32>,
      %get3A_794 = vector.shape_cast %get3A_793 : vector<16xi32> to vector<16xi32>
      %add3A_795 = arith.addi %get3A_794, %get3A_794 : vector<16xi32>
      %add3A_796 = vector.broadcast %arg0 : i32 to vector<16xi32>
      %add3A_797 = arith.addi %add3A_795, %add3A_796 : vector<16xi32>
      %mul3A_798 = arith.constant 80 : i32
      %mul3A_799 = arith.muli %sub3A_787, %mul3A_798 : i32
      %add3A_800 = arith.constant 0 : i32
      %add3A_801 = arith.addi %mul3A_799, %add3A_800 : i32
      %swap3A_802 = arith.index_cast %add3A_801 : i32 to index
      %swap3A_803 = tpu.vector_load %arg5[%swap3A_802] {strides = array<i32>} : memref<20000xi32, #tpu.memory_space<vmem>>, vector<16xi32>,
      %swap3A_804 = vector.shape_cast %swap3A_803 : vector<16xi32> to vector<16xi32>
      %swap3A_805 = vector.shape_cast %add3A_797 : vector<16xi32> to vector<16xi32>
      tpu.vector_store %arg5[%swap3A_802], %swap3A_805 {strides = array<i32>} : memref<20000xi32, #tpu.memory_space<vmem>>, vector<16xi32>,
      %mul3A_806 = arith.constant 80 : i32
      %mul3A_807 = arith.muli %sub3A_787, %mul3A_806 : i32
      %add3A_808 = arith.constant 16 : i32
      %add3A_809 = arith.addi %mul3A_807, %add3A_808 : i32
      %get3A_810 = arith.index_cast %add3A_809 : i32 to index
      %get3A_811 = tpu.vector_load %arg5[%get3A_810] {strides = array<i32>} : memref<20000xi32, #tpu.memory_space<vmem>>, vector<16xi32>,
      %get3A_812 = vector.shape_cast %get3A_811 : vector<16xi32> to vector<16xi32>
      %add3A_813 = arith.addi %get3A_812, %get3A_812 : vector<16xi32>
      %add3A_814 = vector.broadcast %arg0 : i32 to vector<16xi32>
      %add3A_815 = arith.addi %add3A_813, %add3A_814 : vector<16xi32>
      %mul3A_816 = arith.constant 80 : i32
      %mul3A_817 = arith.muli %sub3A_787, %mul3A_816 : i32
      %add3A_818 = arith.constant 16 : i32
      %add3A_819 = arith.addi %mul3A_817, %add3A_818 : i32
      %swap3A_820 = arith.index_cast %add3A_819 : i32 to index
      %swap3A_821 = tpu.vector_load %arg5[%swap3A_820] {strides = array<i32>} : memref<20000xi32, #tpu.memory_space<vmem>>, vector<16xi32>,
      %swap3A_822 = vector.shape_cast %swap3A_821 : vector<16xi32> to vector<16xi32>
      %swap3A_823 = vector.shape_cast %add3A_815 : vector<16xi32> to vector<16xi32>
      tpu.vector_store %arg5[%swap3A_820], %swap3A_823 {strides = array<i32>} : memref<20000xi32, #tpu.memory_space<vmem>>, vector<16xi32>,
      %mul3A_824 = arith.constant 80 : i32
      %mul3A_825 = arith.muli %sub3A_787, %mul3A_824 : i32
      %add3A_826 = arith.constant 32 : i32
      %add3A_827 = arith.addi %mul3A_825, %add3A_826 : i32
      %get3A_828 = arith.index_cast %add3A_827 : i32 to index
      %get3A_829 = tpu.vector_load %arg5[%get3A_828] {strides = array<i32>} : memref<20000xi32, #tpu.memory_space<vmem>>, vector<16xi32>,
      %get3A_830 = vector.shape_cast %get3A_829 : vector<16xi32> to vector<16xi32>
      %add3A_831 = arith.addi %get3A_830, %get3A_830 : vector<16xi32>
      %add3A_832 = vector.broadcast %arg0 : i32 to vector<16xi32>
      %add3A_833 = arith.addi %add3A_831, %add3A_832 : vector<16xi32>
      %mul3A_834 = arith.constant 80 : i32
      %mul3A_835 = arith.muli %sub3A_787, %mul3A_834 : i32
      %add3A_836 = arith.constant 32 : i32
      %add3A_837 = arith.addi %mul3A_835, %add3A_836 : i32
      %swap3A_838 = arith.index_cast %add3A_837 : i32 to index
      %swap3A_839 = tpu.vector_load %arg5[%swap3A_838] {strides = array<i32>} : memref<20000xi32, #tpu.memory_space<vmem>>, vector<16xi32>,
      %swap3A_840 = vector.shape_cast %swap3A_839 : vector<16xi32> to vector<16xi32>
      %swap3A_841 = vector.shape_cast %add3A_833 : vector<16xi32> to vector<16xi32>
      tpu.vector_store %arg5[%swap3A_838], %swap3A_841 {strides = array<i32>} : memref<20000xi32, #tpu.memory_space<vmem>>, vector<16xi32>,
      %mul3A_842 = arith.constant 80 : i32
      %mul3A_843 = arith.muli %sub3A_787, %mul3A_842 : i32
      %add3A_844 = arith.constant 48 : i32
      %add3A_845 = arith.addi %mul3A_843, %add3A_844 : i32
      %get3A_846 = arith.index_cast %add3A_845 : i32 to index
      %get3A_847 = tpu.vector_load %arg5[%get3A_846] {strides = array<i32>} : memref<20000xi32, #tpu.memory_space<vmem>>, vector<16xi32>,
      %get3A_848 = vector.shape_cast %get3A_847 : vector<16xi32> to vector<16xi32>
      %add3A_849 = arith.addi %get3A_848, %get3A_848 : vector<16xi32>
      %add3A_850 = vector.broadcast %arg0 : i32 to vector<16xi32>
      %add3A_851 = arith.addi %add3A_849, %add3A_850 : vector<16xi32>
      %mul3A_852 = arith.constant 80 : i32
      %mul3A_853 = arith.muli %sub3A_787, %mul3A_852 : i32
      %add3A_854 = arith.constant 48 : i32
      %add3A_855 = arith.addi %mul3A_853, %add3A_854 : i32
      %swap3A_856 = arith.index_cast %add3A_855 : i32 to index
      %swap3A_857 = tpu.vector_load %arg5[%swap3A_856] {strides = array<i32>} : memref<20000xi32, #tpu.memory_space<vmem>>, vector<16xi32>,
      %swap3A_858 = vector.shape_cast %swap3A_857 : vector<16xi32> to vector<16xi32>
      %swap3A_859 = vector.shape_cast %add3A_851 : vector<16xi32> to vector<16xi32>
      tpu.vector_store %arg5[%swap3A_856], %swap3A_859 {strides = array<i32>} : memref<20000xi32, #tpu.memory_space<vmem>>, vector<16xi32>,
      %mul3A_860 = arith.constant 80 : i32
      %mul3A_861 = arith.muli %sub3A_787, %mul3A_860 : i32
      %add3A_862 = arith.constant 64 : i32
      %add3A_863 = arith.addi %mul3A_861, %add3A_862 : i32
      %get3A_864 = arith.index_cast %add3A_863 : i32 to index
      %get3A_865 = tpu.vector_load %arg5[%get3A_864] {strides = array<i32>} : memref<20000xi32, #tpu.memory_space<vmem>>, vector<16xi32>,
      %get3A_866 = vector.shape_cast %get3A_865 : vector<16xi32> to vector<16xi32>
      %add3A_867 = arith.addi %get3A_866, %get3A_866 : vector<16xi32>
      %add3A_868 = vector.broadcast %arg0 : i32 to vector<16xi32>
      %add3A_869 = arith.addi %add3A_867, %add3A_868 : vector<16xi32>
      %mul3A_870 = arith.constant 80 : i32
      %mul3A_871 = arith.muli %sub3A_787, %mul3A_870 : i32
      %add3A_872 = arith.constant 64 : i32
      %add3A_873 = arith.addi %mul3A_871, %add3A_872 : i32
      %swap3A_874 = arith.index_cast %add3A_873 : i32 to index
      %swap3A_875 = tpu.vector_load %arg5[%swap3A_874] {strides = array<i32>} : memref<20000xi32, #tpu.memory_space<vmem>>, vector<16xi32>,
      %swap3A_876 = vector.shape_cast %swap3A_875 : vector<16xi32> to vector<16xi32>
      %swap3A_877 = vector.shape_cast %add3A_869 : vector<16xi32> to vector<16xi32>
      tpu.vector_store %arg5[%swap3A_874], %swap3A_877 {strides = array<i32>} : memref<20000xi32, #tpu.memory_space<vmem>>, vector<16xi32>,
      %add3A_878 = arith.constant 5 : i32
      %add3A_879 = arith.addi %add3A_766, %add3A_878 : i32
      %sub3A_880 = arith.constant 1 : i32
      %sub3A_881 = arith.subi %add3A_879, %sub3A_880 : i32
      %mul3A_882 = arith.constant 80 : i32
      %mul3A_883 = arith.muli %sub3A_881, %mul3A_882 : i32
      %dma_start3A_884 = tpu.memref_slice %arg5[%mul3A_883] : memref<20000xi32, #tpu.memory_space<vmem>> -> memref<80xi32, #tpu.memory_space<vmem>>
      %dma_start3A_885 = arith.constant 0 : i32
      %dma_start3A_886 = arith.constant 0 : i32
      %dma_start3A_887 = tpu.memref_slice %arg3[%dma_start3A_885, %dma_start3A_886] : memref<20000x64xf32, #tpu.memory_space<hbm>> -> memref<20000x64xf32, #tpu.memory_space<hbm>>
      tpu.enqueue_indirect_dma source(%dma_start3A_887 : memref<20000x64xf32, #tpu.memory_space<hbm>>) target(%arg11 : memref<80x64xf32, #tpu.memory_space<vmem>>) offsets(%dma_start3A_884 : memref<80xi32, #tpu.memory_space<vmem>>) semaphore(%arg18 : memref<!tpu.dma_semaphore, #tpu.memory_space<semaphore_mem>>)
      %mul3A_888 = arith.constant 5 : i32
      %mul3A_889 = arith.muli %scan3A_761, %mul3A_888 : i32
      %add3A_890 = arith.constant 1 : i32
      %add3A_891 = arith.addi %mul3A_889, %add3A_890 : i32
      %dma_wait3A_892 = arith.constant 0 : i32
      %dma_wait3A_893 = arith.constant 0 : i32
      %dma_wait3A_894 = tpu.memref_slice %arg3[%dma_wait3A_892, %dma_wait3A_893] : memref<20000x64xf32, #tpu.memory_space<hbm>> -> memref<80x64xf32, #tpu.memory_space<hbm>>
      %dma_wait3A_895 = arith.constant 0 : i32
      %dma_wait3A_896 = arith.constant 0 : i32
      %dma_wait3A_897 = tpu.memref_slice %arg3[%dma_wait3A_895, %dma_wait3A_896] : memref<20000x64xf32, #tpu.memory_space<hbm>> -> memref<80x64xf32, #tpu.memory_space<hbm>>
      tpu.wait_dma2 semaphore(%arg15 : memref<!tpu.dma_semaphore, #tpu.memory_space<semaphore_mem>>) src(%dma_wait3A_897 : memref<80x64xf32, #tpu.memory_space<hbm>>) dst(%arg8 : memref<80x64xf32, #tpu.memory_space<vmem>>)
      %mul3A_898 = arith.constant 80 : i32
      %mul3A_899 = arith.muli %add3A_891, %mul3A_898 : i32
      %dma_start3A_900 = tpu.memref_slice %arg6[%mul3A_899] : memref<20000xi32, #tpu.memory_space<vmem>> -> memref<80xi32, #tpu.memory_space<vmem>>
      %dma_start3A_901 = arith.constant 0 : i32
      %dma_start3A_902 = arith.constant 0 : i32
      %dma_start3A_903 = tpu.memref_slice %arg13[%dma_start3A_901, %dma_start3A_902] : memref<10240x64xf32, #tpu.memory_space<vmem_shared>> -> memref<10240x64xf32, #tpu.memory_space<vmem_shared>>
      tpu.enqueue_indirect_dma source(%arg8 : memref<80x64xf32, #tpu.memory_space<vmem>>) target(%dma_start3A_903 : memref<10240x64xf32, #tpu.memory_space<vmem_shared>>) offsets(%dma_start3A_900 : memref<80xi32, #tpu.memory_space<vmem>>) semaphore(%arg20 : memref<!tpu.dma_semaphore, #tpu.memory_space<semaphore_mem>>) {add = true}
      %dma_wait3A_904 = arith.constant 0 : i32
      %dma_wait3A_905 = arith.constant 0 : i32
      %dma_wait3A_906 = tpu.memref_slice %arg3[%dma_wait3A_904, %dma_wait3A_905] : memref<20000x64xf32, #tpu.memory_space<hbm>> -> memref<80x64xf32, #tpu.memory_space<hbm>>
      %dma_wait3A_907 = arith.constant 0 : i32
      %dma_wait3A_908 = arith.constant 0 : i32
      %dma_wait3A_909 = tpu.memref_slice %arg3[%dma_wait3A_907, %dma_wait3A_908] : memref<20000x64xf32, #tpu.memory_space<hbm>> -> memref<80x64xf32, #tpu.memory_space<hbm>>
      tpu.wait_dma2 semaphore(%arg19 : memref<!tpu.dma_semaphore, #tpu.memory_space<semaphore_mem>>) src(%dma_wait3A_909 : memref<80x64xf32, #tpu.memory_space<hbm>>) dst(%arg7 : memref<80x64xf32, #tpu.memory_space<vmem>>)
      %add3A_910 = arith.constant 5 : i32
      %add3A_911 = arith.addi %add3A_891, %add3A_910 : i32
      %sub3A_912 = arith.constant 1 : i32
      %sub3A_913 = arith.subi %add3A_911, %sub3A_912 : i32
      %mul3A_914 = arith.constant 80 : i32
      %mul3A_915 = arith.muli %sub3A_913, %mul3A_914 : i32
      %add3A_916 = arith.constant 0 : i32
      %add3A_917 = arith.addi %mul3A_915, %add3A_916 : i32
      %get3A_918 = arith.index_cast %add3A_917 : i32 to index
      %get3A_919 = tpu.vector_load %arg5[%get3A_918] {strides = array<i32>} : memref<20000xi32, #tpu.memory_space<vmem>>, vector<16xi32>,
      %get3A_920 = vector.shape_cast %get3A_919 : vector<16xi32> to vector<16xi32>
      %add3A_921 = arith.addi %get3A_920, %get3A_920 : vector<16xi32>
      %add3A_922 = vector.broadcast %arg0 : i32 to vector<16xi32>
      %add3A_923 = arith.addi %add3A_921, %add3A_922 : vector<16xi32>
      %mul3A_924 = arith.constant 80 : i32
      %mul3A_925 = arith.muli %sub3A_913, %mul3A_924 : i32
      %add3A_926 = arith.constant 0 : i32
      %add3A_927 = arith.addi %mul3A_925, %add3A_926 : i32
      %swap3A_928 = arith.index_cast %add3A_927 : i32 to index
      %swap3A_929 = tpu.vector_load %arg5[%swap3A_928] {strides = array<i32>} : memref<20000xi32, #tpu.memory_space<vmem>>, vector<16xi32>,
      %swap3A_930 = vector.shape_cast %swap3A_929 : vector<16xi32> to vector<16xi32>
      %swap3A_931 = vector.shape_cast %add3A_923 : vector<16xi32> to vector<16xi32>
      tpu.vector_store %arg5[%swap3A_928], %swap3A_931 {strides = array<i32>} : memref<20000xi32, #tpu.memory_space<vmem>>, vector<16xi32>,
      %mul3A_932 = arith.constant 80 : i32
      %mul3A_933 = arith.muli %sub3A_913, %mul3A_932 : i32
      %add3A_934 = arith.constant 16 : i32
      %add3A_935 = arith.addi %mul3A_933, %add3A_934 : i32
      %get3A_936 = arith.index_cast %add3A_935 : i32 to index
      %get3A_937 = tpu.vector_load %arg5[%get3A_936] {strides = array<i32>} : memref<20000xi32, #tpu.memory_space<vmem>>, vector<16xi32>,
      %get3A_938 = vector.shape_cast %get3A_937 : vector<16xi32> to vector<16xi32>
      %add3A_939 = arith.addi %get3A_938, %get3A_938 : vector<16xi32>
      %add3A_940 = vector.broadcast %arg0 : i32 to vector<16xi32>
      %add3A_941 = arith.addi %add3A_939, %add3A_940 : vector<16xi32>
      %mul3A_942 = arith.constant 80 : i32
      %mul3A_943 = arith.muli %sub3A_913, %mul3A_942 : i32
      %add3A_944 = arith.constant 16 : i32
      %add3A_945 = arith.addi %mul3A_943, %add3A_944 : i32
      %swap3A_946 = arith.index_cast %add3A_945 : i32 to index
      %swap3A_947 = tpu.vector_load %arg5[%swap3A_946] {strides = array<i32>} : memref<20000xi32, #tpu.memory_space<vmem>>, vector<16xi32>,
      %swap3A_948 = vector.shape_cast %swap3A_947 : vector<16xi32> to vector<16xi32>
      %swap3A_949 = vector.shape_cast %add3A_941 : vector<16xi32> to vector<16xi32>
      tpu.vector_store %arg5[%swap3A_946], %swap3A_949 {strides = array<i32>} : memref<20000xi32, #tpu.memory_space<vmem>>, vector<16xi32>,
      %mul3A_950 = arith.constant 80 : i32
      %mul3A_951 = arith.muli %sub3A_913, %mul3A_950 : i32
      %add3A_952 = arith.constant 32 : i32
      %add3A_953 = arith.addi %mul3A_951, %add3A_952 : i32
      %get3A_954 = arith.index_cast %add3A_953 : i32 to index
      %get3A_955 = tpu.vector_load %arg5[%get3A_954] {strides = array<i32>} : memref<20000xi32, #tpu.memory_space<vmem>>, vector<16xi32>,
      %get3A_956 = vector.shape_cast %get3A_955 : vector<16xi32> to vector<16xi32>
      %add3A_957 = arith.addi %get3A_956, %get3A_956 : vector<16xi32>
      %add3A_958 = vector.broadcast %arg0 : i32 to vector<16xi32>
      %add3A_959 = arith.addi %add3A_957, %add3A_958 : vector<16xi32>
      %mul3A_960 = arith.constant 80 : i32
      %mul3A_961 = arith.muli %sub3A_913, %mul3A_960 : i32
      %add3A_962 = arith.constant 32 : i32
      %add3A_963 = arith.addi %mul3A_961, %add3A_962 : i32
      %swap3A_964 = arith.index_cast %add3A_963 : i32 to index
      %swap3A_965 = tpu.vector_load %arg5[%swap3A_964] {strides = array<i32>} : memref<20000xi32, #tpu.memory_space<vmem>>, vector<16xi32>,
      %swap3A_966 = vector.shape_cast %swap3A_965 : vector<16xi32> to vector<16xi32>
      %swap3A_967 = vector.shape_cast %add3A_959 : vector<16xi32> to vector<16xi32>
      tpu.vector_store %arg5[%swap3A_964], %swap3A_967 {strides = array<i32>} : memref<20000xi32, #tpu.memory_space<vmem>>, vector<16xi32>,
      %mul3A_968 = arith.constant 80 : i32
      %mul3A_969 = arith.muli %sub3A_913, %mul3A_968 : i32
      %add3A_970 = arith.constant 48 : i32
      %add3A_971 = arith.addi %mul3A_969, %add3A_970 : i32
      %get3A_972 = arith.index_cast %add3A_971 : i32 to index
      %get3A_973 = tpu.vector_load %arg5[%get3A_972] {strides = array<i32>} : memref<20000xi32, #tpu.memory_space<vmem>>, vector<16xi32>,
      %get3A_974 = vector.shape_cast %get3A_973 : vector<16xi32> to vector<16xi32>
      %add3A_975 = arith.addi %get3A_974, %get3A_974 : vector<16xi32>
      %add3A_976 = vector.broadcast %arg0 : i32 to vector<16xi32>
      %add3A_977 = arith.addi %add3A_975, %add3A_976 : vector<16xi32>
      %mul3A_978 = arith.constant 80 : i32
      %mul3A_979 = arith.muli %sub3A_913, %mul3A_978 : i32
      %add3A_980 = arith.constant 48 : i32
      %add3A_981 = arith.addi %mul3A_979, %add3A_980 : i32
      %swap3A_982 = arith.index_cast %add3A_981 : i32 to index
      %swap3A_983 = tpu.vector_load %arg5[%swap3A_982] {strides = array<i32>} : memref<20000xi32, #tpu.memory_space<vmem>>, vector<16xi32>,
      %swap3A_984 = vector.shape_cast %swap3A_983 : vector<16xi32> to vector<16xi32>
      %swap3A_985 = vector.shape_cast %add3A_977 : vector<16xi32> to vector<16xi32>
      tpu.vector_store %arg5[%swap3A_982], %swap3A_985 {strides = array<i32>} : memref<20000xi32, #tpu.memory_space<vmem>>, vector<16xi32>,
      %mul3A_986 = arith.constant 80 : i32
      %mul3A_987 = arith.muli %sub3A_913, %mul3A_986 : i32
      %add3A_988 = arith.constant 64 : i32
      %add3A_989 = arith.addi %mul3A_987, %add3A_988 : i32
      %get3A_990 = arith.index_cast %add3A_989 : i32 to index
      %get3A_991 = tpu.vector_load %arg5[%get3A_990] {strides = array<i32>} : memref<20000xi32, #tpu.memory_space<vmem>>, vector<16xi32>,
      %get3A_992 = vector.shape_cast %get3A_991 : vector<16xi32> to vector<16xi32>
      %add3A_993 = arith.addi %get3A_992, %get3A_992 : vector<16xi32>
      %add3A_994 = vector.broadcast %arg0 : i32 to vector<16xi32>
      %add3A_995 = arith.addi %add3A_993, %add3A_994 : vector<16xi32>
      %mul3A_996 = arith.constant 80 : i32
      %mul3A_997 = arith.muli %sub3A_913, %mul3A_996 : i32
      %add3A_998 = arith.constant 64 : i32
      %add3A_999 = arith.addi %mul3A_997, %add3A_998 : i32
      %swap3A_1000 = arith.index_cast %add3A_999 : i32 to index
      %swap3A_1001 = tpu.vector_load %arg5[%swap3A_1000] {strides = array<i32>} : memref<20000xi32, #tpu.memory_space<vmem>>, vector<16xi32>,
      %swap3A_1002 = vector.shape_cast %swap3A_1001 : vector<16xi32> to vector<16xi32>
      %swap3A_1003 = vector.shape_cast %add3A_995 : vector<16xi32> to vector<16xi32>
      tpu.vector_store %arg5[%swap3A_1000], %swap3A_1003 {strides = array<i32>} : memref<20000xi32, #tpu.memory_space<vmem>>, vector<16xi32>,
      %add3A_1004 = arith.constant 5 : i32
      %add3A_1005 = arith.addi %add3A_891, %add3A_1004 : i32
      %sub3A_1006 = arith.constant 1 : i32
      %sub3A_1007 = arith.subi %add3A_1005, %sub3A_1006 : i32
      %mul3A_1008 = arith.constant 80 : i32
      %mul3A_1009 = arith.muli %sub3A_1007, %mul3A_1008 : i32
      %dma_start3A_1010 = tpu.memref_slice %arg5[%mul3A_1009] : memref<20000xi32, #tpu.memory_space<vmem>> -> memref<80xi32, #tpu.memory_space<vmem>>
      %dma_start3A_1011 = arith.constant 0 : i32
      %dma_start3A_1012 = arith.constant 0 : i32
      %dma_start3A_1013 = tpu.memref_slice %arg3[%dma_start3A_1011, %dma_start3A_1012] : memref<20000x64xf32, #tpu.memory_space<hbm>> -> memref<20000x64xf32, #tpu.memory_space<hbm>>
      tpu.enqueue_indirect_dma source(%dma_start3A_1013 : memref<20000x64xf32, #tpu.memory_space<hbm>>) target(%arg7 : memref<80x64xf32, #tpu.memory_space<vmem>>) offsets(%dma_start3A_1010 : memref<80xi32, #tpu.memory_space<vmem>>) semaphore(%arg14 : memref<!tpu.dma_semaphore, #tpu.memory_space<semaphore_mem>>)
      %mul3A_1014 = arith.constant 5 : i32
      %mul3A_1015 = arith.muli %scan3A_761, %mul3A_1014 : i32
      %add3A_1016 = arith.constant 2 : i32
      %add3A_1017 = arith.addi %mul3A_1015, %add3A_1016 : i32
      %dma_wait3A_1018 = arith.constant 0 : i32
      %dma_wait3A_1019 = arith.constant 0 : i32
      %dma_wait3A_1020 = tpu.memref_slice %arg3[%dma_wait3A_1018, %dma_wait3A_1019] : memref<20000x64xf32, #tpu.memory_space<hbm>> -> memref<80x64xf32, #tpu.memory_space<hbm>>
      %dma_wait3A_1021 = arith.constant 0 : i32
      %dma_wait3A_1022 = arith.constant 0 : i32
      %dma_wait3A_1023 = tpu.memref_slice %arg3[%dma_wait3A_1021, %dma_wait3A_1022] : memref<20000x64xf32, #tpu.memory_space<hbm>> -> memref<80x64xf32, #tpu.memory_space<hbm>>
      tpu.wait_dma2 semaphore(%arg16 : memref<!tpu.dma_semaphore, #tpu.memory_space<semaphore_mem>>) src(%dma_wait3A_1023 : memref<80x64xf32, #tpu.memory_space<hbm>>) dst(%arg9 : memref<80x64xf32, #tpu.memory_space<vmem>>)
      %mul3A_1024 = arith.constant 80 : i32
      %mul3A_1025 = arith.muli %add3A_1017, %mul3A_1024 : i32
      %dma_start3A_1026 = tpu.memref_slice %arg6[%mul3A_1025] : memref<20000xi32, #tpu.memory_space<vmem>> -> memref<80xi32, #tpu.memory_space<vmem>>
      %dma_start3A_1027 = arith.constant 0 : i32
      %dma_start3A_1028 = arith.constant 0 : i32
      %dma_start3A_1029 = tpu.memref_slice %arg13[%dma_start3A_1027, %dma_start3A_1028] : memref<10240x64xf32, #tpu.memory_space<vmem_shared>> -> memref<10240x64xf32, #tpu.memory_space<vmem_shared>>
      tpu.enqueue_indirect_dma source(%arg9 : memref<80x64xf32, #tpu.memory_space<vmem>>) target(%dma_start3A_1029 : memref<10240x64xf32, #tpu.memory_space<vmem_shared>>) offsets(%dma_start3A_1026 : memref<80xi32, #tpu.memory_space<vmem>>) semaphore(%arg21 : memref<!tpu.dma_semaphore, #tpu.memory_space<semaphore_mem>>) {add = true}
      %dma_wait3A_1030 = arith.constant 0 : i32
      %dma_wait3A_1031 = arith.constant 0 : i32
      %dma_wait3A_1032 = tpu.memref_slice %arg3[%dma_wait3A_1030, %dma_wait3A_1031] : memref<20000x64xf32, #tpu.memory_space<hbm>> -> memref<80x64xf32, #tpu.memory_space<hbm>>
      %dma_wait3A_1033 = arith.constant 0 : i32
      %dma_wait3A_1034 = arith.constant 0 : i32
      %dma_wait3A_1035 = tpu.memref_slice %arg3[%dma_wait3A_1033, %dma_wait3A_1034] : memref<20000x64xf32, #tpu.memory_space<hbm>> -> memref<80x64xf32, #tpu.memory_space<hbm>>
      tpu.wait_dma2 semaphore(%arg20 : memref<!tpu.dma_semaphore, #tpu.memory_space<semaphore_mem>>) src(%dma_wait3A_1035 : memref<80x64xf32, #tpu.memory_space<hbm>>) dst(%arg8 : memref<80x64xf32, #tpu.memory_space<vmem>>)
      %add3A_1036 = arith.constant 5 : i32
      %add3A_1037 = arith.addi %add3A_1017, %add3A_1036 : i32
      %sub3A_1038 = arith.constant 1 : i32
      %sub3A_1039 = arith.subi %add3A_1037, %sub3A_1038 : i32
      %mul3A_1040 = arith.constant 80 : i32
      %mul3A_1041 = arith.muli %sub3A_1039, %mul3A_1040 : i32
      %add3A_1042 = arith.constant 0 : i32
      %add3A_1043 = arith.addi %mul3A_1041, %add3A_1042 : i32
      %get3A_1044 = arith.index_cast %add3A_1043 : i32 to index
      %get3A_1045 = tpu.vector_load %arg5[%get3A_1044] {strides = array<i32>} : memref<20000xi32, #tpu.memory_space<vmem>>, vector<16xi32>,
      %get3A_1046 = vector.shape_cast %get3A_1045 : vector<16xi32> to vector<16xi32>
      %add3A_1047 = arith.addi %get3A_1046, %get3A_1046 : vector<16xi32>
      %add3A_1048 = vector.broadcast %arg0 : i32 to vector<16xi32>
      %add3A_1049 = arith.addi %add3A_1047, %add3A_1048 : vector<16xi32>
      %mul3A_1050 = arith.constant 80 : i32
      %mul3A_1051 = arith.muli %sub3A_1039, %mul3A_1050 : i32
      %add3A_1052 = arith.constant 0 : i32
      %add3A_1053 = arith.addi %mul3A_1051, %add3A_1052 : i32
      %swap3A_1054 = arith.index_cast %add3A_1053 : i32 to index
      %swap3A_1055 = tpu.vector_load %arg5[%swap3A_1054] {strides = array<i32>} : memref<20000xi32, #tpu.memory_space<vmem>>, vector<16xi32>,
      %swap3A_1056 = vector.shape_cast %swap3A_1055 : vector<16xi32> to vector<16xi32>
      %swap3A_1057 = vector.shape_cast %add3A_1049 : vector<16xi32> to vector<16xi32>
      tpu.vector_store %arg5[%swap3A_1054], %swap3A_1057 {strides = array<i32>} : memref<20000xi32, #tpu.memory_space<vmem>>, vector<16xi32>,
      %mul3A_1058 = arith.constant 80 : i32
      %mul3A_1059 = arith.muli %sub3A_1039, %mul3A_1058 : i32
      %add3A_1060 = arith.constant 16 : i32
      %add3A_1061 = arith.addi %mul3A_1059, %add3A_1060 : i32
      %get3A_1062 = arith.index_cast %add3A_1061 : i32 to index
      %get3A_1063 = tpu.vector_load %arg5[%get3A_1062] {strides = array<i32>} : memref<20000xi32, #tpu.memory_space<vmem>>, vector<16xi32>,
      %get3A_1064 = vector.shape_cast %get3A_1063 : vector<16xi32> to vector<16xi32>
      %add3A_1065 = arith.addi %get3A_1064, %get3A_1064 : vector<16xi32>
      %add3A_1066 = vector.broadcast %arg0 : i32 to vector<16xi32>
      %add3A_1067 = arith.addi %add3A_1065, %add3A_1066 : vector<16xi32>
      %mul3A_1068 = arith.constant 80 : i32
      %mul3A_1069 = arith.muli %sub3A_1039, %mul3A_1068 : i32
      %add3A_1070 = arith.constant 16 : i32
      %add3A_1071 = arith.addi %mul3A_1069, %add3A_1070 : i32
      %swap3A_1072 = arith.index_cast %add3A_1071 : i32 to index
      %swap3A_1073 = tpu.vector_load %arg5[%swap3A_1072] {strides = array<i32>} : memref<20000xi32, #tpu.memory_space<vmem>>, vector<16xi32>,
      %swap3A_1074 = vector.shape_cast %swap3A_1073 : vector<16xi32> to vector<16xi32>
      %swap3A_1075 = vector.shape_cast %add3A_1067 : vector<16xi32> to vector<16xi32>
      tpu.vector_store %arg5[%swap3A_1072], %swap3A_1075 {strides = array<i32>} : memref<20000xi32, #tpu.memory_space<vmem>>, vector<16xi32>,
      %mul3A_1076 = arith.constant 80 : i32
      %mul3A_1077 = arith.muli %sub3A_1039, %mul3A_1076 : i32
      %add3A_1078 = arith.constant 32 : i32
      %add3A_1079 = arith.addi %mul3A_1077, %add3A_1078 : i32
      %get3A_1080 = arith.index_cast %add3A_1079 : i32 to index
      %get3A_1081 = tpu.vector_load %arg5[%get3A_1080] {strides = array<i32>} : memref<20000xi32, #tpu.memory_space<vmem>>, vector<16xi32>,
      %get3A_1082 = vector.shape_cast %get3A_1081 : vector<16xi32> to vector<16xi32>
      %add3A_1083 = arith.addi %get3A_1082, %get3A_1082 : vector<16xi32>
      %add3A_1084 = vector.broadcast %arg0 : i32 to vector<16xi32>
      %add3A_1085 = arith.addi %add3A_1083, %add3A_1084 : vector<16xi32>
      %mul3A_1086 = arith.constant 80 : i32
      %mul3A_1087 = arith.muli %sub3A_1039, %mul3A_1086 : i32
      %add3A_1088 = arith.constant 32 : i32
      %add3A_1089 = arith.addi %mul3A_1087, %add3A_1088 : i32
      %swap3A_1090 = arith.index_cast %add3A_1089 : i32 to index
      %swap3A_1091 = tpu.vector_load %arg5[%swap3A_1090] {strides = array<i32>} : memref<20000xi32, #tpu.memory_space<vmem>>, vector<16xi32>,
      %swap3A_1092 = vector.shape_cast %swap3A_1091 : vector<16xi32> to vector<16xi32>
      %swap3A_1093 = vector.shape_cast %add3A_1085 : vector<16xi32> to vector<16xi32>
      tpu.vector_store %arg5[%swap3A_1090], %swap3A_1093 {strides = array<i32>} : memref<20000xi32, #tpu.memory_space<vmem>>, vector<16xi32>,
      %mul3A_1094 = arith.constant 80 : i32
      %mul3A_1095 = arith.muli %sub3A_1039, %mul3A_1094 : i32
      %add3A_1096 = arith.constant 48 : i32
      %add3A_1097 = arith.addi %mul3A_1095, %add3A_1096 : i32
      %get3A_1098 = arith.index_cast %add3A_1097 : i32 to index
      %get3A_1099 = tpu.vector_load %arg5[%get3A_1098] {strides = array<i32>} : memref<20000xi32, #tpu.memory_space<vmem>>, vector<16xi32>,
      %get3A_1100 = vector.shape_cast %get3A_1099 : vector<16xi32> to vector<16xi32>
      %add3A_1101 = arith.addi %get3A_1100, %get3A_1100 : vector<16xi32>
      %add3A_1102 = vector.broadcast %arg0 : i32 to vector<16xi32>
      %add3A_1103 = arith.addi %add3A_1101, %add3A_1102 : vector<16xi32>
      %mul3A_1104 = arith.constant 80 : i32
      %mul3A_1105 = arith.muli %sub3A_1039, %mul3A_1104 : i32
      %add3A_1106 = arith.constant 48 : i32
      %add3A_1107 = arith.addi %mul3A_1105, %add3A_1106 : i32
      %swap3A_1108 = arith.index_cast %add3A_1107 : i32 to index
      %swap3A_1109 = tpu.vector_load %arg5[%swap3A_1108] {strides = array<i32>} : memref<20000xi32, #tpu.memory_space<vmem>>, vector<16xi32>,
      %swap3A_1110 = vector.shape_cast %swap3A_1109 : vector<16xi32> to vector<16xi32>
      %swap3A_1111 = vector.shape_cast %add3A_1103 : vector<16xi32> to vector<16xi32>
      tpu.vector_store %arg5[%swap3A_1108], %swap3A_1111 {strides = array<i32>} : memref<20000xi32, #tpu.memory_space<vmem>>, vector<16xi32>,
      %mul3A_1112 = arith.constant 80 : i32
      %mul3A_1113 = arith.muli %sub3A_1039, %mul3A_1112 : i32
      %add3A_1114 = arith.constant 64 : i32
      %add3A_1115 = arith.addi %mul3A_1113, %add3A_1114 : i32
      %get3A_1116 = arith.index_cast %add3A_1115 : i32 to index
      %get3A_1117 = tpu.vector_load %arg5[%get3A_1116] {strides = array<i32>} : memref<20000xi32, #tpu.memory_space<vmem>>, vector<16xi32>,
      %get3A_1118 = vector.shape_cast %get3A_1117 : vector<16xi32> to vector<16xi32>
      %add3A_1119 = arith.addi %get3A_1118, %get3A_1118 : vector<16xi32>
      %add3A_1120 = vector.broadcast %arg0 : i32 to vector<16xi32>
      %add3A_1121 = arith.addi %add3A_1119, %add3A_1120 : vector<16xi32>
      %mul3A_1122 = arith.constant 80 : i32
      %mul3A_1123 = arith.muli %sub3A_1039, %mul3A_1122 : i32
      %add3A_1124 = arith.constant 64 : i32
      %add3A_1125 = arith.addi %mul3A_1123, %add3A_1124 : i32
      %swap3A_1126 = arith.index_cast %add3A_1125 : i32 to index
      %swap3A_1127 = tpu.vector_load %arg5[%swap3A_1126] {strides = array<i32>} : memref<20000xi32, #tpu.memory_space<vmem>>, vector<16xi32>,
      %swap3A_1128 = vector.shape_cast %swap3A_1127 : vector<16xi32> to vector<16xi32>
      %swap3A_1129 = vector.shape_cast %add3A_1121 : vector<16xi32> to vector<16xi32>
      tpu.vector_store %arg5[%swap3A_1126], %swap3A_1129 {strides = array<i32>} : memref<20000xi32, #tpu.memory_space<vmem>>, vector<16xi32>,
      %add3A_1130 = arith.constant 5 : i32
      %add3A_1131 = arith.addi %add3A_1017, %add3A_1130 : i32
      %sub3A_1132 = arith.constant 1 : i32
      %sub3A_1133 = arith.subi %add3A_1131, %sub3A_1132 : i32
      %mul3A_1134 = arith.constant 80 : i32
      %mul3A_1135 = arith.muli %sub3A_1133, %mul3A_1134 : i32
      %dma_start3A_1136 = tpu.memref_slice %arg5[%mul3A_1135] : memref<20000xi32, #tpu.memory_space<vmem>> -> memref<80xi32, #tpu.memory_space<vmem>>
      %dma_start3A_1137 = arith.constant 0 : i32
      %dma_start3A_1138 = arith.constant 0 : i32
      %dma_start3A_1139 = tpu.memref_slice %arg3[%dma_start3A_1137, %dma_start3A_1138] : memref<20000x64xf32, #tpu.memory_space<hbm>> -> memref<20000x64xf32, #tpu.memory_space<hbm>>
      tpu.enqueue_indirect_dma source(%dma_start3A_1139 : memref<20000x64xf32, #tpu.memory_space<hbm>>) target(%arg8 : memref<80x64xf32, #tpu.memory_space<vmem>>) offsets(%dma_start3A_1136 : memref<80xi32, #tpu.memory_space<vmem>>) semaphore(%arg15 : memref<!tpu.dma_semaphore, #tpu.memory_space<semaphore_mem>>)
      %mul3A_1140 = arith.constant 5 : i32
      %mul3A_1141 = arith.muli %scan3A_761, %mul3A_1140 : i32
      %add3A_1142 = arith.constant 3 : i32
      %add3A_1143 = arith.addi %mul3A_1141, %add3A_1142 : i32
      %dma_wait3A_1144 = arith.constant 0 : i32
      %dma_wait3A_1145 = arith.constant 0 : i32
      %dma_wait3A_1146 = tpu.memref_slice %arg3[%dma_wait3A_1144, %dma_wait3A_1145] : memref<20000x64xf32, #tpu.memory_space<hbm>> -> memref<80x64xf32, #tpu.memory_space<hbm>>
      %dma_wait3A_1147 = arith.constant 0 : i32
      %dma_wait3A_1148 = arith.constant 0 : i32
      %dma_wait3A_1149 = tpu.memref_slice %arg3[%dma_wait3A_1147, %dma_wait3A_1148] : memref<20000x64xf32, #tpu.memory_space<hbm>> -> memref<80x64xf32, #tpu.memory_space<hbm>>
      tpu.wait_dma2 semaphore(%arg17 : memref<!tpu.dma_semaphore, #tpu.memory_space<semaphore_mem>>) src(%dma_wait3A_1149 : memref<80x64xf32, #tpu.memory_space<hbm>>) dst(%arg10 : memref<80x64xf32, #tpu.memory_space<vmem>>)
      %mul3A_1150 = arith.constant 80 : i32
      %mul3A_1151 = arith.muli %add3A_1143, %mul3A_1150 : i32
      %dma_start3A_1152 = tpu.memref_slice %arg6[%mul3A_1151] : memref<20000xi32, #tpu.memory_space<vmem>> -> memref<80xi32, #tpu.memory_space<vmem>>
      %dma_start3A_1153 = arith.constant 0 : i32
      %dma_start3A_1154 = arith.constant 0 : i32
      %dma_start3A_1155 = tpu.memref_slice %arg13[%dma_start3A_1153, %dma_start3A_1154] : memref<10240x64xf32, #tpu.memory_space<vmem_shared>> -> memref<10240x64xf32, #tpu.memory_space<vmem_shared>>
      tpu.enqueue_indirect_dma source(%arg10 : memref<80x64xf32, #tpu.memory_space<vmem>>) target(%dma_start3A_1155 : memref<10240x64xf32, #tpu.memory_space<vmem_shared>>) offsets(%dma_start3A_1152 : memref<80xi32, #tpu.memory_space<vmem>>) semaphore(%arg22 : memref<!tpu.dma_semaphore, #tpu.memory_space<semaphore_mem>>) {add = true}
      %dma_wait3A_1156 = arith.constant 0 : i32
      %dma_wait3A_1157 = arith.constant 0 : i32
      %dma_wait3A_1158 = tpu.memref_slice %arg3[%dma_wait3A_1156, %dma_wait3A_1157] : memref<20000x64xf32, #tpu.memory_space<hbm>> -> memref<80x64xf32, #tpu.memory_space<hbm>>
      %dma_wait3A_1159 = arith.constant 0 : i32
      %dma_wait3A_1160 = arith.constant 0 : i32
      %dma_wait3A_1161 = tpu.memref_slice %arg3[%dma_wait3A_1159, %dma_wait3A_1160] : memref<20000x64xf32, #tpu.memory_space<hbm>> -> memref<80x64xf32, #tpu.memory_space<hbm>>
      tpu.wait_dma2 semaphore(%arg21 : memref<!tpu.dma_semaphore, #tpu.memory_space<semaphore_mem>>) src(%dma_wait3A_1161 : memref<80x64xf32, #tpu.memory_space<hbm>>) dst(%arg9 : memref<80x64xf32, #tpu.memory_space<vmem>>)
      %add3A_1162 = arith.constant 5 : i32
      %add3A_1163 = arith.addi %add3A_1143, %add3A_1162 : i32
      %sub3A_1164 = arith.constant 1 : i32
      %sub3A_1165 = arith.subi %add3A_1163, %sub3A_1164 : i32
      %mul3A_1166 = arith.constant 80 : i32
      %mul3A_1167 = arith.muli %sub3A_1165, %mul3A_1166 : i32
      %add3A_1168 = arith.constant 0 : i32
      %add3A_1169 = arith.addi %mul3A_1167, %add3A_1168 : i32
      %get3A_1170 = arith.index_cast %add3A_1169 : i32 to index
      %get3A_1171 = tpu.vector_load %arg5[%get3A_1170] {strides = array<i32>} : memref<20000xi32, #tpu.memory_space<vmem>>, vector<16xi32>,
      %get3A_1172 = vector.shape_cast %get3A_1171 : vector<16xi32> to vector<16xi32>
      %add3A_1173 = arith.addi %get3A_1172, %get3A_1172 : vector<16xi32>
      %add3A_1174 = vector.broadcast %arg0 : i32 to vector<16xi32>
      %add3A_1175 = arith.addi %add3A_1173, %add3A_1174 : vector<16xi32>
      %mul3A_1176 = arith.constant 80 : i32
      %mul3A_1177 = arith.muli %sub3A_1165, %mul3A_1176 : i32
      %add3A_1178 = arith.constant 0 : i32
      %add3A_1179 = arith.addi %mul3A_1177, %add3A_1178 : i32
      %swap3A_1180 = arith.index_cast %add3A_1179 : i32 to index
      %swap3A_1181 = tpu.vector_load %arg5[%swap3A_1180] {strides = array<i32>} : memref<20000xi32, #tpu.memory_space<vmem>>, vector<16xi32>,
      %swap3A_1182 = vector.shape_cast %swap3A_1181 : vector<16xi32> to vector<16xi32>
      %swap3A_1183 = vector.shape_cast %add3A_1175 : vector<16xi32> to vector<16xi32>
      tpu.vector_store %arg5[%swap3A_1180], %swap3A_1183 {strides = array<i32>} : memref<20000xi32, #tpu.memory_space<vmem>>, vector<16xi32>,
      %mul3A_1184 = arith.constant 80 : i32
      %mul3A_1185 = arith.muli %sub3A_1165, %mul3A_1184 : i32
      %add3A_1186 = arith.constant 16 : i32
      %add3A_1187 = arith.addi %mul3A_1185, %add3A_1186 : i32
      %get3A_1188 = arith.index_cast %add3A_1187 : i32 to index
      %get3A_1189 = tpu.vector_load %arg5[%get3A_1188] {strides = array<i32>} : memref<20000xi32, #tpu.memory_space<vmem>>, vector<16xi32>,
      %get3A_1190 = vector.shape_cast %get3A_1189 : vector<16xi32> to vector<16xi32>
      %add3A_1191 = arith.addi %get3A_1190, %get3A_1190 : vector<16xi32>
      %add3A_1192 = vector.broadcast %arg0 : i32 to vector<16xi32>
      %add3A_1193 = arith.addi %add3A_1191, %add3A_1192 : vector<16xi32>
      %mul3A_1194 = arith.constant 80 : i32
      %mul3A_1195 = arith.muli %sub3A_1165, %mul3A_1194 : i32
      %add3A_1196 = arith.constant 16 : i32
      %add3A_1197 = arith.addi %mul3A_1195, %add3A_1196 : i32
      %swap3A_1198 = arith.index_cast %add3A_1197 : i32 to index
      %swap3A_1199 = tpu.vector_load %arg5[%swap3A_1198] {strides = array<i32>} : memref<20000xi32, #tpu.memory_space<vmem>>, vector<16xi32>,
      %swap3A_1200 = vector.shape_cast %swap3A_1199 : vector<16xi32> to vector<16xi32>
      %swap3A_1201 = vector.shape_cast %add3A_1193 : vector<16xi32> to vector<16xi32>
      tpu.vector_store %arg5[%swap3A_1198], %swap3A_1201 {strides = array<i32>} : memref<20000xi32, #tpu.memory_space<vmem>>, vector<16xi32>,
      %mul3A_1202 = arith.constant 80 : i32
      %mul3A_1203 = arith.muli %sub3A_1165, %mul3A_1202 : i32
      %add3A_1204 = arith.constant 32 : i32
      %add3A_1205 = arith.addi %mul3A_1203, %add3A_1204 : i32
      %get3A_1206 = arith.index_cast %add3A_1205 : i32 to index
      %get3A_1207 = tpu.vector_load %arg5[%get3A_1206] {strides = array<i32>} : memref<20000xi32, #tpu.memory_space<vmem>>, vector<16xi32>,
      %get3A_1208 = vector.shape_cast %get3A_1207 : vector<16xi32> to vector<16xi32>
      %add3A_1209 = arith.addi %get3A_1208, %get3A_1208 : vector<16xi32>
      %add3A_1210 = vector.broadcast %arg0 : i32 to vector<16xi32>
      %add3A_1211 = arith.addi %add3A_1209, %add3A_1210 : vector<16xi32>
      %mul3A_1212 = arith.constant 80 : i32
      %mul3A_1213 = arith.muli %sub3A_1165, %mul3A_1212 : i32
      %add3A_1214 = arith.constant 32 : i32
      %add3A_1215 = arith.addi %mul3A_1213, %add3A_1214 : i32
      %swap3A_1216 = arith.index_cast %add3A_1215 : i32 to index
      %swap3A_1217 = tpu.vector_load %arg5[%swap3A_1216] {strides = array<i32>} : memref<20000xi32, #tpu.memory_space<vmem>>, vector<16xi32>,
      %swap3A_1218 = vector.shape_cast %swap3A_1217 : vector<16xi32> to vector<16xi32>
      %swap3A_1219 = vector.shape_cast %add3A_1211 : vector<16xi32> to vector<16xi32>
      tpu.vector_store %arg5[%swap3A_1216], %swap3A_1219 {strides = array<i32>} : memref<20000xi32, #tpu.memory_space<vmem>>, vector<16xi32>,
      %mul3A_1220 = arith.constant 80 : i32
      %mul3A_1221 = arith.muli %sub3A_1165, %mul3A_1220 : i32
      %add3A_1222 = arith.constant 48 : i32
      %add3A_1223 = arith.addi %mul3A_1221, %add3A_1222 : i32
      %get3A_1224 = arith.index_cast %add3A_1223 : i32 to index
      %get3A_1225 = tpu.vector_load %arg5[%get3A_1224] {strides = array<i32>} : memref<20000xi32, #tpu.memory_space<vmem>>, vector<16xi32>,
      %get3A_1226 = vector.shape_cast %get3A_1225 : vector<16xi32> to vector<16xi32>
      %add3A_1227 = arith.addi %get3A_1226, %get3A_1226 : vector<16xi32>
      %add3A_1228 = vector.broadcast %arg0 : i32 to vector<16xi32>
      %add3A_1229 = arith.addi %add3A_1227, %add3A_1228 : vector<16xi32>
      %mul3A_1230 = arith.constant 80 : i32
      %mul3A_1231 = arith.muli %sub3A_1165, %mul3A_1230 : i32
      %add3A_1232 = arith.constant 48 : i32
      %add3A_1233 = arith.addi %mul3A_1231, %add3A_1232 : i32
      %swap3A_1234 = arith.index_cast %add3A_1233 : i32 to index
      %swap3A_1235 = tpu.vector_load %arg5[%swap3A_1234] {strides = array<i32>} : memref<20000xi32, #tpu.memory_space<vmem>>, vector<16xi32>,
      %swap3A_1236 = vector.shape_cast %swap3A_1235 : vector<16xi32> to vector<16xi32>
      %swap3A_1237 = vector.shape_cast %add3A_1229 : vector<16xi32> to vector<16xi32>
      tpu.vector_store %arg5[%swap3A_1234], %swap3A_1237 {strides = array<i32>} : memref<20000xi32, #tpu.memory_space<vmem>>, vector<16xi32>,
      %mul3A_1238 = arith.constant 80 : i32
      %mul3A_1239 = arith.muli %sub3A_1165, %mul3A_1238 : i32
      %add3A_1240 = arith.constant 64 : i32
      %add3A_1241 = arith.addi %mul3A_1239, %add3A_1240 : i32
      %get3A_1242 = arith.index_cast %add3A_1241 : i32 to index
      %get3A_1243 = tpu.vector_load %arg5[%get3A_1242] {strides = array<i32>} : memref<20000xi32, #tpu.memory_space<vmem>>, vector<16xi32>,
      %get3A_1244 = vector.shape_cast %get3A_1243 : vector<16xi32> to vector<16xi32>
      %add3A_1245 = arith.addi %get3A_1244, %get3A_1244 : vector<16xi32>
      %add3A_1246 = vector.broadcast %arg0 : i32 to vector<16xi32>
      %add3A_1247 = arith.addi %add3A_1245, %add3A_1246 : vector<16xi32>
      %mul3A_1248 = arith.constant 80 : i32
      %mul3A_1249 = arith.muli %sub3A_1165, %mul3A_1248 : i32
      %add3A_1250 = arith.constant 64 : i32
      %add3A_1251 = arith.addi %mul3A_1249, %add3A_1250 : i32
      %swap3A_1252 = arith.index_cast %add3A_1251 : i32 to index
      %swap3A_1253 = tpu.vector_load %arg5[%swap3A_1252] {strides = array<i32>} : memref<20000xi32, #tpu.memory_space<vmem>>, vector<16xi32>,
      %swap3A_1254 = vector.shape_cast %swap3A_1253 : vector<16xi32> to vector<16xi32>
      %swap3A_1255 = vector.shape_cast %add3A_1247 : vector<16xi32> to vector<16xi32>
      tpu.vector_store %arg5[%swap3A_1252], %swap3A_1255 {strides = array<i32>} : memref<20000xi32, #tpu.memory_space<vmem>>, vector<16xi32>,
      %add3A_1256 = arith.constant 5 : i32
      %add3A_1257 = arith.addi %add3A_1143, %add3A_1256 : i32
      %sub3A_1258 = arith.constant 1 : i32
      %sub3A_1259 = arith.subi %add3A_1257, %sub3A_1258 : i32
      %mul3A_1260 = arith.constant 80 : i32
      %mul3A_1261 = arith.muli %sub3A_1259, %mul3A_1260 : i32
      %dma_start3A_1262 = tpu.memref_slice %arg5[%mul3A_1261] : memref<20000xi32, #tpu.memory_space<vmem>> -> memref<80xi32, #tpu.memory_space<vmem>>
      %dma_start3A_1263 = arith.constant 0 : i32
      %dma_start3A_1264 = arith.constant 0 : i32
      %dma_start3A_1265 = tpu.memref_slice %arg3[%dma_start3A_1263, %dma_start3A_1264] : memref<20000x64xf32, #tpu.memory_space<hbm>> -> memref<20000x64xf32, #tpu.memory_space<hbm>>
      tpu.enqueue_indirect_dma source(%dma_start3A_1265 : memref<20000x64xf32, #tpu.memory_space<hbm>>) target(%arg9 : memref<80x64xf32, #tpu.memory_space<vmem>>) offsets(%dma_start3A_1262 : memref<80xi32, #tpu.memory_space<vmem>>) semaphore(%arg16 : memref<!tpu.dma_semaphore, #tpu.memory_space<semaphore_mem>>)
      %mul3A_1266 = arith.constant 5 : i32
      %mul3A_1267 = arith.muli %scan3A_761, %mul3A_1266 : i32
      %add3A_1268 = arith.constant 4 : i32
      %add3A_1269 = arith.addi %mul3A_1267, %add3A_1268 : i32
      %dma_wait3A_1270 = arith.constant 0 : i32
      %dma_wait3A_1271 = arith.constant 0 : i32
      %dma_wait3A_1272 = tpu.memref_slice %arg3[%dma_wait3A_1270, %dma_wait3A_1271] : memref<20000x64xf32, #tpu.memory_space<hbm>> -> memref<80x64xf32, #tpu.memory_space<hbm>>
      %dma_wait3A_1273 = arith.constant 0 : i32
      %dma_wait3A_1274 = arith.constant 0 : i32
      %dma_wait3A_1275 = tpu.memref_slice %arg3[%dma_wait3A_1273, %dma_wait3A_1274] : memref<20000x64xf32, #tpu.memory_space<hbm>> -> memref<80x64xf32, #tpu.memory_space<hbm>>
      tpu.wait_dma2 semaphore(%arg18 : memref<!tpu.dma_semaphore, #tpu.memory_space<semaphore_mem>>) src(%dma_wait3A_1275 : memref<80x64xf32, #tpu.memory_space<hbm>>) dst(%arg11 : memref<80x64xf32, #tpu.memory_space<vmem>>)
      %mul3A_1276 = arith.constant 80 : i32
      %mul3A_1277 = arith.muli %add3A_1269, %mul3A_1276 : i32
      %dma_start3A_1278 = tpu.memref_slice %arg6[%mul3A_1277] : memref<20000xi32, #tpu.memory_space<vmem>> -> memref<80xi32, #tpu.memory_space<vmem>>
      %dma_start3A_1279 = arith.constant 0 : i32
      %dma_start3A_1280 = arith.constant 0 : i32
      %dma_start3A_1281 = tpu.memref_slice %arg13[%dma_start3A_1279, %dma_start3A_1280] : memref<10240x64xf32, #tpu.memory_space<vmem_shared>> -> memref<10240x64xf32, #tpu.memory_space<vmem_shared>>
      tpu.enqueue_indirect_dma source(%arg11 : memref<80x64xf32, #tpu.memory_space<vmem>>) target(%dma_start3A_1281 : memref<10240x64xf32, #tpu.memory_space<vmem_shared>>) offsets(%dma_start3A_1278 : memref<80xi32, #tpu.memory_space<vmem>>) semaphore(%arg23 : memref<!tpu.dma_semaphore, #tpu.memory_space<semaphore_mem>>) {add = true}
      %dma_wait3A_1282 = arith.constant 0 : i32
      %dma_wait3A_1283 = arith.constant 0 : i32
      %dma_wait3A_1284 = tpu.memref_slice %arg3[%dma_wait3A_1282, %dma_wait3A_1283] : memref<20000x64xf32, #tpu.memory_space<hbm>> -> memref<80x64xf32, #tpu.memory_space<hbm>>
      %dma_wait3A_1285 = arith.constant 0 : i32
      %dma_wait3A_1286 = arith.constant 0 : i32
      %dma_wait3A_1287 = tpu.memref_slice %arg3[%dma_wait3A_1285, %dma_wait3A_1286] : memref<20000x64xf32, #tpu.memory_space<hbm>> -> memref<80x64xf32, #tpu.memory_space<hbm>>
      tpu.wait_dma2 semaphore(%arg22 : memref<!tpu.dma_semaphore, #tpu.memory_space<semaphore_mem>>) src(%dma_wait3A_1287 : memref<80x64xf32, #tpu.memory_space<hbm>>) dst(%arg10 : memref<80x64xf32, #tpu.memory_space<vmem>>)
      %add3A_1288 = arith.constant 5 : i32
      %add3A_1289 = arith.addi %add3A_1269, %add3A_1288 : i32
      %sub3A_1290 = arith.constant 1 : i32
      %sub3A_1291 = arith.subi %add3A_1289, %sub3A_1290 : i32
      %mul3A_1292 = arith.constant 80 : i32
      %mul3A_1293 = arith.muli %sub3A_1291, %mul3A_1292 : i32
      %add3A_1294 = arith.constant 0 : i32
      %add3A_1295 = arith.addi %mul3A_1293, %add3A_1294 : i32
      %get3A_1296 = arith.index_cast %add3A_1295 : i32 to index
      %get3A_1297 = tpu.vector_load %arg5[%get3A_1296] {strides = array<i32>} : memref<20000xi32, #tpu.memory_space<vmem>>, vector<16xi32>,
      %get3A_1298 = vector.shape_cast %get3A_1297 : vector<16xi32> to vector<16xi32>
      %add3A_1299 = arith.addi %get3A_1298, %get3A_1298 : vector<16xi32>
      %add3A_1300 = vector.broadcast %arg0 : i32 to vector<16xi32>
      %add3A_1301 = arith.addi %add3A_1299, %add3A_1300 : vector<16xi32>
      %mul3A_1302 = arith.constant 80 : i32
      %mul3A_1303 = arith.muli %sub3A_1291, %mul3A_1302 : i32
      %add3A_1304 = arith.constant 0 : i32
      %add3A_1305 = arith.addi %mul3A_1303, %add3A_1304 : i32
      %swap3A_1306 = arith.index_cast %add3A_1305 : i32 to index
      %swap3A_1307 = tpu.vector_load %arg5[%swap3A_1306] {strides = array<i32>} : memref<20000xi32, #tpu.memory_space<vmem>>, vector<16xi32>,
      %swap3A_1308 = vector.shape_cast %swap3A_1307 : vector<16xi32> to vector<16xi32>
      %swap3A_1309 = vector.shape_cast %add3A_1301 : vector<16xi32> to vector<16xi32>
      tpu.vector_store %arg5[%swap3A_1306], %swap3A_1309 {strides = array<i32>} : memref<20000xi32, #tpu.memory_space<vmem>>, vector<16xi32>,
      %mul3A_1310 = arith.constant 80 : i32
      %mul3A_1311 = arith.muli %sub3A_1291, %mul3A_1310 : i32
      %add3A_1312 = arith.constant 16 : i32
      %add3A_1313 = arith.addi %mul3A_1311, %add3A_1312 : i32
      %get3A_1314 = arith.index_cast %add3A_1313 : i32 to index
      %get3A_1315 = tpu.vector_load %arg5[%get3A_1314] {strides = array<i32>} : memref<20000xi32, #tpu.memory_space<vmem>>, vector<16xi32>,
      %get3A_1316 = vector.shape_cast %get3A_1315 : vector<16xi32> to vector<16xi32>
      %add3A_1317 = arith.addi %get3A_1316, %get3A_1316 : vector<16xi32>
      %add3A_1318 = vector.broadcast %arg0 : i32 to vector<16xi32>
      %add3A_1319 = arith.addi %add3A_1317, %add3A_1318 : vector<16xi32>
      %mul3A_1320 = arith.constant 80 : i32
      %mul3A_1321 = arith.muli %sub3A_1291, %mul3A_1320 : i32
      %add3A_1322 = arith.constant 16 : i32
      %add3A_1323 = arith.addi %mul3A_1321, %add3A_1322 : i32
      %swap3A_1324 = arith.index_cast %add3A_1323 : i32 to index
      %swap3A_1325 = tpu.vector_load %arg5[%swap3A_1324] {strides = array<i32>} : memref<20000xi32, #tpu.memory_space<vmem>>, vector<16xi32>,
      %swap3A_1326 = vector.shape_cast %swap3A_1325 : vector<16xi32> to vector<16xi32>
      %swap3A_1327 = vector.shape_cast %add3A_1319 : vector<16xi32> to vector<16xi32>
      tpu.vector_store %arg5[%swap3A_1324], %swap3A_1327 {strides = array<i32>} : memref<20000xi32, #tpu.memory_space<vmem>>, vector<16xi32>,
      %mul3A_1328 = arith.constant 80 : i32
      %mul3A_1329 = arith.muli %sub3A_1291, %mul3A_1328 : i32
      %add3A_1330 = arith.constant 32 : i32
      %add3A_1331 = arith.addi %mul3A_1329, %add3A_1330 : i32
      %get3A_1332 = arith.index_cast %add3A_1331 : i32 to index
      %get3A_1333 = tpu.vector_load %arg5[%get3A_1332] {strides = array<i32>} : memref<20000xi32, #tpu.memory_space<vmem>>, vector<16xi32>,
      %get3A_1334 = vector.shape_cast %get3A_1333 : vector<16xi32> to vector<16xi32>
      %add3A_1335 = arith.addi %get3A_1334, %get3A_1334 : vector<16xi32>
      %add3A_1336 = vector.broadcast %arg0 : i32 to vector<16xi32>
      %add3A_1337 = arith.addi %add3A_1335, %add3A_1336 : vector<16xi32>
      %mul3A_1338 = arith.constant 80 : i32
      %mul3A_1339 = arith.muli %sub3A_1291, %mul3A_1338 : i32
      %add3A_1340 = arith.constant 32 : i32
      %add3A_1341 = arith.addi %mul3A_1339, %add3A_1340 : i32
      %swap3A_1342 = arith.index_cast %add3A_1341 : i32 to index
      %swap3A_1343 = tpu.vector_load %arg5[%swap3A_1342] {strides = array<i32>} : memref<20000xi32, #tpu.memory_space<vmem>>, vector<16xi32>,
      %swap3A_1344 = vector.shape_cast %swap3A_1343 : vector<16xi32> to vector<16xi32>
      %swap3A_1345 = vector.shape_cast %add3A_1337 : vector<16xi32> to vector<16xi32>
      tpu.vector_store %arg5[%swap3A_1342], %swap3A_1345 {strides = array<i32>} : memref<20000xi32, #tpu.memory_space<vmem>>, vector<16xi32>,
      %mul3A_1346 = arith.constant 80 : i32
      %mul3A_1347 = arith.muli %sub3A_1291, %mul3A_1346 : i32
      %add3A_1348 = arith.constant 48 : i32
      %add3A_1349 = arith.addi %mul3A_1347, %add3A_1348 : i32
      %get3A_1350 = arith.index_cast %add3A_1349 : i32 to index
      %get3A_1351 = tpu.vector_load %arg5[%get3A_1350] {strides = array<i32>} : memref<20000xi32, #tpu.memory_space<vmem>>, vector<16xi32>,
      %get3A_1352 = vector.shape_cast %get3A_1351 : vector<16xi32> to vector<16xi32>
      %add3A_1353 = arith.addi %get3A_1352, %get3A_1352 : vector<16xi32>
      %add3A_1354 = vector.broadcast %arg0 : i32 to vector<16xi32>
      %add3A_1355 = arith.addi %add3A_1353, %add3A_1354 : vector<16xi32>
      %mul3A_1356 = arith.constant 80 : i32
      %mul3A_1357 = arith.muli %sub3A_1291, %mul3A_1356 : i32
      %add3A_1358 = arith.constant 48 : i32
      %add3A_1359 = arith.addi %mul3A_1357, %add3A_1358 : i32
      %swap3A_1360 = arith.index_cast %add3A_1359 : i32 to index
      %swap3A_1361 = tpu.vector_load %arg5[%swap3A_1360] {strides = array<i32>} : memref<20000xi32, #tpu.memory_space<vmem>>, vector<16xi32>,
      %swap3A_1362 = vector.shape_cast %swap3A_1361 : vector<16xi32> to vector<16xi32>
      %swap3A_1363 = vector.shape_cast %add3A_1355 : vector<16xi32> to vector<16xi32>
      tpu.vector_store %arg5[%swap3A_1360], %swap3A_1363 {strides = array<i32>} : memref<20000xi32, #tpu.memory_space<vmem>>, vector<16xi32>,
      %mul3A_1364 = arith.constant 80 : i32
      %mul3A_1365 = arith.muli %sub3A_1291, %mul3A_1364 : i32
      %add3A_1366 = arith.constant 64 : i32
      %add3A_1367 = arith.addi %mul3A_1365, %add3A_1366 : i32
      %get3A_1368 = arith.index_cast %add3A_1367 : i32 to index
      %get3A_1369 = tpu.vector_load %arg5[%get3A_1368] {strides = array<i32>} : memref<20000xi32, #tpu.memory_space<vmem>>, vector<16xi32>,
      %get3A_1370 = vector.shape_cast %get3A_1369 : vector<16xi32> to vector<16xi32>
      %add3A_1371 = arith.addi %get3A_1370, %get3A_1370 : vector<16xi32>
      %add3A_1372 = vector.broadcast %arg0 : i32 to vector<16xi32>
      %add3A_1373 = arith.addi %add3A_1371, %add3A_1372 : vector<16xi32>
      %mul3A_1374 = arith.constant 80 : i32
      %mul3A_1375 = arith.muli %sub3A_1291, %mul3A_1374 : i32
      %add3A_1376 = arith.constant 64 : i32
      %add3A_1377 = arith.addi %mul3A_1375, %add3A_1376 : i32
      %swap3A_1378 = arith.index_cast %add3A_1377 : i32 to index
      %swap3A_1379 = tpu.vector_load %arg5[%swap3A_1378] {strides = array<i32>} : memref<20000xi32, #tpu.memory_space<vmem>>, vector<16xi32>,
      %swap3A_1380 = vector.shape_cast %swap3A_1379 : vector<16xi32> to vector<16xi32>
      %swap3A_1381 = vector.shape_cast %add3A_1373 : vector<16xi32> to vector<16xi32>
      tpu.vector_store %arg5[%swap3A_1378], %swap3A_1381 {strides = array<i32>} : memref<20000xi32, #tpu.memory_space<vmem>>, vector<16xi32>,
      %add3A_1382 = arith.constant 5 : i32
      %add3A_1383 = arith.addi %add3A_1269, %add3A_1382 : i32
      %sub3A_1384 = arith.constant 1 : i32
      %sub3A_1385 = arith.subi %add3A_1383, %sub3A_1384 : i32
      %mul3A_1386 = arith.constant 80 : i32
      %mul3A_1387 = arith.muli %sub3A_1385, %mul3A_1386 : i32
      %dma_start3A_1388 = tpu.memref_slice %arg5[%mul3A_1387] : memref<20000xi32, #tpu.memory_space<vmem>> -> memref<80xi32, #tpu.memory_space<vmem>>
      %dma_start3A_1389 = arith.constant 0 : i32
      %dma_start3A_1390 = arith.constant 0 : i32
      %dma_start3A_1391 = tpu.memref_slice %arg3[%dma_start3A_1389, %dma_start3A_1390] : memref<20000x64xf32, #tpu.memory_space<hbm>> -> memref<20000x64xf32, #tpu.memory_space<hbm>>
      tpu.enqueue_indirect_dma source(%dma_start3A_1391 : memref<20000x64xf32, #tpu.memory_space<hbm>>) target(%arg10 : memref<80x64xf32, #tpu.memory_space<vmem>>) offsets(%dma_start3A_1388 : memref<80xi32, #tpu.memory_space<vmem>>) semaphore(%arg17 : memref<!tpu.dma_semaphore, #tpu.memory_space<semaphore_mem>>)
      %scan3A_1392 = arith.constant 0 : i32
      scf.yield %scan3A_1392 : i32
    }
    %scan3A_605 = arith.constant 48 : i32
    %dma_wait3A_606 = arith.constant 0 : i32
    %dma_wait3A_607 = arith.constant 0 : i32
    %dma_wait3A_608 = tpu.memref_slice %arg3[%dma_wait3A_606, %dma_wait3A_607] : memref<20000x64xf32, #tpu.memory_space<hbm>> -> memref<80x64xf32, #tpu.memory_space<hbm>>
    %dma_wait3A_609 = arith.constant 0 : i32
    %dma_wait3A_610 = arith.constant 0 : i32
    %dma_wait3A_611 = tpu.memref_slice %arg3[%dma_wait3A_609, %dma_wait3A_610] : memref<20000x64xf32, #tpu.memory_space<hbm>> -> memref<80x64xf32, #tpu.memory_space<hbm>>
    tpu.wait_dma2 semaphore(%arg14 : memref<!tpu.dma_semaphore, #tpu.memory_space<semaphore_mem>>) src(%dma_wait3A_611 : memref<80x64xf32, #tpu.memory_space<hbm>>) dst(%arg7 : memref<80x64xf32, #tpu.memory_space<vmem>>)
    %dma_start3A_612 = arith.constant 19600 : i32
    %dma_start3A_613 = tpu.memref_slice %arg6[%dma_start3A_612] : memref<20000xi32, #tpu.memory_space<vmem>> -> memref<80xi32, #tpu.memory_space<vmem>>
    %dma_start3A_614 = arith.constant 0 : i32
    %dma_start3A_615 = arith.constant 0 : i32
    %dma_start3A_616 = tpu.memref_slice %arg13[%dma_start3A_614, %dma_start3A_615] : memref<10240x64xf32, #tpu.memory_space<vmem_shared>> -> memref<10240x64xf32, #tpu.memory_space<vmem_shared>>
    tpu.enqueue_indirect_dma source(%arg7 : memref<80x64xf32, #tpu.memory_space<vmem>>) target(%dma_start3A_616 : memref<10240x64xf32, #tpu.memory_space<vmem_shared>>) offsets(%dma_start3A_613 : memref<80xi32, #tpu.memory_space<vmem>>) semaphore(%arg19 : memref<!tpu.dma_semaphore, #tpu.memory_space<semaphore_mem>>) {add = true}
    %dma_wait3A_617 = arith.constant 0 : i32
    %dma_wait3A_618 = arith.constant 0 : i32
    %dma_wait3A_619 = tpu.memref_slice %arg3[%dma_wait3A_617, %dma_wait3A_618] : memref<20000x64xf32, #tpu.memory_space<hbm>> -> memref<80x64xf32, #tpu.memory_space<hbm>>
    %dma_wait3A_620 = arith.constant 0 : i32
    %dma_wait3A_621 = arith.constant 0 : i32
    %dma_wait3A_622 = tpu.memref_slice %arg3[%dma_wait3A_620, %dma_wait3A_621] : memref<20000x64xf32, #tpu.memory_space<hbm>> -> memref<80x64xf32, #tpu.memory_space<hbm>>
    tpu.wait_dma2 semaphore(%arg23 : memref<!tpu.dma_semaphore, #tpu.memory_space<semaphore_mem>>) src(%dma_wait3A_622 : memref<80x64xf32, #tpu.memory_space<hbm>>) dst(%arg11 : memref<80x64xf32, #tpu.memory_space<vmem>>)
    %get3A_623 = arith.constant 19920 : index
    %get3A_624 = tpu.vector_load %arg5[%get3A_623] {strides = array<i32>} : memref<20000xi32, #tpu.memory_space<vmem>>, vector<16xi32>,
    %get3A_625 = vector.shape_cast %get3A_624 : vector<16xi32> to vector<16xi32>
    %add3A_626 = arith.addi %get3A_625, %get3A_625 : vector<16xi32>
    %add3A_627 = vector.broadcast %arg0 : i32 to vector<16xi32>
    %add3A_628 = arith.addi %add3A_626, %add3A_627 : vector<16xi32>
    %swap3A_629 = arith.constant 19920 : index
    %swap3A_630 = tpu.vector_load %arg5[%swap3A_629] {strides = array<i32>} : memref<20000xi32, #tpu.memory_space<vmem>>, vector<16xi32>,
    %swap3A_631 = vector.shape_cast %swap3A_630 : vector<16xi32> to vector<16xi32>
    %swap3A_632 = vector.shape_cast %add3A_628 : vector<16xi32> to vector<16xi32>
    tpu.vector_store %arg5[%swap3A_629], %swap3A_632 {strides = array<i32>} : memref<20000xi32, #tpu.memory_space<vmem>>, vector<16xi32>,
    %get3A_633 = arith.constant 19936 : index
    %get3A_634 = tpu.vector_load %arg5[%get3A_633] {strides = array<i32>} : memref<20000xi32, #tpu.memory_space<vmem>>, vector<16xi32>,
    %get3A_635 = vector.shape_cast %get3A_634 : vector<16xi32> to vector<16xi32>
    %add3A_636 = arith.addi %get3A_635, %get3A_635 : vector<16xi32>
    %add3A_637 = vector.broadcast %arg0 : i32 to vector<16xi32>
    %add3A_638 = arith.addi %add3A_636, %add3A_637 : vector<16xi32>
    %swap3A_639 = arith.constant 19936 : index
    %swap3A_640 = tpu.vector_load %arg5[%swap3A_639] {strides = array<i32>} : memref<20000xi32, #tpu.memory_space<vmem>>, vector<16xi32>,
    %swap3A_641 = vector.shape_cast %swap3A_640 : vector<16xi32> to vector<16xi32>
    %swap3A_642 = vector.shape_cast %add3A_638 : vector<16xi32> to vector<16xi32>
    tpu.vector_store %arg5[%swap3A_639], %swap3A_642 {strides = array<i32>} : memref<20000xi32, #tpu.memory_space<vmem>>, vector<16xi32>,
    %get3A_643 = arith.constant 19952 : index
    %get3A_644 = tpu.vector_load %arg5[%get3A_643] {strides = array<i32>} : memref<20000xi32, #tpu.memory_space<vmem>>, vector<16xi32>,
    %get3A_645 = vector.shape_cast %get3A_644 : vector<16xi32> to vector<16xi32>
    %add3A_646 = arith.addi %get3A_645, %get3A_645 : vector<16xi32>
    %add3A_647 = vector.broadcast %arg0 : i32 to vector<16xi32>
    %add3A_648 = arith.addi %add3A_646, %add3A_647 : vector<16xi32>
    %swap3A_649 = arith.constant 19952 : index
    %swap3A_650 = tpu.vector_load %arg5[%swap3A_649] {strides = array<i32>} : memref<20000xi32, #tpu.memory_space<vmem>>, vector<16xi32>,
    %swap3A_651 = vector.shape_cast %swap3A_650 : vector<16xi32> to vector<16xi32>
    %swap3A_652 = vector.shape_cast %add3A_648 : vector<16xi32> to vector<16xi32>
    tpu.vector_store %arg5[%swap3A_649], %swap3A_652 {strides = array<i32>} : memref<20000xi32, #tpu.memory_space<vmem>>, vector<16xi32>,
    %get3A_653 = arith.constant 19968 : index
    %get3A_654 = tpu.vector_load %arg5[%get3A_653] {strides = array<i32>} : memref<20000xi32, #tpu.memory_space<vmem>>, vector<16xi32>,
    %get3A_655 = vector.shape_cast %get3A_654 : vector<16xi32> to vector<16xi32>
    %add3A_656 = arith.addi %get3A_655, %get3A_655 : vector<16xi32>
    %add3A_657 = vector.broadcast %arg0 : i32 to vector<16xi32>
    %add3A_658 = arith.addi %add3A_656, %add3A_657 : vector<16xi32>
    %swap3A_659 = arith.constant 19968 : index
    %swap3A_660 = tpu.vector_load %arg5[%swap3A_659] {strides = array<i32>} : memref<20000xi32, #tpu.memory_space<vmem>>, vector<16xi32>,
    %swap3A_661 = vector.shape_cast %swap3A_660 : vector<16xi32> to vector<16xi32>
    %swap3A_662 = vector.shape_cast %add3A_658 : vector<16xi32> to vector<16xi32>
    tpu.vector_store %arg5[%swap3A_659], %swap3A_662 {strides = array<i32>} : memref<20000xi32, #tpu.memory_space<vmem>>, vector<16xi32>,
    %get3A_663 = arith.constant 19984 : index
    %get3A_664 = tpu.vector_load %arg5[%get3A_663] {strides = array<i32>} : memref<20000xi32, #tpu.memory_space<vmem>>, vector<16xi32>,
    %get3A_665 = vector.shape_cast %get3A_664 : vector<16xi32> to vector<16xi32>
    %add3A_666 = arith.addi %get3A_665, %get3A_665 : vector<16xi32>
    %add3A_667 = vector.broadcast %arg0 : i32 to vector<16xi32>
    %add3A_668 = arith.addi %add3A_666, %add3A_667 : vector<16xi32>
    %swap3A_669 = arith.constant 19984 : index
    %swap3A_670 = tpu.vector_load %arg5[%swap3A_669] {strides = array<i32>} : memref<20000xi32, #tpu.memory_space<vmem>>, vector<16xi32>,
    %swap3A_671 = vector.shape_cast %swap3A_670 : vector<16xi32> to vector<16xi32>
    %swap3A_672 = vector.shape_cast %add3A_668 : vector<16xi32> to vector<16xi32>
    tpu.vector_store %arg5[%swap3A_669], %swap3A_672 {strides = array<i32>} : memref<20000xi32, #tpu.memory_space<vmem>>, vector<16xi32>,
    %dma_start3A_673 = arith.constant 19920 : i32
    %dma_start3A_674 = tpu.memref_slice %arg5[%dma_start3A_673] : memref<20000xi32, #tpu.memory_space<vmem>> -> memref<80xi32, #tpu.memory_space<vmem>>
    %dma_start3A_675 = arith.constant 0 : i32
    %dma_start3A_676 = arith.constant 0 : i32
    %dma_start3A_677 = tpu.memref_slice %arg3[%dma_start3A_675, %dma_start3A_676] : memref<20000x64xf32, #tpu.memory_space<hbm>> -> memref<20000x64xf32, #tpu.memory_space<hbm>>
    tpu.enqueue_indirect_dma source(%dma_start3A_677 : memref<20000x64xf32, #tpu.memory_space<hbm>>) target(%arg11 : memref<80x64xf32, #tpu.memory_space<vmem>>) offsets(%dma_start3A_674 : memref<80xi32, #tpu.memory_space<vmem>>) semaphore(%arg18 : memref<!tpu.dma_semaphore, #tpu.memory_space<semaphore_mem>>)
    %dma_wait3A_678 = arith.constant 0 : i32
    %dma_wait3A_679 = arith.constant 0 : i32
    %dma_wait3A_680 = tpu.memref_slice %arg3[%dma_wait3A_678, %dma_wait3A_679] : memref<20000x64xf32, #tpu.memory_space<hbm>> -> memref<80x64xf32, #tpu.memory_space<hbm>>
    %dma_wait3A_681 = arith.constant 0 : i32
    %dma_wait3A_682 = arith.constant 0 : i32
    %dma_wait3A_683 = tpu.memref_slice %arg3[%dma_wait3A_681, %dma_wait3A_682] : memref<20000x64xf32, #tpu.memory_space<hbm>> -> memref<80x64xf32, #tpu.memory_space<hbm>>
    tpu.wait_dma2 semaphore(%arg15 : memref<!tpu.dma_semaphore, #tpu.memory_space<semaphore_mem>>) src(%dma_wait3A_683 : memref<80x64xf32, #tpu.memory_space<hbm>>) dst(%arg8 : memref<80x64xf32, #tpu.memory_space<vmem>>)
    %dma_start3A_684 = arith.constant 19680 : i32
    %dma_start3A_685 = tpu.memref_slice %arg6[%dma_start3A_684] : memref<20000xi32, #tpu.memory_space<vmem>> -> memref<80xi32, #tpu.memory_space<vmem>>
    %dma_start3A_686 = arith.constant 0 : i32
    %dma_start3A_687 = arith.constant 0 : i32
    %dma_start3A_688 = tpu.memref_slice %arg13[%dma_start3A_686, %dma_start3A_687] : memref<10240x64xf32, #tpu.memory_space<vmem_shared>> -> memref<10240x64xf32, #tpu.memory_space<vmem_shared>>
    tpu.enqueue_indirect_dma source(%arg8 : memref<80x64xf32, #tpu.memory_space<vmem>>) target(%dma_start3A_688 : memref<10240x64xf32, #tpu.memory_space<vmem_shared>>) offsets(%dma_start3A_685 : memref<80xi32, #tpu.memory_space<vmem>>) semaphore(%arg20 : memref<!tpu.dma_semaphore, #tpu.memory_space<semaphore_mem>>) {add = true}
    %dma_wait3A_689 = arith.constant 0 : i32
    %dma_wait3A_690 = arith.constant 0 : i32
    %dma_wait3A_691 = tpu.memref_slice %arg3[%dma_wait3A_689, %dma_wait3A_690] : memref<20000x64xf32, #tpu.memory_space<hbm>> -> memref<80x64xf32, #tpu.memory_space<hbm>>
    %dma_wait3A_692 = arith.constant 0 : i32
    %dma_wait3A_693 = arith.constant 0 : i32
    %dma_wait3A_694 = tpu.memref_slice %arg3[%dma_wait3A_692, %dma_wait3A_693] : memref<20000x64xf32, #tpu.memory_space<hbm>> -> memref<80x64xf32, #tpu.memory_space<hbm>>
    tpu.wait_dma2 semaphore(%arg16 : memref<!tpu.dma_semaphore, #tpu.memory_space<semaphore_mem>>) src(%dma_wait3A_694 : memref<80x64xf32, #tpu.memory_space<hbm>>) dst(%arg9 : memref<80x64xf32, #tpu.memory_space<vmem>>)
    %dma_start3A_695 = arith.constant 19760 : i32
    %dma_start3A_696 = tpu.memref_slice %arg6[%dma_start3A_695] : memref<20000xi32, #tpu.memory_space<vmem>> -> memref<80xi32, #tpu.memory_space<vmem>>
    %dma_start3A_697 = arith.constant 0 : i32
    %dma_start3A_698 = arith.constant 0 : i32
    %dma_start3A_699 = tpu.memref_slice %arg13[%dma_start3A_697, %dma_start3A_698] : memref<10240x64xf32, #tpu.memory_space<vmem_shared>> -> memref<10240x64xf32, #tpu.memory_space<vmem_shared>>
    tpu.enqueue_indirect_dma source(%arg9 : memref<80x64xf32, #tpu.memory_space<vmem>>) target(%dma_start3A_699 : memref<10240x64xf32, #tpu.memory_space<vmem_shared>>) offsets(%dma_start3A_696 : memref<80xi32, #tpu.memory_space<vmem>>) semaphore(%arg21 : memref<!tpu.dma_semaphore, #tpu.memory_space<semaphore_mem>>) {add = true}
    %dma_wait3A_700 = arith.constant 0 : i32
    %dma_wait3A_701 = arith.constant 0 : i32
    %dma_wait3A_702 = tpu.memref_slice %arg3[%dma_wait3A_700, %dma_wait3A_701] : memref<20000x64xf32, #tpu.memory_space<hbm>> -> memref<80x64xf32, #tpu.memory_space<hbm>>
    %dma_wait3A_703 = arith.constant 0 : i32
    %dma_wait3A_704 = arith.constant 0 : i32
    %dma_wait3A_705 = tpu.memref_slice %arg3[%dma_wait3A_703, %dma_wait3A_704] : memref<20000x64xf32, #tpu.memory_space<hbm>> -> memref<80x64xf32, #tpu.memory_space<hbm>>
    tpu.wait_dma2 semaphore(%arg17 : memref<!tpu.dma_semaphore, #tpu.memory_space<semaphore_mem>>) src(%dma_wait3A_705 : memref<80x64xf32, #tpu.memory_space<hbm>>) dst(%arg10 : memref<80x64xf32, #tpu.memory_space<vmem>>)
    %dma_start3A_706 = arith.constant 19840 : i32
    %dma_start3A_707 = tpu.memref_slice %arg6[%dma_start3A_706] : memref<20000xi32, #tpu.memory_space<vmem>> -> memref<80xi32, #tpu.memory_space<vmem>>
    %dma_start3A_708 = arith.constant 0 : i32
    %dma_start3A_709 = arith.constant 0 : i32
    %dma_start3A_710 = tpu.memref_slice %arg13[%dma_start3A_708, %dma_start3A_709] : memref<10240x64xf32, #tpu.memory_space<vmem_shared>> -> memref<10240x64xf32, #tpu.memory_space<vmem_shared>>
    tpu.enqueue_indirect_dma source(%arg10 : memref<80x64xf32, #tpu.memory_space<vmem>>) target(%dma_start3A_710 : memref<10240x64xf32, #tpu.memory_space<vmem_shared>>) offsets(%dma_start3A_707 : memref<80xi32, #tpu.memory_space<vmem>>) semaphore(%arg22 : memref<!tpu.dma_semaphore, #tpu.memory_space<semaphore_mem>>) {add = true}
    %dma_wait3A_711 = arith.constant 0 : i32
    %dma_wait3A_712 = arith.constant 0 : i32
    %dma_wait3A_713 = tpu.memref_slice %arg3[%dma_wait3A_711, %dma_wait3A_712] : memref<20000x64xf32, #tpu.memory_space<hbm>> -> memref<80x64xf32, #tpu.memory_space<hbm>>
    %dma_wait3A_714 = arith.constant 0 : i32
    %dma_wait3A_715 = arith.constant 0 : i32
    %dma_wait3A_716 = tpu.memref_slice %arg3[%dma_wait3A_714, %dma_wait3A_715] : memref<20000x64xf32, #tpu.memory_space<hbm>> -> memref<80x64xf32, #tpu.memory_space<hbm>>
    tpu.wait_dma2 semaphore(%arg18 : memref<!tpu.dma_semaphore, #tpu.memory_space<semaphore_mem>>) src(%dma_wait3A_716 : memref<80x64xf32, #tpu.memory_space<hbm>>) dst(%arg11 : memref<80x64xf32, #tpu.memory_space<vmem>>)
    %dma_start3A_717 = arith.constant 19920 : i32
    %dma_start3A_718 = tpu.memref_slice %arg6[%dma_start3A_717] : memref<20000xi32, #tpu.memory_space<vmem>> -> memref<80xi32, #tpu.memory_space<vmem>>
    %dma_start3A_719 = arith.constant 0 : i32
    %dma_start3A_720 = arith.constant 0 : i32
    %dma_start3A_721 = tpu.memref_slice %arg13[%dma_start3A_719, %dma_start3A_720] : memref<10240x64xf32, #tpu.memory_space<vmem_shared>> -> memref<10240x64xf32, #tpu.memory_space<vmem_shared>>
    tpu.enqueue_indirect_dma source(%arg11 : memref<80x64xf32, #tpu.memory_space<vmem>>) target(%dma_start3A_721 : memref<10240x64xf32, #tpu.memory_space<vmem_shared>>) offsets(%dma_start3A_718 : memref<80xi32, #tpu.memory_space<vmem>>) semaphore(%arg23 : memref<!tpu.dma_semaphore, #tpu.memory_space<semaphore_mem>>) {add = true}
    %dma_wait3A_722 = arith.constant 0 : i32
    %dma_wait3A_723 = arith.constant 0 : i32
    %dma_wait3A_724 = tpu.memref_slice %arg3[%dma_wait3A_722, %dma_wait3A_723] : memref<20000x64xf32, #tpu.memory_space<hbm>> -> memref<80x64xf32, #tpu.memory_space<hbm>>
    %dma_wait3A_725 = arith.constant 0 : i32
    %dma_wait3A_726 = arith.constant 0 : i32
    %dma_wait3A_727 = tpu.memref_slice %arg3[%dma_wait3A_725, %dma_wait3A_726] : memref<20000x64xf32, #tpu.memory_space<hbm>> -> memref<80x64xf32, #tpu.memory_space<hbm>>
    tpu.wait_dma2 semaphore(%arg19 : memref<!tpu.dma_semaphore, #tpu.memory_space<semaphore_mem>>) src(%dma_wait3A_727 : memref<80x64xf32, #tpu.memory_space<hbm>>) dst(%arg7 : memref<80x64xf32, #tpu.memory_space<vmem>>)
    %dma_wait3A_728 = arith.constant 0 : i32
    %dma_wait3A_729 = arith.constant 0 : i32
    %dma_wait3A_730 = tpu.memref_slice %arg3[%dma_wait3A_728, %dma_wait3A_729] : memref<20000x64xf32, #tpu.memory_space<hbm>> -> memref<80x64xf32, #tpu.memory_space<hbm>>
    %dma_wait3A_731 = arith.constant 0 : i32
    %dma_wait3A_732 = arith.constant 0 : i32
    %dma_wait3A_733 = tpu.memref_slice %arg3[%dma_wait3A_731, %dma_wait3A_732] : memref<20000x64xf32, #tpu.memory_space<hbm>> -> memref<80x64xf32, #tpu.memory_space<hbm>>
    tpu.wait_dma2 semaphore(%arg20 : memref<!tpu.dma_semaphore, #tpu.memory_space<semaphore_mem>>) src(%dma_wait3A_733 : memref<80x64xf32, #tpu.memory_space<hbm>>) dst(%arg8 : memref<80x64xf32, #tpu.memory_space<vmem>>)
    %dma_wait3A_734 = arith.constant 0 : i32
    %dma_wait3A_735 = arith.constant 0 : i32
    %dma_wait3A_736 = tpu.memref_slice %arg3[%dma_wait3A_734, %dma_wait3A_735] : memref<20000x64xf32, #tpu.memory_space<hbm>> -> memref<80x64xf32, #tpu.memory_space<hbm>>
    %dma_wait3A_737 = arith.constant 0 : i32
    %dma_wait3A_738 = arith.constant 0 : i32
    %dma_wait3A_739 = tpu.memref_slice %arg3[%dma_wait3A_737, %dma_wait3A_738] : memref<20000x64xf32, #tpu.memory_space<hbm>> -> memref<80x64xf32, #tpu.memory_space<hbm>>
    tpu.wait_dma2 semaphore(%arg21 : memref<!tpu.dma_semaphore, #tpu.memory_space<semaphore_mem>>) src(%dma_wait3A_739 : memref<80x64xf32, #tpu.memory_space<hbm>>) dst(%arg9 : memref<80x64xf32, #tpu.memory_space<vmem>>)
    %dma_wait3A_740 = arith.constant 0 : i32
    %dma_wait3A_741 = arith.constant 0 : i32
    %dma_wait3A_742 = tpu.memref_slice %arg3[%dma_wait3A_740, %dma_wait3A_741] : memref<20000x64xf32, #tpu.memory_space<hbm>> -> memref<80x64xf32, #tpu.memory_space<hbm>>
    %dma_wait3A_743 = arith.constant 0 : i32
    %dma_wait3A_744 = arith.constant 0 : i32
    %dma_wait3A_745 = tpu.memref_slice %arg3[%dma_wait3A_743, %dma_wait3A_744] : memref<20000x64xf32, #tpu.memory_space<hbm>> -> memref<80x64xf32, #tpu.memory_space<hbm>>
    tpu.wait_dma2 semaphore(%arg22 : memref<!tpu.dma_semaphore, #tpu.memory_space<semaphore_mem>>) src(%dma_wait3A_745 : memref<80x64xf32, #tpu.memory_space<hbm>>) dst(%arg10 : memref<80x64xf32, #tpu.memory_space<vmem>>)
    %dma_wait3A_746 = arith.constant 0 : i32
    %dma_wait3A_747 = arith.constant 0 : i32
    %dma_wait3A_748 = tpu.memref_slice %arg3[%dma_wait3A_746, %dma_wait3A_747] : memref<20000x64xf32, #tpu.memory_space<hbm>> -> memref<80x64xf32, #tpu.memory_space<hbm>>
    %dma_wait3A_749 = arith.constant 0 : i32
    %dma_wait3A_750 = arith.constant 0 : i32
    %dma_wait3A_751 = tpu.memref_slice %arg3[%dma_wait3A_749, %dma_wait3A_750] : memref<20000x64xf32, #tpu.memory_space<hbm>> -> memref<80x64xf32, #tpu.memory_space<hbm>>
    tpu.wait_dma2 semaphore(%arg23 : memref<!tpu.dma_semaphore, #tpu.memory_space<semaphore_mem>>) src(%dma_wait3A_751 : memref<80x64xf32, #tpu.memory_space<hbm>>) dst(%arg11 : memref<80x64xf32, #tpu.memory_space<vmem>>)
    %barrier3A_752 = arith.constant 0 : index
    tpu.barrier barrier_id(%barrier3A_752)
    %mul3A_753 = arith.constant 64 : i32
    %mul3A_754 = arith.muli %arg0, %mul3A_753 : i32
    %lt3A = arith.constant 15 : i32
    %lt3A_755 = arith.cmpi slt, %arg1, %lt3A : i32
    %convert_element_type3A = arith.extui %lt3A_755 : i1 to i32
    %cond3A = arith.constant 0 : i32
    %cond3A_756 = arith.cmpi ne, %convert_element_type3A, %cond3A : i32
    scf.if %cond3A_756 {
      "tpu.region"() ({
        %run_scoped3A = tpu.sem_alloc : memref<!tpu.dma_semaphore, #tpu.memory_space<semaphore_mem>>
        %dma_start3A_761 = tpu.memref_slice %arg4[%mul3A_229, %mul3A_754] : memref<10000x128xf32, #tpu.memory_space<hbm>> -> memref<640x64xf32, #tpu.memory_space<hbm>>
        %dma_start3A_762 = arith.constant 0 : i32
        %dma_start3A_763 = tpu.memref_slice %arg13[%mul3A_229, %dma_start3A_762] : memref<10240x64xf32, #tpu.memory_space<vmem_shared>> -> memref<640x64xf32, #tpu.memory_space<vmem_shared>>
        tpu.enqueue_dma source(%dma_start3A_763 : memref<640x64xf32, #tpu.memory_space<vmem_shared>>) target(%dma_start3A_761 : memref<640x64xf32, #tpu.memory_space<hbm>>) target_semaphore(%run_scoped3A : memref<!tpu.dma_semaphore, #tpu.memory_space<semaphore_mem>>)
        %dma_wait3A_764 = tpu.memref_slice %arg4[%mul3A_229, %mul3A_754] : memref<10000x128xf32, #tpu.memory_space<hbm>> -> memref<640x64xf32, #tpu.memory_space<hbm>>
        %dma_wait3A_765 = arith.constant 0 : i32
        %dma_wait3A_766 = tpu.memref_slice %arg13[%mul3A_229, %dma_wait3A_765] : memref<10240x64xf32, #tpu.memory_space<vmem_shared>> -> memref<640x64xf32, #tpu.memory_space<vmem_shared>>
        tpu.wait_dma2 semaphore(%run_scoped3A : memref<!tpu.dma_semaphore, #tpu.memory_space<semaphore_mem>>) src(%dma_wait3A_766 : memref<640x64xf32, #tpu.memory_space<vmem_shared>>) dst(%dma_wait3A_764 : memref<640x64xf32, #tpu.memory_space<hbm>>)
        tpu.yield
      }) : () -> ()
    } else {
    }
    %eq3A = arith.constant 15 : i32
    %eq3A_757 = arith.cmpi eq, %arg1, %eq3A : i32
    %convert_element_type3A_758 = arith.extui %eq3A_757 : i1 to i32
    %cond3A_759 = arith.constant 0 : i32
    %cond3A_760 = arith.cmpi ne, %convert_element_type3A_758, %cond3A_759 : i32
    scf.if %cond3A_760 {
      "tpu.region"() ({
        %run_scoped3A = tpu.sem_alloc : memref<!tpu.dma_semaphore, #tpu.memory_space<semaphore_mem>>
        %dma_start3A_761 = tpu.memref_slice %arg4[%mul3A_229, %mul3A_754] : memref<10000x128xf32, #tpu.memory_space<hbm>> -> memref<400x64xf32, #tpu.memory_space<hbm>>
        %dma_start3A_762 = arith.constant 0 : i32
        %dma_start3A_763 = tpu.memref_slice %arg13[%mul3A_229, %dma_start3A_762] : memref<10240x64xf32, #tpu.memory_space<vmem_shared>> -> memref<400x64xf32, #tpu.memory_space<vmem_shared>>
        tpu.enqueue_dma source(%dma_start3A_763 : memref<400x64xf32, #tpu.memory_space<vmem_shared>>) target(%dma_start3A_761 : memref<400x64xf32, #tpu.memory_space<hbm>>) target_semaphore(%run_scoped3A : memref<!tpu.dma_semaphore, #tpu.memory_space<semaphore_mem>>)
        %dma_wait3A_764 = tpu.memref_slice %arg4[%mul3A_229, %mul3A_754] : memref<10000x128xf32, #tpu.memory_space<hbm>> -> memref<400x64xf32, #tpu.memory_space<hbm>>
        %dma_wait3A_765 = arith.constant 0 : i32
        %dma_wait3A_766 = tpu.memref_slice %arg13[%mul3A_229, %dma_wait3A_765] : memref<10240x64xf32, #tpu.memory_space<vmem_shared>> -> memref<400x64xf32, #tpu.memory_space<vmem_shared>>
        tpu.wait_dma2 semaphore(%run_scoped3A : memref<!tpu.dma_semaphore, #tpu.memory_space<semaphore_mem>>) src(%dma_wait3A_766 : memref<400x64xf32, #tpu.memory_space<vmem_shared>>) dst(%dma_wait3A_764 : memref<400x64xf32, #tpu.memory_space<hbm>>)
        tpu.yield
      }) : () -> ()
    } else {
    }
    return
  }
}

</mosaic_0001>

<sc_bundles>
// kernel: kernel.3.cloned.1.call-start
scs
__scs_entry_jumppad:
0x0: {  	(pc) =	sbr.rel $0x88, $3  }
0x1: {  	(tag) =	ssettag $0x0;
	lr =	simm.s32 $0x1  }
0x2: {  	[smem:$0x3F9F] =	sst lr;
	_ =	strace $0xD0000000  }
0x3: {  	_ = 	snop  }
0x4: {  	_ = 	snop  }
0x5: {  	_ = 	snop  }
0x6: {  	_ = 	snop  }
0x7: {  	_ = 	snop  }
__scs_overlays_trampoline_lowered:
0x8: {  	[smem:$0x3FAE] =	sst s0  }
0x9: {  	[smem:$0x3FAF] =	sst s1  }
0xa: {  	[smem:$0x3FB0] =	sst s2  }
0xb: {  	[smem:$0x3FB1] =	sst s3  }
0xc: {  	[smem:$0x3FB2] =	sst s4  }
0xd: {  	[smem:$0x3FB3] =	sst s5  }
0xe: {  	[smem:$0x3FB4] =	sst s6  }
0xf: {  	[smem:$0x3FB5] =	sst s7  }
0x10: {  	[smem:$0x3FB6] =	sst s8  }
0x11: {  	[smem:$0x3FB7] =	sst s9;
	s0 =	simm.s32 @!p0 $0x0  }
0x12: {  	s1 =	sld [smem:$0x3F9D];
	s0 =	simm.s32 @p0 $0x1  }
0x13: {  	[smem:$0x3FB8] =	sst s0;
	s0 =	simm.s32 @!p1 $0x0  }
0x14: {  	s2 =	sld [smem:$0x3F9C];
	s0 =	simm.s32 @p1 $0x1  }
0x15: {  	[smem:$0x3FB9] =	sst s0;
	s0 =	simm.s32 @!p2 $0x0  }
0x16: {  	s3 =	sld [smem:$0x3FDB];
	s0 =	simm.s32 @p2 $0x1  }
0x17: {  	s4 =	simm.s32 $0x1BF5;
	[smem:$0x3FBB] =	sst s0  }
0x18: {  	s0 =	sld [smem:$0x3F9E];
	_ =	swait.ge [sflag:s4], $0x0  }
0x19: {  	s7 =	sld [smem:$0x3F9F]  }
0x1a: {  	s8 =	sadd.s32 $0xFFFFE003, lr  }
0x1b: {  	s9 =	sadd.s32 $0xFFFFFEF7, lr;
	s5 =	simm.s32 $0xFFFFFFFF;
	p2 =	slt.u32 s8, $0xFFFFF086  }
0x1c: {  	p1 =	slt.u32 s9, $0xF7A;
	s5 =	simm.s32 @!p2 $0x0  }
0x1d: {  	s5 =	simm.s32 @p1 $0x1;
	p0 =	seq.s32 s7, s2  }
0x1e: {  	s7 =	smul.u32 @!p0 $0xF7A, s2;
	p2 =	seq.s32 @!p0 s5, $0x0  }
0x1f: {  	s9 =	smul.u32 $0xF7A, s1;
	s8 =	simm.s32 @!p0 $0x1BF5;
	p2 =	por !p2, p0  }
0x20: {  	[sflag:s8] =	ssyncset.s32 @!p0 $0xFFFFF086;
	s6 =	sadd.s32 @!p0 s3, s7;
	s7 =	simm.s32 @!p0 $0x108  }
0x21: {  	s3 =	sadd.s32 s3, s9;
	s6 =	sadd.s32 @!p0 $0x88, s6;
	s7 =	simm.s32 @p2 $0x1082  }
0x22: {  	[simem:s7], [sflag:s8] =	dma.local @!p0 [hbm:s6], $0xF7A  }
0x23: {  	s9 =	sor.u32 $0xD0000000, s2;
	s6 =	simm.s32 $0x108;
	_ =	swait.ge @!p0 [sflag:s8], $0x0  }
0x24: {  	s3 =	sadd.s32 $0x88, s3;
	s6 =	simm.s32 @!p1 $0x1082;
	[sflag:s4] =	ssyncset.s32 $0xFFFFF086  }
0x25: {  	[simem:s6], [sflag:s4] =	dma.local [hbm:s3], $0xF7A  }
0x26: {  	[smem:$0x3F9F] =	sst s1;
	(tag) =	ssettag s2;
	_ =	strace s9  }
0x27: {  	s1 =	sld [smem:$0x3FAF]  }
0x28: {  	s2 =	sld [smem:$0x3FB0]  }
0x29: {  	s4 =	sld [smem:$0x3FB2]  }
0x2a: {  	p0 =	seq.s32 s5, $0x0;
	s5 =	sld [smem:$0x3FB3]  }
0x2b: {  	s6 =	sld [smem:$0x3FB4]  }
0x2c: {  	s7 =	sld [smem:$0x3FB5]  }
0x2d: {  	s3 =	simm.s32 $0x108;
	s8 =	sld [smem:$0x3FB6]  }
0x2e: {  	s3 =	simm.s32 @!p0 $0x1082;
	s9 =	sld [smem:$0x3FB7]  }
0x2f: {  	lr =	sadd.s32 s0, s3;
	s0 =	sld [smem:$0x3FAE]  }
0x30: {  	s3 =	sld [smem:$0x3FB1]  }
0x31: {  	[smem:$0x3FBA] =	sst s10  }
0x32: {  	s10 =	sld [smem:$0x3FB8];
	_ =	sdelay $0x3  }
0x33: {  	p0 =	seq.s32 s10, $0x1;
	s10 =	sld [smem:$0x3FBA];
	_ =	sdelay $0x3  }
0x34: {  	[smem:$0x3FBA] =	sst s10  }
0x35: {  	s10 =	sld [smem:$0x3FB9];
	_ =	sdelay $0x3  }
0x36: {  	p1 =	seq.s32 s10, $0x1;
	s10 =	sld [smem:$0x3FBA];
	_ =	sdelay $0x3  }
0x37: {  	[smem:$0x3FBA] =	sst s10  }
0x38: {  	s10 =	sld [smem:$0x3FBB]  }
0x39: {  	_ = 	snop;
	(pc) =	sbr.ind lr, $3  }
0x3a: {  	_ = 	snop  }
0x3b: {  	_ = 	snop  }
0x3c: {  	p2 =	seq.s32 s10, $0x1;
	s10 =	sld [smem:$0x3FBA]  }
0x3d: {  	_ =	shalt  }
0x3e: {  	_ =	shalt  }
0x3f: {  	_ =	shalt  }
0x40: {  	_ =	shalt  }
0x41: {  	_ =	shalt  }
0x42: {  	_ =	shalt  }
0x43: {  	_ =	shalt  }
0x44: {  	_ =	shalt  }
0x45: {  	_ =	shalt  }
0x46: {  	_ =	shalt  }
0x47: {  	_ =	shalt  }
0x48: {  	_ =	shalt  }
0x49: {  	_ =	shalt  }
0x4a: {  	_ =	shalt  }
0x4b: {  	_ =	shalt  }
0x4c: {  	_ =	shalt  }
0x4d: {  	_ =	shalt  }
0x4e: {  	_ =	shalt  }
0x4f: {  	_ =	shalt  }
0x50: {  	_ =	shalt  }
0x51: {  	_ =	shalt  }
0x52: {  	_ =	shalt  }
0x53: {  	_ =	shalt  }
0x54: {  	_ =	shalt  }
0x55: {  	_ =	shalt  }
0x56: {  	_ =	shalt  }
0x57: {  	_ =	shalt  }
0x58: {  	_ =	shalt  }
0x59: {  	_ =	shalt  }
0x5a: {  	_ =	shalt  }
0x5b: {  	_ =	shalt  }
0x5c: {  	_ =	shalt  }
0x5d: {  	_ =	shalt  }
0x5e: {  	_ =	shalt  }
0x5f: {  	_ =	shalt  }
0x60: {  	_ =	shalt  }
0x61: {  	_ =	shalt  }
0x62: {  	_ =	shalt  }
0x63: {  	_ =	shalt  }
0x64: {  	_ =	shalt  }
0x65: {  	_ =	shalt  }
0x66: {  	_ =	shalt  }
0x67: {  	_ =	shalt  }
0x68: {  	_ =	shalt  }
0x69: {  	_ =	shalt  }
0x6a: {  	_ =	shalt  }
0x6b: {  	_ =	shalt  }
0x6c: {  	_ =	shalt  }
0x6d: {  	_ =	shalt  }
0x6e: {  	_ =	shalt  }
0x6f: {  	_ =	shalt  }
0x70: {  	_ =	shalt  }
0x71: {  	_ =	shalt  }
0x72: {  	_ =	shalt  }
0x73: {  	_ =	shalt  }
0x74: {  	_ =	shalt  }
0x75: {  	_ =	shalt  }
0x76: {  	_ =	shalt  }
0x77: {  	_ =	shalt  }
0x78: {  	_ =	shalt  }
0x79: {  	_ =	shalt  }
0x7a: {  	_ =	shalt  }
0x7b: {  	_ =	shalt  }
0x7c: {  	_ =	shalt  }
0x7d: {  	_ =	shalt  }
0x7e: {  	_ =	shalt  }
0x7f: {  	_ =	shalt  }
0x80: {  	_ =	shalt  }
0x81: {  	_ =	shalt  }
0x82: {  	_ =	shalt  }
0x83: {  	_ =	shalt  }
0x84: {  	_ =	shalt  }
0x85: {  	_ =	shalt  }
0x86: {  	_ =	shalt  }
0x87: {  	_ =	shalt  }
.Lfunc_end0:
.L_simem_size_0:
called_computation_lowered:
.L_overlay_start_0:
0x88: {  	s2 =	sld [smem:$0x3FD9]  }
0x89: {  	s3 =	sld [smem:$0x3FFE];
	_ =	sdelay $0x1  }
0x8a: {  	s1 =	srdreg.scid  }
0x8b: {  	s0 =	sand.u32 $0x1, s1  }
0x8c: {  	s17 =	sshll.u32 s0, $0xA;
	s2 =	sadd.s32 s3, s2  }
0x8d: {  	s2 =	sadd.s32 s2, s17  }
0x8e: {  	[smem:$0x3FC6] =	sst s2  }
0x8f: {  	_ = 	snop  }
0x90: {  	s2 =	sld [smem:$0x3FC8]  }
0x91: {  	s18 =	sld [smem:$0x3FD0];
	(tm) =	ssettm $0x1  }
0x92: {  	s4 =	sld [smem:$0x3FFB];
	_ =	sdelay $0x3  }
0x93: {  	_ =	strace s4  }
0x94: {  	s4 =	sld [smem:$0x3FFC];
	_ =	sdelay $0x3  }
0x95: {  	_ =	strace s4  }
0x96: {  	s4 =	sld [smem:$0x3FFD];
	_ =	sdelay $0x3  }
0x97: {  	_ =	strace s4  }
0x98: {  	_ =	strace $0x8FFFFFFF  }
0x99: {  	s19 =	sld [smem:$0x3FDB];
	_ =	sdelay $0x1  }
0x9a: {  	s5 =	simm.s32 $_scs_section_size  }
0x9b: {  	s6 =	simm.s32 $_size__tile_overlayer_lowered;
	s7 =	simm.s32 $_tile_overlayer_lowered  }
0x9c: {  	s22 =	simm.s32 $0x1BFF;
	s21 =	sshll.u32 s7, $0x1;
	s4 =	sadd.s32 s5, s19  }
0x9d: {  	s8 =	simm.s32 $0x0;
	s20 =	sshll.u32 s6, $0x1;
	s6 =	sadd.s32 s21, s4  }
0x9e: {  	[timem:s8], [sflag:s22] =	dma.local [hbm:s6], s20  }
0x9f: {  	_ =	swait.ge [sflag:s22], s20  }
0xa0: {  	s5 =	ssub.s32 $0x0, s20;
	[sflag:s22] =	ssyncset.done $0x0  }
0xa1: {  	[sflag:s22] =	ssyncadd.s32 s5;
	_ =	sdelay $0x1  }
0xa2: {  	s23 =	simm.s32 $0x1B8B  }
0xa3: {  	_ =	swait.ge [sflag:s23], $0x1  }
0xa4: {  	[sflag:s23] =	ssyncset.done $0x0  }
0xa5: {  	s25 =	simm.s32 $0x1B8E;
	s24 =	sld [smem:$0x3FFE];
	[sflag:s23] =	ssyncadd.s32 $0xFFFFFFFF  }
0xa6: {  	s26 =	simm.s32 $execute0_lowered;
	[smem:$0x3FD2] =	sst s25  }
0xa7: {  	s6 =	sshll.u32 s26, $0x1;
	_ =	strace $0x80000046;
	[dreg:$0x1] =	wrdreg $0xFFFFFFFF  }
0xa8: {  	s28 =	simm.s32 $_size_execute0_lowered;
	s4 =	sadd.s32 s4, s6;
	[dreg:$0x0] =	wrdreg $0x0  }
0xa9: {  	s6 =	sshll.u32 s28, $0x1;
	[dreg:$0x2] =	wrdreg s4  }
0xaa: {  	[dreg:$0x3] =	wrdreg s6  }
0xab: {  	[dreg:$0x4] =	wrdreg $0xC0  }
0xac: {  	_ =	task [dreg:s8], $0x5FFFF  }
0xad: {  	[dreg:$0x1] =	wrdreg $0xFFFFFFFF  }
0xae: {  	[dreg:$0x0] =	wrdreg $0x60  }
0xaf: {  	[dreg:$0x2] =	wrdreg s24  }
0xb0: {  	[dreg:$0x3] =	wrdreg s2  }
0xb1: {  	[dreg:$0x4] =	wrdreg s18  }
0xb2: {  	[dreg:$0x5] =	wrdreg $0x114400  }
0xb3: {  	[dreg:$0x6] =	wrdreg $0x9  }
0xb4: {  	_ =	task.clear_ibuf [dreg:s8], $0x7FFFF;
	_ =	strace $0x90000046  }
0xb5: {  	s29 =	simm.s32 $0x9;
	_ =	strace $0x80000048  }
0xb6: {  	_ =	swait.ge [sflag:s29], $0x1  }
0xb7: {  	[sflag:s29] =	ssyncadd.s32 $0xFFFFFFFF  }
0xb8: {  	_ =	strace $0x90000048  }
0xb9: {  	_ =	sfence  }
0xba: {  	s30 =	sld [smem:$0x0];
	_ =	sdelay $0x2  }
0xbb: {  	s31 =	sshll.u32 s1, $0xD;
	s1 =	sshrl.u32 s1, $0x2  }
0xbc: {  	s3 =	sand.u32 $0x4000, s31;
	s1 =	sadd.s32 s1, s30  }
0xbd: {  	s0 =	sor.u32 s3, s0;
	s1 =	sshll.u32 s1, $0x11  }
0xbe: {  	s0 =	sor.u32 s1, s0  }
0xbf: {  	s0 =	sadd.s32 $0x8F2B, s0  }
0xc0: {  	[sflag:s0] =	ssyncadd.remote.s32 $0x1  }
0xc1: {  	_ =	sfence.sel $0xFFFF  }
0xc2: {  	[dreg:$0x0] =	wrdreg $0xFFFFFFFF;
	(pc) =	sbr.abs _section_cstart, $3  }
0xc3: {  	[dreg:$0x1] =	wrdreg $0xFFFFFFFF  }
0xc4: {  	_ =	task.clear_ibuf [dreg:s8], $0x2FFFF;
	_ =	strace $0x9FFFFFFF  }
0xc5: {  	(tm) =	ssettm $0x7FFFFFFF  }
tec
execute0_lowered:
.L_overlay_start_1:
0x0: {  	(tag) =	ssettag $0x1  }
0x1: {  	s0 =	rddreg [dreg:$0x0]  }
0x2: {  	s2 =	rddreg [dreg:$0x1]  }
0x3: {  	s1 =	rddreg [dreg:$0x2]  }
0x4: {  	s3 =	rddreg [dreg:$0x3]  }
0x5: {  	s9 =	stileid.u32;
	s5 =	srdreg.scid;
	s4 =	simm.s32 $0x0  }
0x6: {  	s28 =	simm.s32 $0x10040;
	s29 =	simm.s32 $0x1;
	s6 =	smul.u32 $0x4E20, s9  }
0x7: {  	s31 =	simm.s32 $0xEC40;
	s30 =	simm.s32 $0x7;
	s7 =	smul.u32 $0x28000, s9  }
0x8: {  	s10 =	sand.u32 $0x1, s5;
	[smem:$0x7FF] =	sst s4;
	s20 =	smul.u32 $0x14000, s9  }
0x9: {  	p0 =	seq.s32 s9, $0xF;
	s9 =	simm.s32 $0xA;
	s6 =	sshrl.u32 s6, $0x3  }
0xa: {  	s5 =	ssub.s32 $0x2, s10;
	_ =	strace $0x80000047;
	s0 =	sadd.s32 s6, s0  }
0xb: {  	s22 =	sshll.u32 s10, $0x6;
	s16 =	sshrl.u32 s7, $0x2;
	s17 =	sadd.s32 $0x400, s0  }
0xc: {  	s7 =	sadd.s32 s16, s3;
	s0 =	sadd.s32 $0xA040, s0;
	[dreg:$0x5] =	wrdreg s17  }
0xd: {  	s24 =	sshll.u32 s10, $0x3;
	s18 =	sadd.s32 $0x1400, s7;
	[dreg:$0x6] =	wrdreg s0  }
0xe: {  	v0 =	vmov s10;
	s10 =	simm.s32 $0x0;
	s19 =	sadd.s32 $0x2800, s7;
	[dreg:$0x7] =	wrdreg s18  }
0xf: {  	s8 =	sshrl.u32 s5, $0x1;
	s6 =	sadd.s32 $0x3C00, s7;
	[dreg:$0x8] =	wrdreg s19  }
0x10: {  	s5 =	ssub.s32 s5, s8;
	s21 =	sadd.s32 $0x5000, s7;
	[dreg:$0x9] =	wrdreg s6  }
0x11: {  	s8 =	simm.s32 $0x9;
	s23 =	sadd.s32 $0x6400, s7;
	[dreg:$0xa] =	wrdreg s21  }
0x12: {  	s25 =	sadd.s32 $0x7800, s7;
	s26 =	sadd.s32 $0x8C00, s7;
	[dreg:$0xb] =	wrdreg s23  }
0x13: {  	s0 =	sor.u32 s22, s20;
	[dreg:$0xc] =	wrdreg s25;
	s6 =	sadd.s32 s24, s1  }
0x14: {  	[dreg:$0xd] =	wrdreg s26;
	s17 =	smax.u32 s5, $0x1;
	s18 =	simm.s32 $0xB  }
0x15: {  	s19 =	simm.s32 $0x50;
	s20 =	simm.s32 $0x9C40;
	s21 =	simm.s32 $0xB040  }
0x16: {  	s23 =	simm.s32 $0xC440;
	s25 =	simm.s32 $0xD840;
	s26 =	simm.s32 $0x4E20  }
0x17: {  	s24 =	simm.s32 $0x6;
	s22 =	simm.s32 $0x3;
	s5 =	simm.s32 $0x8  }
0x18: {  	s0 =	sshrl.u32 s0, $0x3;
	s16 =	sadd.s32 $0x25800, s6;
	s6 =	simm.s32 $0x5  }
0x19: {  	v1 =	vimm.f32 $0.0e+00;
	s15 =	sadd.s32 s1, s0;
	s0 =	simm.s32 $0x2;
	s1 =	simm.s32 $0x4  }
.LBB2_1:
0x1a: {  	s11 =	rddreg [dreg:$0x5]  }
0x1b: {  	[tilespmem:s4], [sflag:$0xB] =	stream.linear.gather [hbm4b:s11+s4], $0x4E20, $0x38;
	[tilespmem:$0x1B440] =	vst v63  }
0x1c: {  	_ =	swait.ge [sflag:s18], $0x4E20  }
0x1d: {  	[sflag:s18] =	ssyncset.done $0x0  }
0x1e: {  	[sflag:s18] =	ssyncadd.s32 $0xFFFFB1E0  }
0x1f: {  	v2 =	vld [tilespmem:$0x0]  }
0x20: {  	v3 =	vld [tilespmem:$0x10]  }
0x21: {  	v4 =	vld [tilespmem:$0x20]  }
0x22: {  	v5 =	vld [tilespmem:$0x30]  }
0x23: {  	v6 =	vld [tilespmem:$0x40]  }
0x24: {  	v2 =	vshll.u32 v2, $0x1  }
0x25: {  	v3 =	vshll.u32 v3, $0x1;
	v2 =	vor.u32 v0, v2  }
0x26: {  	[tilespmem:$0x0] =	vst v2;
	v2 =	vor.u32 v0, v3;
	v3 =	vshll.u32 v4, $0x1  }
0x27: {  	[tilespmem:$0x10] =	vst v2;
	v2 =	vor.u32 v0, v3;
	v3 =	vshll.u32 v5, $0x1  }
0x28: {  	[tilespmem:$0x20] =	vst v2;
	v2 =	vor.u32 v0, v3;
	v3 =	vshll.u32 v6, $0x1  }
0x29: {  	[tilespmem:$0x30] =	vst v2;
	v2 =	vor.u32 v0, v3  }
0x2a: {  	[tilespmem:$0x40] =	vst v2  }
0x2b: {  	[tilespmem:s20], [sflag:$0x1] =	stream.indirect.gather [hbm4b:s2+s19], $0x40, s4, s19, $0xb8;
	[tilespmem:$0x1B440] =	vst v63  }
0x2c: {  	v2 =	vld [tilespmem:$0x50]  }
0x2d: {  	v3 =	vld [tilespmem:$0x60]  }
0x2e: {  	v55 =	vld [tilespmem:$0x70]  }
0x2f: {  	v56 =	vld [tilespmem:$0x80]  }
0x30: {  	v57 =	vld [tilespmem:$0x90]  }
0x31: {  	v2 =	vshll.u32 v2, $0x1  }
0x32: {  	v3 =	vshll.u32 v3, $0x1;
	v2 =	vor.u32 v0, v2  }
0x33: {  	[tilespmem:$0x50] =	vst v2;
	v2 =	vor.u32 v0, v3;
	v3 =	vshll.u32 v55, $0x1  }
0x34: {  	[tilespmem:$0x60] =	vst v2;
	v2 =	vor.u32 v0, v3;
	v3 =	vshll.u32 v56, $0x1  }
0x35: {  	[tilespmem:$0x70] =	vst v2;
	v2 =	vor.u32 v0, v3;
	v3 =	vshll.u32 v57, $0x1  }
0x36: {  	[tilespmem:$0x80] =	vst v2;
	v2 =	vor.u32 v0, v3  }
0x37: {  	[tilespmem:$0x90] =	vst v2  }
0x38: {  	[tilespmem:s21], [sflag:$0x2] =	stream.indirect.gather [hbm4b:s2+s19], $0x40, s19, s19, $0xb8;
	[tilespmem:$0x1B440] =	vst v63  }
0x39: {  	v2 =	vld [tilespmem:$0xA0]  }
0x3a: {  	v3 =	vld [tilespmem:$0xB0]  }
0x3b: {  	v58 =	vld [tilespmem:$0xC0]  }
0x3c: {  	v59 =	vld [tilespmem:$0xD0]  }
0x3d: {  	v60 =	vld [tilespmem:$0xE0]  }
0x3e: {  	v2 =	vshll.u32 v2, $0x1  }
0x3f: {  	v3 =	vshll.u32 v3, $0x1;
	v2 =	vor.u32 v0, v2  }
0x40: {  	[tilespmem:$0xA0] =	vst v2;
	v2 =	vor.u32 v0, v3;
	v3 =	vshll.u32 v58, $0x1  }
0x41: {  	[tilespmem:$0xB0] =	vst v2;
	v2 =	vor.u32 v0, v3;
	v3 =	vshll.u32 v59, $0x1  }
0x42: {  	[tilespmem:$0xC0] =	vst v2;
	v2 =	vor.u32 v0, v3;
	v3 =	vshll.u32 v60, $0x1  }
0x43: {  	[tilespmem:$0xD0] =	vst v2;
	v2 =	vor.u32 v0, v3  }
0x44: {  	s14 =	simm.s32 $0xA0;
	[tilespmem:$0xE0] =	vst v2  }
0x45: {  	[tilespmem:s23], [sflag:$0x3] =	stream.indirect.gather [hbm4b:s2+s19], $0x40, s14, s19, $0xb8;
	[tilespmem:$0x1B440] =	vst v63  }
0x46: {  	v2 =	vld [tilespmem:$0xF0]  }
0x47: {  	v3 =	vld [tilespmem:$0x100]  }
0x48: {  	v61 =	vld [tilespmem:$0x110]  }
0x49: {  	v62 =	vld [tilespmem:$0x120]  }
0x4a: {  	v63 =	vld [tilespmem:$0x130]  }
0x4b: {  	v2 =	vshll.u32 v2, $0x1  }
0x4c: {  	v3 =	vshll.u32 v3, $0x1;
	v2 =	vor.u32 v0, v2  }
0x4d: {  	[tilespmem:$0xF0] =	vst v2;
	v2 =	vor.u32 v0, v3;
	v3 =	vshll.u32 v61, $0x1  }
0x4e: {  	[tilespmem:$0x100] =	vst v2;
	v2 =	vor.u32 v0, v3;
	v3 =	vshll.u32 v62, $0x1  }
0x4f: {  	[tilespmem:$0x110] =	vst v2;
	v2 =	vor.u32 v0, v3;
	v3 =	vshll.u32 v63, $0x1  }
0x50: {  	[tilespmem:$0x120] =	vst v2;
	v2 =	vor.u32 v0, v3  }
0x51: {  	s12 =	simm.s32 $0xF0;
	[tilespmem:$0x130] =	vst v2  }
0x52: {  	[tilespmem:s25], [sflag:$0x4] =	stream.indirect.gather [hbm4b:s2+s19], $0x40, s12, s19, $0xb8;
	[tilespmem:$0x1B440] =	vst v63  }
0x53: {  	s13 =	rddreg [dreg:$0x6]  }
0x54: {  	[tilespmem:s26], [sflag:$0xB] =	stream.linear.gather [hbm4b:s13+s4], $0x4E20, $0x38;
	[tilespmem:$0x1B440] =	vst v63  }
0x55: {  	s11 =	simm.s32 $0x40;
	s14 =	sand.u32 $0x7F00, s4;
	_ =	swait.ge [sflag:s18], $0x4E20  }
0x56: {  	s12 =	sand.u32 $0x30, s4;
	s13 =	sshrl.u32 s14, $0x2;
	[sflag:s18] =	ssyncset.done $0x0  }
0x57: {  	s13 =	sor.u32 s12, s13;
	s12 =	simm.s32 $0x0;
	[sflag:s18] =	ssyncadd.s32 $0xFFFFB1E0  }
.LBB2_2:
0x58: {  	p1 =	sne.s32 s11, $0x4FC0  }
0x59: {  	[tilespmem:s13+$0x10040] =	vst v1;
	s12 =	sadd.s32 $0x10, s12;
	s13 =	smov.u32 s11;
	s11 =	sadd.s32 $0x40, s11  }
.Ltmp0:
0x5a: {  	(pc) =	sbr.rel @p1 .LBB2_2-.Ltmp0, $4  }
0x5b: {  	_ = 	snop  }
0x5c: {  	s13 =	sand.u32 $0x7F00, s13  }
0x5d: {  	s14 =	sand.u32 $0x30, s12;
	s13 =	sshrl.u32 s13, $0x2  }
0x5e: {  	s13 =	sor.u32 s14, s13  }
0x5f: {  	[tilespmem:s13+$0x10040] =	vst v1  }
0x60: {  	[spmem:s7] =	stream.linear.scatter [tilespmem:s28], [sflag:$0xB], $0x1400, $0x38;
	[tilespmem:$0x1B440] =	vst v63  }
0x61: {  	_ =	swait.ge [sflag:s18], $0x1400  }
0x62: {  	[sflag:s18] =	ssyncset.done $0x0  }
0x63: {  	s11 =	rddreg [dreg:$0x7];
	[sflag:s18] =	ssyncadd.s32 $0xFFFFEC00  }
0x64: {  	[spmem:s11] =	stream.linear.scatter [tilespmem:s28], [sflag:$0xB], $0x1400, $0x38;
	[tilespmem:$0x1B440] =	vst v63  }
0x65: {  	_ =	swait.ge [sflag:s18], $0x1400  }
0x66: {  	[sflag:s18] =	ssyncset.done $0x0  }
0x67: {  	s12 =	rddreg [dreg:$0x8];
	[sflag:s18] =	ssyncadd.s32 $0xFFFFEC00  }
0x68: {  	[spmem:s12] =	stream.linear.scatter [tilespmem:s28], [sflag:$0xB], $0x1400, $0x38;
	[tilespmem:$0x1B440] =	vst v63  }
0x69: {  	_ =	swait.ge [sflag:s18], $0x1400  }
0x6a: {  	[sflag:s18] =	ssyncset.done $0x0  }
0x6b: {  	s13 =	rddreg [dreg:$0x9];
	[sflag:s18] =	ssyncadd.s32 $0xFFFFEC00  }
0x6c: {  	[spmem:s13] =	stream.linear.scatter [tilespmem:s28], [sflag:$0xB], $0x1400, $0x38;
	[tilespmem:$0x1B440] =	vst v63  }
0x6d: {  	_ =	swait.ge [sflag:s18], $0x1400  }
0x6e: {  	[sflag:s18] =	ssyncset.done $0x0  }
0x6f: {  	s14 =	rddreg [dreg:$0xa];
	[sflag:s18] =	ssyncadd.s32 $0xFFFFEC00  }
0x70: {  	[spmem:s14] =	stream.linear.scatter [tilespmem:s28], [sflag:$0xB], $0x1400, $0x38;
	[tilespmem:$0x1B440] =	vst v63  }
0x71: {  	_ =	swait.ge [sflag:s18], $0x1400  }
0x72: {  	[sflag:s18] =	ssyncset.done $0x0  }
0x73: {  	s12 =	rddreg [dreg:$0xb];
	[sflag:s18] =	ssyncadd.s32 $0xFFFFEC00  }
0x74: {  	[spmem:s12] =	stream.linear.scatter [tilespmem:s28], [sflag:$0xB], $0x1400, $0x38;
	[tilespmem:$0x1B440] =	vst v63  }
0x75: {  	_ =	swait.ge [sflag:s18], $0x1400  }
0x76: {  	[sflag:s18] =	ssyncset.done $0x0  }
0x77: {  	s13 =	rddreg [dreg:$0xc];
	[sflag:s18] =	ssyncadd.s32 $0xFFFFEC00  }
0x78: {  	[spmem:s13] =	stream.linear.scatter [tilespmem:s28], [sflag:$0xB], $0x1400, $0x38;
	[tilespmem:$0x1B440] =	vst v63  }
0x79: {  	_ =	swait.ge [sflag:s18], $0x1400  }
0x7a: {  	[sflag:s18] =	ssyncset.done $0x0  }
0x7b: {  	s14 =	rddreg [dreg:$0xd];
	[sflag:s18] =	ssyncadd.s32 $0xFFFFEC00  }
0x7c: {  	[spmem:s14] =	stream.linear.scatter [tilespmem:s28], [sflag:$0xB], $0x1400, $0x38;
	[tilespmem:$0x1B440] =	vst v63  }
0x7d: {  	_ =	swait.ge [sflag:s18], $0x1400  }
0x7e: {  	[sflag:s18] =	ssyncset.done $0x0  }
0x7f: {  	[sflag:s18] =	ssyncadd.s32 $0xFFFFEC00  }
0x80: {  	[bflag:$0x0] =	sbarrier.arrive $0xFFFF  }
0x81: {  	_ =	swait.ge [sflag:s29], $0x1400  }
0x82: {  	[sflag:s29] =	ssyncset.done $0x0  }
0x83: {  	[sflag:s29] =	ssyncadd.s32 $0xFFFFEC00  }
0x84: {  	[spmem:s3] =	stream.indirect.scatter.add.f32 [tilespmem:s20], [sflag:$0x6], $0x40, s26, s19, $0xb8;
	[tilespmem:$0x1B440] =	vst v63  }
0x85: {  	v2 =	vld [tilespmem:$0x140]  }
0x86: {  	v3 =	vld [tilespmem:$0x150]  }
0x87: {  	v4 =	vld [tilespmem:$0x160]  }
0x88: {  	v5 =	vld [tilespmem:$0x170]  }
0x89: {  	v6 =	vld [tilespmem:$0x180]  }
0x8a: {  	v2 =	vshll.u32 v2, $0x1  }
0x8b: {  	v3 =	vshll.u32 v3, $0x1;
	v2 =	vor.u32 v0, v2  }
0x8c: {  	[tilespmem:$0x140] =	vst v2;
	v2 =	vor.u32 v0, v3;
	v3 =	vshll.u32 v4, $0x1  }
0x8d: {  	[tilespmem:$0x150] =	vst v2;
	v2 =	vor.u32 v0, v3;
	v3 =	vshll.u32 v5, $0x1  }
0x8e: {  	[tilespmem:$0x160] =	vst v2;
	v2 =	vor.u32 v0, v3;
	v3 =	vshll.u32 v6, $0x1  }
0x8f: {  	[tilespmem:$0x170] =	vst v2;
	v2 =	vor.u32 v0, v3  }
0x90: {  	s12 =	simm.s32 $0x140;
	[tilespmem:$0x180] =	vst v2  }
0x91: {  	[tilespmem:s31], [sflag:$0x5] =	stream.indirect.gather [hbm4b:s2+s19], $0x40, s12, s19, $0xb8;
	[tilespmem:$0x1B440] =	vst v63  }
0x92: {  	_ =	swait.ge [sflag:s0], $0x1400  }
0x93: {  	[sflag:s0] =	ssyncset.done $0x0  }
0x94: {  	s13 =	simm.s32 $0x4E70;
	[sflag:s0] =	ssyncadd.s32 $0xFFFFEC00  }
0x95: {  	[spmem:s3] =	stream.indirect.scatter.add.f32 [tilespmem:s21], [sflag:$0x7], $0x40, s13, s19, $0xb8;
	[tilespmem:$0x1B440] =	vst v63  }
0x96: {  	_ =	swait.ge [sflag:s24], $0x1400  }
0x97: {  	[sflag:s24] =	ssyncset.done $0x0  }
0x98: {  	[sflag:s24] =	ssyncadd.s32 $0xFFFFEC00  }
0x99: {  	v2 =	vld [tilespmem:$0x190]  }
0x9a: {  	v3 =	vld [tilespmem:$0x1A0]  }
0x9b: {  	v4 =	vld [tilespmem:$0x1B0]  }
0x9c: {  	v5 =	vld [tilespmem:$0x1C0]  }
0x9d: {  	v6 =	vld [tilespmem:$0x1D0]  }
0x9e: {  	v2 =	vshll.u32 v2, $0x1  }
0x9f: {  	v3 =	vshll.u32 v3, $0x1;
	v2 =	vor.u32 v0, v2  }
0xa0: {  	[tilespmem:$0x190] =	vst v2;
	v2 =	vor.u32 v0, v3;
	v3 =	vshll.u32 v4, $0x1  }
0xa1: {  	[tilespmem:$0x1A0] =	vst v2;
	v2 =	vor.u32 v0, v3;
	v3 =	vshll.u32 v5, $0x1  }
0xa2: {  	[tilespmem:$0x1B0] =	vst v2;
	v2 =	vor.u32 v0, v3;
	v3 =	vshll.u32 v6, $0x1  }
0xa3: {  	[tilespmem:$0x1C0] =	vst v2;
	v2 =	vor.u32 v0, v3  }
0xa4: {  	s14 =	simm.s32 $0x190;
	[tilespmem:$0x1D0] =	vst v2  }
0xa5: {  	[tilespmem:s20], [sflag:$0x1] =	stream.indirect.gather [hbm4b:s2+s19], $0x40, s14, s19, $0xb8;
	[tilespmem:$0x1B440] =	vst v63  }
0xa6: {  	_ =	swait.ge [sflag:s22], $0x1400  }
0xa7: {  	[sflag:s22] =	ssyncset.done $0x0  }
0xa8: {  	s26 =	simm.s32 $0x4EC0;
	[sflag:s22] =	ssyncadd.s32 $0xFFFFEC00  }
0xa9: {  	[spmem:s3] =	stream.indirect.scatter.add.f32 [tilespmem:s23], [sflag:$0x8], $0x40, s26, s19, $0xb8;
	[tilespmem:$0x1B440] =	vst v63  }
0xaa: {  	_ =	swait.ge [sflag:s30], $0x1400  }
0xab: {  	[sflag:s30] =	ssyncset.done $0x0  }
0xac: {  	[sflag:s30] =	ssyncadd.s32 $0xFFFFEC00  }
0xad: {  	v2 =	vld [tilespmem:$0x1E0]  }
0xae: {  	v3 =	vld [tilespmem:$0x1F0]  }
0xaf: {  	v4 =	vld [tilespmem:$0x200]  }
0xb0: {  	v5 =	vld [tilespmem:$0x210]  }
0xb1: {  	v6 =	vld [tilespmem:$0x220]  }
0xb2: {  	v2 =	vshll.u32 v2, $0x1  }
0xb3: {  	v3 =	vshll.u32 v3, $0x1;
	v2 =	vor.u32 v0, v2  }
0xb4: {  	[tilespmem:$0x1E0] =	vst v2;
	v2 =	vor.u32 v0, v3;
	v3 =	vshll.u32 v4, $0x1  }
0xb5: {  	[tilespmem:$0x1F0] =	vst v2;
	v2 =	vor.u32 v0, v3;
	v3 =	vshll.u32 v5, $0x1  }
0xb6: {  	[tilespmem:$0x200] =	vst v2;
	v2 =	vor.u32 v0, v3;
	v3 =	vshll.u32 v6, $0x1  }
0xb7: {  	[tilespmem:$0x210] =	vst v2;
	v2 =	vor.u32 v0, v3  }
0xb8: {  	s12 =	simm.s32 $0x1E0;
	[tilespmem:$0x220] =	vst v2  }
0xb9: {  	[tilespmem:s21], [sflag:$0x2] =	stream.indirect.gather [hbm4b:s2+s19], $0x40, s12, s19, $0xb8;
	[tilespmem:$0x1B440] =	vst v63  }
0xba: {  	_ =	swait.ge [sflag:s1], $0x1400  }
0xbb: {  	[sflag:s1] =	ssyncset.done $0x0  }
0xbc: {  	s13 =	simm.s32 $0x4F10;
	[sflag:s1] =	ssyncadd.s32 $0xFFFFEC00  }
0xbd: {  	[spmem:s3] =	stream.indirect.scatter.add.f32 [tilespmem:s25], [sflag:$0x9], $0x40, s13, s19, $0xb8;
	[tilespmem:$0x1B440] =	vst v63  }
0xbe: {  	_ =	swait.ge [sflag:s5], $0x1400  }
0xbf: {  	[sflag:s5] =	ssyncset.done $0x0  }
0xc0: {  	[sflag:s5] =	ssyncadd.s32 $0xFFFFEC00  }
0xc1: {  	v2 =	vld [tilespmem:$0x230]  }
0xc2: {  	v3 =	vld [tilespmem:$0x240]  }
0xc3: {  	v4 =	vld [tilespmem:$0x250]  }
0xc4: {  	v5 =	vld [tilespmem:$0x260]  }
0xc5: {  	v6 =	vld [tilespmem:$0x270]  }
0xc6: {  	v2 =	vshll.u32 v2, $0x1  }
0xc7: {  	v3 =	vshll.u32 v3, $0x1;
	v2 =	vor.u32 v0, v2  }
0xc8: {  	[tilespmem:$0x230] =	vst v2;
	v2 =	vor.u32 v0, v3;
	v3 =	vshll.u32 v4, $0x1  }
0xc9: {  	[tilespmem:$0x240] =	vst v2;
	v2 =	vor.u32 v0, v3;
	v3 =	vshll.u32 v5, $0x1  }
0xca: {  	[tilespmem:$0x250] =	vst v2;
	v2 =	vor.u32 v0, v3;
	v3 =	vshll.u32 v6, $0x1  }
0xcb: {  	[tilespmem:$0x260] =	vst v2;
	v2 =	vor.u32 v0, v3  }
0xcc: {  	s14 =	simm.s32 $0x230;
	[tilespmem:$0x270] =	vst v2  }
0xcd: {  	[tilespmem:s23], [sflag:$0x3] =	stream.indirect.gather [hbm4b:s2+s19], $0x40, s14, s19, $0xb8;
	[tilespmem:$0x1B440] =	vst v63  }
0xce: {  	_ =	swait.ge [sflag:s6], $0x1400  }
0xcf: {  	[sflag:s6] =	ssyncset.done $0x0  }
0xd0: {  	s26 =	simm.s32 $0x4F60;
	[sflag:s6] =	ssyncadd.s32 $0xFFFFEC00  }
0xd1: {  	[spmem:s3] =	stream.indirect.scatter.add.f32 [tilespmem:s31], [sflag:$0xA], $0x40, s26, s19, $0xb8;
	[tilespmem:$0x1B440] =	vst v63  }
0xd2: {  	_ =	swait.ge [sflag:s8], $0x1400  }
0xd3: {  	[sflag:s8] =	ssyncset.done $0x0  }
0xd4: {  	[sflag:s8] =	ssyncadd.s32 $0xFFFFEC00  }
0xd5: {  	v2 =	vld [tilespmem:$0x280]  }
0xd6: {  	v3 =	vld [tilespmem:$0x290]  }
0xd7: {  	v4 =	vld [tilespmem:$0x2A0]  }
0xd8: {  	v5 =	vld [tilespmem:$0x2B0]  }
0xd9: {  	v6 =	vld [tilespmem:$0x2C0]  }
0xda: {  	v2 =	vshll.u32 v2, $0x1  }
0xdb: {  	v3 =	vshll.u32 v3, $0x1;
	v2 =	vor.u32 v0, v2  }
0xdc: {  	[tilespmem:$0x280] =	vst v2;
	v2 =	vor.u32 v0, v3;
	v3 =	vshll.u32 v4, $0x1  }
0xdd: {  	[tilespmem:$0x290] =	vst v2;
	v2 =	vor.u32 v0, v3;
	v3 =	vshll.u32 v5, $0x1  }
0xde: {  	[tilespmem:$0x2A0] =	vst v2;
	v2 =	vor.u32 v0, v3;
	v3 =	vshll.u32 v6, $0x1  }
0xdf: {  	[tilespmem:$0x2B0] =	vst v2;
	v2 =	vor.u32 v0, v3  }
0xe0: {  	s12 =	simm.s32 $0x280;
	[tilespmem:$0x2C0] =	vst v2  }
0xe1: {  	[tilespmem:s25], [sflag:$0x4] =	stream.indirect.gather [hbm4b:s2+s19], $0x40, s12, s19, $0xb8;
	[tilespmem:$0x1B440] =	vst v63  }
0xe2: {  	_ =	swait.ge [sflag:s29], $0x1400  }
0xe3: {  	[sflag:s29] =	ssyncset.done $0x0  }
0xe4: {  	s13 =	simm.s32 $0x4FB0;
	[sflag:s29] =	ssyncadd.s32 $0xFFFFEC00  }
0xe5: {  	[spmem:s3] =	stream.indirect.scatter.add.f32 [tilespmem:s20], [sflag:$0x6], $0x40, s13, s19, $0xb8;
	[tilespmem:$0x1B440] =	vst v63  }
0xe6: {  	_ =	swait.ge [sflag:s9], $0x1400  }
0xe7: {  	[sflag:s9] =	ssyncset.done $0x0  }
0xe8: {  	s11 =	simm.s32 $0x0;
	[sflag:s9] =	ssyncadd.s32 $0xFFFFEC00  }
0xe9: {  	v2 =	vld [tilespmem:s11+$0x310]  }
0xea: {  	v3 =	vld [tilespmem:s11+$0x2F0]  }
0xeb: {  	v4 =	vld [tilespmem:s11+$0x2D0]  }
0xec: {  	v5 =	vld [tilespmem:s11+$0x2E0]  }
0xed: {  	v6 =	vld [tilespmem:s11+$0x300]  }
0xee: {  	v2 =	vshll.u32 v2, $0x1  }
0xef: {  	v3 =	vshll.u32 v3, $0x1;
	v2 =	vor.u32 v0, v2  }
0xf0: {  	v4 =	vshll.u32 v4, $0x1;
	v3 =	vor.u32 v0, v3;
	[tilespmem:s11+$0x310] =	vst v2  }
0xf1: {  	v2 =	vor.u32 v0, v4;
	v4 =	vshll.u32 v5, $0x1;
	[tilespmem:s11+$0x2F0] =	vst v3  }
0xf2: {  	v3 =	vshll.u32 v6, $0x1;
	[tilespmem:s11+$0x2D0] =	vst v2;
	v2 =	vor.u32 v0, v4  }
0xf3: {  	v3 =	vor.u32 v0, v3;
	[tilespmem:s11+$0x2E0] =	vst v2  }
0xf4: {  	s12 =	simm.s32 $0x2D0;
	[tilespmem:s11+$0x300] =	vst v3  }
0xf5: {  	[tilespmem:s31], [sflag:$0x5] =	stream.indirect.gather [hbm4b:s2+s19], $0x40, s12, s19, $0xb8;
	[tilespmem:$0x1B440] =	vst v63  }
0xf6: {  	_ =	swait.ge [sflag:s0], $0x1400  }
0xf7: {  	[sflag:s0] =	ssyncset.done $0x0  }
0xf8: {  	s14 =	simm.s32 $0x5000;
	[sflag:s0] =	ssyncadd.s32 $0xFFFFEC00  }
0xf9: {  	[spmem:s3] =	stream.indirect.scatter.add.f32 [tilespmem:s21], [sflag:$0x7], $0x40, s14, s19, $0xb8;
	[tilespmem:$0x1B440] =	vst v63  }
0xfa: {  	_ =	swait.ge [sflag:s24], $0x1400  }
0xfb: {  	[sflag:s24] =	ssyncset.done $0x0  }
0xfc: {  	[sflag:s24] =	ssyncadd.s32 $0xFFFFEC00  }
0xfd: {  	v2 =	vld [tilespmem:s11+$0x320]  }
0xfe: {  	v3 =	vld [tilespmem:s11+$0x340]  }
0xff: {  	v4 =	vld [tilespmem:s11+$0x330]  }
0x100: {  	v5 =	vld [tilespmem:s11+$0x360]  }
0x101: {  	v6 =	vld [tilespmem:s11+$0x350]  }
0x102: {  	v2 =	vshll.u32 v2, $0x1  }
0x103: {  	v3 =	vshll.u32 v3, $0x1;
	v2 =	vor.u32 v0, v2  }
0x104: {  	v3 =	vor.u32 v0, v3;
	[tilespmem:s11+$0x320] =	vst v2;
	v2 =	vshll.u32 v4, $0x1  }
0x105: {  	[tilespmem:s11+$0x340] =	vst v3;
	v3 =	vshll.u32 v5, $0x1;
	v2 =	vor.u32 v0, v2  }
0x106: {  	[tilespmem:s11+$0x330] =	vst v2;
	v2 =	vor.u32 v0, v3;
	v3 =	vshll.u32 v6, $0x1  }
0x107: {  	[tilespmem:s11+$0x360] =	vst v2;
	v2 =	vor.u32 v0, v3  }
0x108: {  	s26 =	simm.s32 $0x320;
	[tilespmem:s11+$0x350] =	vst v2  }
0x109: {  	[tilespmem:s20], [sflag:$0x1] =	stream.indirect.gather [hbm4b:s2+s19], $0x40, s26, s19, $0xb8;
	[tilespmem:$0x1B440] =	vst v63  }
0x10a: {  	_ =	swait.ge [sflag:s22], $0x1400  }
0x10b: {  	[sflag:s22] =	ssyncset.done $0x0  }
0x10c: {  	s13 =	simm.s32 $0x5050;
	[sflag:s22] =	ssyncadd.s32 $0xFFFFEC00  }
0x10d: {  	[spmem:s3] =	stream.indirect.scatter.add.f32 [tilespmem:s23], [sflag:$0x8], $0x40, s13, s19, $0xb8;
	[tilespmem:$0x1B440] =	vst v63  }
0x10e: {  	_ =	swait.ge [sflag:s30], $0x1400  }
0x10f: {  	[sflag:s30] =	ssyncset.done $0x0  }
0x110: {  	[sflag:s30] =	ssyncadd.s32 $0xFFFFEC00  }
0x111: {  	v2 =	vld [tilespmem:s11+$0x3B0]  }
0x112: {  	v3 =	vld [tilespmem:s11+$0x3A0]  }
0x113: {  	v4 =	vld [tilespmem:s11+$0x380]  }
0x114: {  	v5 =	vld [tilespmem:s11+$0x390]  }
0x115: {  	v6 =	vld [tilespmem:s11+$0x370]  }
0x116: {  	v2 =	vshll.u32 v2, $0x1  }
0x117: {  	v3 =	vshll.u32 v3, $0x1;
	v2 =	vor.u32 v0, v2  }
0x118: {  	v4 =	vshll.u32 v4, $0x1;
	v3 =	vor.u32 v0, v3;
	[tilespmem:s11+$0x3B0] =	vst v2  }
0x119: {  	v2 =	vor.u32 v0, v4;
	v4 =	vshll.u32 v5, $0x1;
	[tilespmem:s11+$0x3A0] =	vst v3  }
0x11a: {  	v3 =	vshll.u32 v6, $0x1;
	[tilespmem:s11+$0x380] =	vst v2;
	v2 =	vor.u32 v0, v4  }
0x11b: {  	v3 =	vor.u32 v0, v3;
	[tilespmem:s11+$0x390] =	vst v2  }
0x11c: {  	s14 =	simm.s32 $0x370;
	[tilespmem:s11+$0x370] =	vst v3  }
0x11d: {  	[tilespmem:s21], [sflag:$0x2] =	stream.indirect.gather [hbm4b:s2+s19], $0x40, s14, s19, $0xb8;
	[tilespmem:$0x1B440] =	vst v63  }
0x11e: {  	_ =	swait.ge [sflag:s1], $0x1400  }
0x11f: {  	[sflag:s1] =	ssyncset.done $0x0  }
0x120: {  	s26 =	simm.s32 $0x50A0;
	[sflag:s1] =	ssyncadd.s32 $0xFFFFEC00  }
0x121: {  	[spmem:s3] =	stream.indirect.scatter.add.f32 [tilespmem:s25], [sflag:$0x9], $0x40, s26, s19, $0xb8;
	[tilespmem:$0x1B440] =	vst v63  }
0x122: {  	_ =	swait.ge [sflag:s5], $0x1400  }
0x123: {  	[sflag:s5] =	ssyncset.done $0x0  }
0x124: {  	[sflag:s5] =	ssyncadd.s32 $0xFFFFEC00  }
0x125: {  	v2 =	vld [tilespmem:s11+$0x3C0]  }
0x126: {  	v6 =	vld [tilespmem:s11+$0x3D0]  }
0x127: {  	v5 =	vld [tilespmem:s11+$0x3E0]  }
0x128: {  	v3 =	vld [tilespmem:s11+$0x3F0]  }
0x129: {  	s12 =	simm.s32 $0x640;
	v4 =	vld [tilespmem:s11+$0x400]  }
.LBB2_4:
0x12a: {  	p1 =	sne.s32 s12, $0x125C0;
	s13 =	smov.u32 s12;
	s12 =	sadd.s32 $0x640, s12  }
0x12b: {  	v6 =	vshll.u32 v6, $0x1  }
0x12c: {  	v6 =	vor.u32 v0, v6;
	v5 =	vshll.u32 v5, $0x1  }
0x12d: {  	v2 =	vshll.u32 v2, $0x1;
	[tilespmem:s11+$0x3D0] =	vst v6;
	v5 =	vor.u32 v0, v5;
	v3 =	vshll.u32 v3, $0x1  }
0x12e: {  	v2 =	vor.u32 v0, v2;
	[tilespmem:s11+$0x3E0] =	vst v5;
	v3 =	vor.u32 v0, v3;
	v4 =	vshll.u32 v4, $0x1  }
0x12f: {  	[tilespmem:s11+$0x3C0] =	vst v2;
	v2 =	vor.u32 v0, v4  }
0x130: {  	[tilespmem:s11+$0x400] =	vst v2  }
0x131: {  	s14 =	sadd.s32 $0x3C0, s11;
	[tilespmem:s11+$0x3F0] =	vst v3  }
0x132: {  	[tilespmem:s23], [sflag:$0x3] =	stream.indirect.gather [hbm4b:s2+s19], $0x40, s14, s19, $0xb8;
	[tilespmem:$0x1B440] =	vst v63  }
0x133: {  	_ =	swait.ge [sflag:s6], $0x1400  }
0x134: {  	[sflag:s6] =	ssyncset.done $0x0  }
0x135: {  	s14 =	sadd.s32 $0x50F0, s11;
	[sflag:s6] =	ssyncadd.s32 $0xFFFFEC00  }
0x136: {  	[spmem:s3] =	stream.indirect.scatter.add.f32 [tilespmem:s31], [sflag:$0xA], $0x40, s14, s19, $0xb8;
	[tilespmem:$0x1B440] =	vst v63  }
0x137: {  	_ =	swait.ge [sflag:s8], $0x1400  }
0x138: {  	[sflag:s8] =	ssyncset.done $0x0  }
0x139: {  	[sflag:s8] =	ssyncadd.s32 $0xFFFFEC00  }
0x13a: {  	v2 =	vld [tilespmem:s11+$0x410]  }
0x13b: {  	v3 =	vld [tilespmem:s11+$0x420]  }
0x13c: {  	v4 =	vld [tilespmem:s11+$0x430]  }
0x13d: {  	v5 =	vld [tilespmem:s11+$0x440]  }
0x13e: {  	v6 =	vld [tilespmem:s11+$0x450]  }
0x13f: {  	v2 =	vshll.u32 v2, $0x1  }
0x140: {  	v2 =	vor.u32 v0, v2;
	v3 =	vshll.u32 v3, $0x1  }
0x141: {  	[tilespmem:s11+$0x410] =	vst v2;
	v2 =	vor.u32 v0, v3;
	v3 =	vshll.u32 v4, $0x1  }
0x142: {  	[tilespmem:s11+$0x420] =	vst v2;
	v2 =	vor.u32 v0, v3;
	v3 =	vshll.u32 v5, $0x1  }
0x143: {  	[tilespmem:s11+$0x430] =	vst v2;
	v2 =	vor.u32 v0, v3;
	v3 =	vshll.u32 v6, $0x1  }
0x144: {  	s14 =	sadd.s32 $0x410, s11;
	[tilespmem:s11+$0x440] =	vst v2;
	v2 =	vor.u32 v0, v3  }
0x145: {  	[tilespmem:s11+$0x450] =	vst v2  }
0x146: {  	[tilespmem:s25], [sflag:$0x4] =	stream.indirect.gather [hbm4b:s2+s19], $0x40, s14, s19, $0xb8;
	[tilespmem:$0x1B440] =	vst v63  }
0x147: {  	_ = 	snop  }
0x148: {  	_ =	swait.ge [sflag:s29], $0x1400  }
0x149: {  	s11 =	sshra.s32 s13, $0x2;
	[sflag:s29] =	ssyncset.done $0x0  }
0x14a: {  	s13 =	sadd.s32 $0x4FB0, s11;
	[sflag:s29] =	ssyncadd.s32 $0xFFFFEC00  }
0x14b: {  	[spmem:s3] =	stream.indirect.scatter.add.f32 [tilespmem:s20], [sflag:$0x6], $0x40, s13, s19, $0xb8;
	[tilespmem:$0x1B440] =	vst v63  }
0x14c: {  	_ =	swait.ge [sflag:s9], $0x1400  }
0x14d: {  	[sflag:s9] =	ssyncset.done $0x0  }
0x14e: {  	[sflag:s9] =	ssyncadd.s32 $0xFFFFEC00  }
0x14f: {  	v2 =	vld [tilespmem:s11+$0x310]  }
0x150: {  	v3 =	vld [tilespmem:s11+$0x300]  }
0x151: {  	v4 =	vld [tilespmem:s11+$0x2F0]  }
0x152: {  	v5 =	vld [tilespmem:s11+$0x2D0]  }
0x153: {  	v6 =	vld [tilespmem:s11+$0x2E0];
	_ =	sdelay $0x1  }
0x154: {  	v2 =	vshll.u32 v2, $0x1;
	v3 =	vshll.u32 v3, $0x1  }
0x155: {  	v2 =	vor.u32 v0, v2;
	v4 =	vshll.u32 v4, $0x1;
	v3 =	vor.u32 v0, v3  }
0x156: {  	v5 =	vshll.u32 v5, $0x1;
	v4 =	vor.u32 v0, v4;
	[tilespmem:s11+$0x310] =	vst v2  }
0x157: {  	v2 =	vor.u32 v0, v5;
	v5 =	vshll.u32 v6, $0x1;
	[tilespmem:s11+$0x2F0] =	vst v4  }
0x158: {  	[tilespmem:s11+$0x2D0] =	vst v2;
	v2 =	vor.u32 v0, v5  }
0x159: {  	[tilespmem:s11+$0x2E0] =	vst v2  }
0x15a: {  	s13 =	sadd.s32 $0x2D0, s11;
	[tilespmem:s11+$0x300] =	vst v3  }
0x15b: {  	[tilespmem:s31], [sflag:$0x5] =	stream.indirect.gather [hbm4b:s2+s19], $0x40, s13, s19, $0xb8;
	[tilespmem:$0x1B440] =	vst v63  }
0x15c: {  	_ =	swait.ge [sflag:s0], $0x1400  }
0x15d: {  	[sflag:s0] =	ssyncset.done $0x0  }
0x15e: {  	s13 =	sadd.s32 $0x5000, s11;
	[sflag:s0] =	ssyncadd.s32 $0xFFFFEC00  }
0x15f: {  	[spmem:s3] =	stream.indirect.scatter.add.f32 [tilespmem:s21], [sflag:$0x7], $0x40, s13, s19, $0xb8;
	[tilespmem:$0x1B440] =	vst v63  }
0x160: {  	_ =	swait.ge [sflag:s24], $0x1400  }
0x161: {  	[sflag:s24] =	ssyncset.done $0x0  }
0x162: {  	[sflag:s24] =	ssyncadd.s32 $0xFFFFEC00  }
0x163: {  	v2 =	vld [tilespmem:s11+$0x320]  }
0x164: {  	v3 =	vld [tilespmem:s11+$0x340]  }
0x165: {  	v4 =	vld [tilespmem:s11+$0x330]  }
0x166: {  	v5 =	vld [tilespmem:s11+$0x360];
	_ =	sdelay $0x1  }
0x167: {  	v2 =	vshll.u32 v2, $0x1;
	v6 =	vld [tilespmem:s11+$0x350]  }
0x168: {  	v2 =	vor.u32 v0, v2;
	v3 =	vshll.u32 v3, $0x1  }
0x169: {  	[tilespmem:s11+$0x320] =	vst v2;
	v2 =	vshll.u32 v4, $0x1;
	v3 =	vor.u32 v0, v3  }
0x16a: {  	v2 =	vor.u32 v0, v2;
	[tilespmem:s11+$0x340] =	vst v3;
	v3 =	vshll.u32 v5, $0x1  }
0x16b: {  	[tilespmem:s11+$0x330] =	vst v2;
	v2 =	vor.u32 v0, v3  }
0x16c: {  	v3 =	vshll.u32 v6, $0x1;
	[tilespmem:s11+$0x360] =	vst v2  }
0x16d: {  	v2 =	vor.u32 v0, v3  }
0x16e: {  	s13 =	sadd.s32 $0x320, s11;
	[tilespmem:s11+$0x350] =	vst v2  }
0x16f: {  	[tilespmem:s20], [sflag:$0x1] =	stream.indirect.gather [hbm4b:s2+s19], $0x40, s13, s19, $0xb8;
	[tilespmem:$0x1B440] =	vst v63  }
0x170: {  	_ =	swait.ge [sflag:s22], $0x1400  }
0x171: {  	[sflag:s22] =	ssyncset.done $0x0  }
0x172: {  	s13 =	sadd.s32 $0x5050, s11;
	[sflag:s22] =	ssyncadd.s32 $0xFFFFEC00  }
0x173: {  	[spmem:s3] =	stream.indirect.scatter.add.f32 [tilespmem:s23], [sflag:$0x8], $0x40, s13, s19, $0xb8;
	[tilespmem:$0x1B440] =	vst v63  }
0x174: {  	_ =	swait.ge [sflag:s30], $0x1400  }
0x175: {  	[sflag:s30] =	ssyncset.done $0x0  }
0x176: {  	[sflag:s30] =	ssyncadd.s32 $0xFFFFEC00  }
0x177: {  	v2 =	vld [tilespmem:s11+$0x3B0]  }
0x178: {  	v3 =	vld [tilespmem:s11+$0x3A0]  }
0x179: {  	v4 =	vld [tilespmem:s11+$0x380]  }
0x17a: {  	v5 =	vld [tilespmem:s11+$0x390]  }
0x17b: {  	v6 =	vld [tilespmem:s11+$0x370]  }
0x17c: {  	v2 =	vshll.u32 v2, $0x1  }
0x17d: {  	v3 =	vshll.u32 v3, $0x1;
	v2 =	vor.u32 v0, v2  }
0x17e: {  	v4 =	vshll.u32 v4, $0x1;
	v3 =	vor.u32 v0, v3;
	[tilespmem:s11+$0x3B0] =	vst v2  }
0x17f: {  	v2 =	vor.u32 v0, v4;
	v4 =	vshll.u32 v5, $0x1;
	[tilespmem:s11+$0x3A0] =	vst v3  }
0x180: {  	v3 =	vshll.u32 v6, $0x1;
	[tilespmem:s11+$0x380] =	vst v2;
	v2 =	vor.u32 v0, v4  }
0x181: {  	v3 =	vor.u32 v0, v3;
	[tilespmem:s11+$0x390] =	vst v2  }
0x182: {  	s13 =	sadd.s32 $0x370, s11;
	[tilespmem:s11+$0x370] =	vst v3  }
0x183: {  	[tilespmem:s21], [sflag:$0x2] =	stream.indirect.gather [hbm4b:s2+s19], $0x40, s13, s19, $0xb8;
	[tilespmem:$0x1B440] =	vst v63  }
0x184: {  	_ =	swait.ge [sflag:s1], $0x1400  }
0x185: {  	[sflag:s1] =	ssyncset.done $0x0  }
0x186: {  	s13 =	sadd.s32 $0x50A0, s11;
	[sflag:s1] =	ssyncadd.s32 $0xFFFFEC00  }
0x187: {  	[spmem:s3] =	stream.indirect.scatter.add.f32 [tilespmem:s25], [sflag:$0x9], $0x40, s13, s19, $0xb8;
	[tilespmem:$0x1B440] =	vst v63  }
0x188: {  	_ =	swait.ge [sflag:s5], $0x1400  }
0x189: {  	[sflag:s5] =	ssyncset.done $0x0  }
0x18a: {  	[sflag:s5] =	ssyncadd.s32 $0xFFFFEC00  }
.Ltmp1:
0x18b: {  	v2 =	vld [tilespmem:s11+$0x3C0];
	(pc) =	sbr.rel @p1 .LBB2_4-.Ltmp1, $4  }
0x18c: {  	v6 =	vld [tilespmem:s11+$0x3D0]  }
0x18d: {  	v5 =	vld [tilespmem:s11+$0x3E0]  }
0x18e: {  	v3 =	vld [tilespmem:s11+$0x3F0]  }
0x18f: {  	v4 =	vld [tilespmem:s11+$0x400]  }
0x190: {  	v2 =	vshll.u32 v2, $0x1  }
0x191: {  	v6 =	vshll.u32 v6, $0x1;
	v2 =	vor.u32 v0, v2  }
0x192: {  	v6 =	vor.u32 v0, v6;
	v5 =	vshll.u32 v5, $0x1;
	[tilespmem:s11+$0x3C0] =	vst v2  }
0x193: {  	[tilespmem:s11+$0x3D0] =	vst v6;
	v5 =	vor.u32 v0, v5;
	v3 =	vshll.u32 v3, $0x1  }
0x194: {  	[tilespmem:s11+$0x3E0] =	vst v5;
	v4 =	vshll.u32 v4, $0x1;
	v3 =	vor.u32 v0, v3  }
0x195: {  	v2 =	vor.u32 v0, v4;
	[tilespmem:s11+$0x3F0] =	vst v3  }
0x196: {  	s12 =	sadd.s32 $0x3C0, s11;
	[tilespmem:s11+$0x400] =	vst v2  }
0x197: {  	[tilespmem:s23], [sflag:$0x3] =	stream.indirect.gather [hbm4b:s2+s19], $0x40, s12, s19, $0xb8;
	[tilespmem:$0x1B440] =	vst v63  }
0x198: {  	_ =	swait.ge [sflag:s6], $0x1400  }
0x199: {  	[sflag:s6] =	ssyncset.done $0x0  }
0x19a: {  	s26 =	sadd.s32 $0x50F0, s11;
	[sflag:s6] =	ssyncadd.s32 $0xFFFFEC00  }
0x19b: {  	[spmem:s3] =	stream.indirect.scatter.add.f32 [tilespmem:s31], [sflag:$0xA], $0x40, s26, s19, $0xb8;
	[tilespmem:$0x1B440] =	vst v63  }
0x19c: {  	_ =	swait.ge [sflag:s8], $0x1400  }
0x19d: {  	[sflag:s8] =	ssyncset.done $0x0  }
0x19e: {  	[sflag:s8] =	ssyncadd.s32 $0xFFFFEC00  }
0x19f: {  	v2 =	vld [tilespmem:s11+$0x410]  }
0x1a0: {  	v3 =	vld [tilespmem:s11+$0x420]  }
0x1a1: {  	v58 =	vld [tilespmem:s11+$0x430]  }
0x1a2: {  	v59 =	vld [tilespmem:s11+$0x440]  }
0x1a3: {  	v60 =	vld [tilespmem:s11+$0x450]  }
0x1a4: {  	v2 =	vshll.u32 v2, $0x1  }
0x1a5: {  	v3 =	vshll.u32 v3, $0x1;
	v2 =	vor.u32 v0, v2  }
0x1a6: {  	[tilespmem:s11+$0x410] =	vst v2;
	v2 =	vor.u32 v0, v3;
	v3 =	vshll.u32 v58, $0x1  }
0x1a7: {  	[tilespmem:s11+$0x420] =	vst v2;
	v2 =	vor.u32 v0, v3;
	v3 =	vshll.u32 v59, $0x1  }
0x1a8: {  	[tilespmem:s11+$0x430] =	vst v2;
	v2 =	vor.u32 v0, v3;
	v3 =	vshll.u32 v60, $0x1  }
0x1a9: {  	[tilespmem:s11+$0x440] =	vst v2;
	v2 =	vor.u32 v0, v3  }
0x1aa: {  	s13 =	sadd.s32 $0x410, s11;
	[tilespmem:s11+$0x450] =	vst v2  }
0x1ab: {  	[tilespmem:s25], [sflag:$0x4] =	stream.indirect.gather [hbm4b:s2+s19], $0x40, s13, s19, $0xb8;
	[tilespmem:$0x1B440] =	vst v63  }
0x1ac: {  	_ =	swait.ge [sflag:s29], $0x1400  }
0x1ad: {  	[sflag:s29] =	ssyncset.done $0x0  }
0x1ae: {  	s14 =	simm.s32 $0x9AB0;
	[sflag:s29] =	ssyncadd.s32 $0xFFFFEC00  }
0x1af: {  	[spmem:s3] =	stream.indirect.scatter.add.f32 [tilespmem:s20], [sflag:$0x6], $0x40, s14, s19, $0xb8;
	[tilespmem:$0x1B440] =	vst v63  }
0x1b0: {  	_ =	swait.ge [sflag:s9], $0x1400  }
0x1b1: {  	[sflag:s9] =	ssyncset.done $0x0  }
0x1b2: {  	[sflag:s9] =	ssyncadd.s32 $0xFFFFEC00  }
0x1b3: {  	v2 =	vld [tilespmem:$0x4DD0]  }
0x1b4: {  	v3 =	vld [tilespmem:$0x4DE0]  }
0x1b5: {  	v61 =	vld [tilespmem:$0x4DF0]  }
0x1b6: {  	v62 =	vld [tilespmem:$0x4E00]  }
0x1b7: {  	v63 =	vld [tilespmem:$0x4E10]  }
0x1b8: {  	v2 =	vshll.u32 v2, $0x1  }
0x1b9: {  	v3 =	vshll.u32 v3, $0x1;
	v2 =	vor.u32 v0, v2  }
0x1ba: {  	[tilespmem:$0x4DD0] =	vst v2;
	v2 =	vor.u32 v0, v3;
	v3 =	vshll.u32 v61, $0x1  }
0x1bb: {  	[tilespmem:$0x4DE0] =	vst v2;
	v2 =	vor.u32 v0, v3;
	v3 =	vshll.u32 v62, $0x1  }
0x1bc: {  	[tilespmem:$0x4DF0] =	vst v2;
	v2 =	vor.u32 v0, v3;
	v3 =	vshll.u32 v63, $0x1  }
0x1bd: {  	[tilespmem:$0x4E00] =	vst v2;
	v2 =	vor.u32 v0, v3  }
0x1be: {  	s26 =	simm.s32 $0x4DD0;
	[tilespmem:$0x4E10] =	vst v2  }
0x1bf: {  	[tilespmem:s31], [sflag:$0x5] =	stream.indirect.gather [hbm4b:s2+s19], $0x40, s26, s19, $0xb8;
	[tilespmem:$0x1B440] =	vst v63  }
0x1c0: {  	_ =	swait.ge [sflag:s0], $0x1400  }
0x1c1: {  	[sflag:s0] =	ssyncset.done $0x0  }
0x1c2: {  	s12 =	simm.s32 $0x9B00;
	[sflag:s0] =	ssyncadd.s32 $0xFFFFEC00  }
0x1c3: {  	[spmem:s3] =	stream.indirect.scatter.add.f32 [tilespmem:s21], [sflag:$0x7], $0x40, s12, s19, $0xb8;
	[tilespmem:$0x1B440] =	vst v63  }
0x1c4: {  	_ =	swait.ge [sflag:s22], $0x1400  }
0x1c5: {  	[sflag:s22] =	ssyncset.done $0x0  }
0x1c6: {  	s13 =	simm.s32 $0x9B50;
	[sflag:s22] =	ssyncadd.s32 $0xFFFFEC00  }
0x1c7: {  	[spmem:s3] =	stream.indirect.scatter.add.f32 [tilespmem:s23], [sflag:$0x8], $0x40, s13, s19, $0xb8;
	[tilespmem:$0x1B440] =	vst v63  }
0x1c8: {  	_ =	swait.ge [sflag:s1], $0x1400  }
0x1c9: {  	[sflag:s1] =	ssyncset.done $0x0  }
0x1ca: {  	s14 =	simm.s32 $0x9BA0;
	[sflag:s1] =	ssyncadd.s32 $0xFFFFEC00  }
0x1cb: {  	[spmem:s3] =	stream.indirect.scatter.add.f32 [tilespmem:s25], [sflag:$0x9], $0x40, s14, s19, $0xb8;
	[tilespmem:$0x1B440] =	vst v63  }
0x1cc: {  	_ =	swait.ge [sflag:s6], $0x1400  }
0x1cd: {  	[sflag:s6] =	ssyncset.done $0x0  }
0x1ce: {  	s26 =	simm.s32 $0x9BF0;
	[sflag:s6] =	ssyncadd.s32 $0xFFFFEC00  }
0x1cf: {  	[spmem:s3] =	stream.indirect.scatter.add.f32 [tilespmem:s31], [sflag:$0xA], $0x40, s26, s19, $0xb8;
	[tilespmem:$0x1B440] =	vst v63  }
0x1d0: {  	_ =	swait.ge [sflag:s24], $0x1400  }
0x1d1: {  	[sflag:s24] =	ssyncset.done $0x0  }
0x1d2: {  	[sflag:s24] =	ssyncadd.s32 $0xFFFFEC00  }
0x1d3: {  	_ =	swait.ge [sflag:s30], $0x1400  }
0x1d4: {  	[sflag:s30] =	ssyncset.done $0x0  }
0x1d5: {  	[sflag:s30] =	ssyncadd.s32 $0xFFFFEC00  }
0x1d6: {  	_ =	swait.ge [sflag:s5], $0x1400  }
0x1d7: {  	[sflag:s5] =	ssyncset.done $0x0  }
0x1d8: {  	[sflag:s5] =	ssyncadd.s32 $0xFFFFEC00  }
0x1d9: {  	_ =	swait.ge [sflag:s8], $0x1400  }
0x1da: {  	[sflag:s8] =	ssyncset.done $0x0  }
0x1db: {  	[sflag:s8] =	ssyncadd.s32 $0xFFFFEC00  }
0x1dc: {  	_ =	swait.ge [sflag:s9], $0x1400  }
0x1dd: {  	s10 =	sadd.s32 $0x1, s10;
	s11 =	sshrl.u32 @p0 s7, $0x3;
	[sflag:s9] =	ssyncset.done $0x0  }
0x1de: {  	s12 =	simm.s32 @p0 $0x1;
	s13 =	simm.s32 @p0 $0x10;
	[sflag:s9] =	ssyncadd.s32 $0xFFFFEC00  }
0x1df: {  	s14 =	simm.s32 @p0 $0x8;
	s26 =	simm.s32 @p0 $0x1FCB;
	[bflag:$0x0] =	sbarrier.arrive $0xFFFF  }
0x1e0: {  	[hbm:s16@s13], [sflag:s26] =	dma.strided @p0 [spmem:s11@s14], $0xC80, s12, $0x8   }
0x1e1: {  	p1 =	sne.s32 s10, s17;
	s11 =	simm.s32 @p0 $0xB;
	s12 =	stileid.u32  }
0x1e2: {  	s13 =	simm.s32 @!p0 $0x1;
	s14 =	simm.s32 @!p0 $0x10;
	_ =	swait.ge @p0 [sflag:s11], $0xC80  }
0x1e3: {  	s26 =	simm.s32 @!p0 $0x8;
	s12 =	sshll.u32 @!p0 s12, $0x6;
	[sflag:s11] =	ssyncset.done @p0 $0x0  }
0x1e4: {  	[sflag:s11] =	ssyncadd.s32 @p0 $0xFFFFF380;
	s11 =	sor.u32 @!p0 $0x1C0B, s12;
	s12 =	sshrl.u32 @!p0 s7, $0x3  }
0x1e5: {  	[hbm:s15@s14], [sflag:s11] =	dma.strided @!p0 [spmem:s12@s26], $0x1400, s13, $0x8   }
.Ltmp2:
0x1e6: {  	_ = 	snop;
	(pc) =	sbr.rel @p1 .LBB2_1-.Ltmp2, $4  }
0x1e7: {  	s11 =	simm.s32 @!p0 $0xB  }
0x1e8: {  	_ =	swait.ge @!p0 [sflag:s11], $0x1400  }
0x1e9: {  	[sflag:s11] =	ssyncset.done @!p0 $0x0  }
0x1ea: {  	s26 =	simm.s32 $0x4E20;
	[sflag:s11] =	ssyncadd.s32 @!p0 $0xFFFFEC00  }
0x1eb: {  	_ =	sfence.sel $0x180000  }
0x1ec: {  	[bflag:$0x0] =	sbarrier.arrive $0xFFFF  }
0x1ed: {  	_ =	strace $0x90000047  }
0x1ee: {  	s0 =	stileid.u32;
	[bflag:$0x2] =	sbarrier.arrive $0xFFFF  }
0x1ef: {  	p0 =	sne.s32 s0, $0x0;
	s0 =	rddreg [dreg:$0x4]  }
0x1f0: {  	s0 =	sadd.s32 @!p0 $0x100000, s0  }
0x1f1: {  	[sflag:s0] =	ssyncadd.tile.s32 @!p0 $0x1;
	_ =	shalt  }
.Lfunc_end2:
_tile_overlayer_lowered:
.L_overlay_start_2:
0x1f2: {  	(tag) =	ssettag $0x2  }
0x1f3: {  	s0 =	rddreg [dreg:$0x0];
	s2 =	stileid.u32  }
0x1f4: {  	s1 =	rddreg [dreg:$0x1];
	p0 =	sne.s32 s2, $0x0  }
0x1f5: {  	s3 =	rddreg [dreg:$0x2];
	[bflag:$0x3] =	sbarrier.arrive $0xFFFF;
	s2 =	simm.s32 @!p0 $0x1C0B  }
0x1f6: {  	[timem:s3], [sflag:s2] =	dma.local @!p0 [hbm:s0], s1  }
0x1f7: {  	s0 =	simm.s32 @!p0 $0xB  }
0x1f8: {  	_ =	swait.ge @!p0 [sflag:s0], s1  }
0x1f9: {  	s1 =	ssub.s32 @!p0 $0x0, s1;
	[sflag:s0] =	ssyncset.done @!p0 $0x0  }
0x1fa: {  	[sflag:s0] =	ssyncadd.s32 @!p0 s1  }
0x1fb: {  	[bflag:$0x3] =	sbarrier.arrive $0xFFFF  }
0x1fc: {  	_ =	shalt  }

</sc_bundles>
